<compile_context>
chip_gen: v7x
topology: tpu7x:2x2x1
jax: 0.10.2.dev20260603
libtpu: 0.0.44.dev20260713+nightly
codegen_flags: <defaults>
</compile_context>

<pallas_src>
import dataclasses
import functools

import jax
import jax.numpy as jnp
from jax import lax
from jax.experimental import pallas as pl
from jax.experimental.pallas import tpu as pltpu
from jax.experimental.pallas import tpu_sc as plsc

N = 10000
E = 320000
D = 128
G = 64
ROWS = 1000
C = 80
NSUB = 16
FLUSH = 80
NFLUSH = N // FLUSH
MAXF = (NFLUSH + NSUB - 1) // NSUB
HP = jax.lax.Precision.HIGHEST


def _stage_a_body(xx, xc, xb, wqv1, bqv1, wc, bc, wb, bb,
                  qv1, k1, skip1, qv2, k2, skip2):
    y1 = jnp.dot(xx[...], wqv1[...], precision=HP,
                 preferred_element_type=jnp.float32) + bqv1[...]
    qv1[...] = y1
    yc = jnp.dot(xc[...], wc[...], precision=HP,
                 preferred_element_type=jnp.float32) + bc[...]
    k1[...] = yc[:, 0:D]
    skip1[...] = yc[:, D:2 * D]
    qv2[...] = yc[:, 2 * D:4 * D]
    yb = jnp.dot(xb[...], wb[...], precision=HP,
                 preferred_element_type=jnp.float32) + bb[...]
    k2[...] = yb[:, 0:D]
    skip2[...] = yb[:, D:2 * D]


def _stage_a(xx, xc, xb, wqv1, bqv1, wc, bc, wb, bb):
    nblk = N // ROWS
    row_spec = pl.BlockSpec((ROWS, D), lambda i: (i, 0))
    qv_spec = pl.BlockSpec((ROWS, 2 * D), lambda i: (i, 0))
    return pl.pallas_call(
        _stage_a_body,
        grid=(nblk,),
        in_specs=[
            row_spec, row_spec, row_spec,
            pl.BlockSpec((D, 2 * D), lambda i: (0, 0)),
            pl.BlockSpec((1, 2 * D), lambda i: (0, 0)),
            pl.BlockSpec((D, 4 * D), lambda i: (0, 0)),
            pl.BlockSpec((1, 4 * D), lambda i: (0, 0)),
            pl.BlockSpec((D, 2 * D), lambda i: (0, 0)),
            pl.BlockSpec((1, 2 * D), lambda i: (0, 0)),
        ],
        out_specs=[qv_spec, row_spec, row_spec, qv_spec, row_spec, row_spec],
        out_shape=[
            jax.ShapeDtypeStruct((N, 2 * D), jnp.float32),
            jax.ShapeDtypeStruct((N, D), jnp.float32),
            jax.ShapeDtypeStruct((N, D), jnp.float32),
            jax.ShapeDtypeStruct((N, 2 * D), jnp.float32),
            jax.ShapeDtypeStruct((N, D), jnp.float32),
            jax.ShapeDtypeStruct((N, D), jnp.float32),
        ],
    )(xx, xc, xb, wqv1, bqv1, wc, bc, wb, bb)


def _zero_zbuf(zbuf):
    zeros16 = jnp.zeros((16,), jnp.float32)

    @pl.loop(0, FLUSH)
    def _(i):
        for j in range(D // 16):
            zbuf[i, pl.ds(j * 16, 16)] = zeros16


def _zero_acc(acc, zbuf, tile):
    @pl.loop(0, MAXF)
    def _(i):
        c = tile + NSUB * i

        @pl.when(c < NFLUSH)
        def _():
            pltpu.sync_copy(zbuf, acc.at[pl.ds(c * FLUSH, FLUSH)])


def _flush_acc(acc, zbuf, tile, out_ref):
    @pl.loop(0, MAXF)
    def _(i):
        c = tile + NSUB * i

        @pl.when(c < NFLUSH)
        def _():
            pltpu.sync_copy(acc.at[pl.ds(c * FLUSH, FLUSH)], zbuf)
            pltpu.sync_copy(zbuf, out_ref.at[pl.ds(c * FLUSH, FLUSH)])


def _conv_edges(qv_hbm, k_hbm, src_hbm, dst_hbm, ea_hbm, we_hbm,
                edges_per_tile, tile,
                sidx, didx, eab, wev, qvr, krows, msg, acc):
    pltpu.sync_copy(we_hbm, wev)
    base = tile * edges_per_tile
    nchunks = edges_per_tile // C

    @pl.loop(0, nchunks)
    def _(i):
        off = base + i * C
        pltpu.sync_copy(src_hbm.at[pl.ds(off, C)], sidx)
        pltpu.sync_copy(dst_hbm.at[pl.ds(off, C)], didx)
        pltpu.sync_copy(ea_hbm.at[pl.ds(off, C)], eab)
        pltpu.sync_copy(qv_hbm.at[sidx], qvr)
        pltpu.sync_copy(k_hbm.at[didx], krows)

        @pl.loop(0, C)
        def _(e):
            ea_vec = plsc.load_gather(eab, [jnp.full((16,), e, jnp.int32)])
            for j in range(D // 16):
                s = pl.ds(j * 16, 16)
                t = krows[e, s] + qvr[e, s] + ea_vec * wev[s]
                gate = 1.0 / (1.0 + jnp.exp(-t))
                msg[e, s] = gate * qvr[e, pl.ds(D + j * 16, 16)]

        pltpu.sync_copy(msg, acc.at[didx], add=True)


_SC_SCRATCH = [
    pltpu.VMEM((C,), jnp.int32),
    pltpu.VMEM((C,), jnp.int32),
    pltpu.VMEM((C,), jnp.float32),
    pltpu.VMEM((D,), jnp.float32),
    pltpu.VMEM((C, 2 * D), jnp.float32),
    pltpu.VMEM((C, D), jnp.float32),
    pltpu.VMEM((C, D), jnp.float32),
    pltpu.VMEM_SHARED((N, D), jnp.float32),
]

_MESH = plsc.VectorSubcoreMesh(core_axis_name="c", subcore_axis_name="s")

_CP = pltpu.CompilerParams()
if "needs_layout_passes" in pltpu.CompilerParams.__dataclass_fields__:
    _CP = dataclasses.replace(_CP, needs_layout_passes=False)


def _stage_b(qv1, k1, src1, dst1, ea1, we1, qv2, k2, src2, dst2, ea2, we2):
    out_t = [jax.ShapeDtypeStruct((N, D), jnp.float32),
             jax.ShapeDtypeStruct((N, D), jnp.float32)]

    @functools.partial(pl.kernel, out_type=out_t, mesh=_MESH,
                       scratch_types=_SC_SCRATCH, compiler_params=_CP)
    def k(qv1_h, k1_h, s1_h, d1_h, e1_h, w1_h,
          qv2_h, k2_h, s2_h, d2_h, e2_h, w2_h,
          agg1_h, agg2_h,
          sidx, didx, eab, wev, qvr, krows, msg, acc):
        core = lax.axis_index("c")
        tile = lax.axis_index("s")
        _zero_zbuf(msg)
        _zero_acc(acc, msg, tile)
        plsc.subcore_barrier()

        @pl.when(core == 0)
        def _():
            _conv_edges(qv1_h, k1_h, s1_h, d1_h, e1_h, w1_h, E // NSUB, tile,
                        sidx, didx, eab, wev, qvr, krows, msg, acc)

        @pl.when(core == 1)
        def _():
            _conv_edges(qv2_h, k2_h, s2_h, d2_h, e2_h, w2_h, E // NSUB, tile,
                        sidx, didx, eab, wev, qvr, krows, msg, acc)

        plsc.subcore_barrier()

        @pl.when(core == 0)
        def _():
            _flush_acc(acc, msg, tile, agg1_h)

        @pl.when(core == 1)
        def _():
            _flush_acc(acc, msg, tile, agg2_h)

    return k(qv1, k1, src1, dst1, ea1, we1, qv2, k2, src2, dst2, ea2, we2)


def _stage_d(qv3, k3, src, dst, ea, we):
    out_t = [jax.ShapeDtypeStruct((2, N, D), jnp.float32)]

    @functools.partial(pl.kernel, out_type=out_t, mesh=_MESH,
                       scratch_types=_SC_SCRATCH, compiler_params=_CP)
    def k(qv_h, k_h, s_h, d_h, e_h, w_h, part_h,
          sidx, didx, eab, wev, qvr, krows, msg, acc):
        core = lax.axis_index("c")
        tile = lax.axis_index("s")
        _zero_zbuf(msg)
        _zero_acc(acc, msg, tile)
        plsc.subcore_barrier()
        wid = core * NSUB + tile
        per_worker = E // (2 * NSUB)
        pltpu.sync_copy(w_h, wev)
        base = wid * per_worker
        nchunks = per_worker // C

        @pl.loop(0, nchunks)
        def _(i):
            off = base + i * C
            pltpu.sync_copy(s_h.at[pl.ds(off, C)], sidx)
            pltpu.sync_copy(d_h.at[pl.ds(off, C)], didx)
            pltpu.sync_copy(e_h.at[pl.ds(off, C)], eab)
            pltpu.sync_copy(qv_h.at[sidx], qvr)
            pltpu.sync_copy(k_h.at[didx], krows)

            @pl.loop(0, C)
            def _(e):
                ea_vec = plsc.load_gather(eab, [jnp.full((16,), e, jnp.int32)])
                for j in range(D // 16):
                    s = pl.ds(j * 16, 16)
                    t = krows[e, s] + qvr[e, s] + ea_vec * wev[s]
                    gate = 1.0 / (1.0 + jnp.exp(-t))
                    msg[e, s] = gate * qvr[e, pl.ds(D + j * 16, 16)]

            pltpu.sync_copy(msg, acc.at[didx], add=True)

        plsc.subcore_barrier()

        @pl.loop(0, MAXF)
        def _(i):
            c = tile + NSUB * i

            @pl.when(c < NFLUSH)
            def _():
                pltpu.sync_copy(acc.at[pl.ds(c * FLUSH, FLUSH)], msg)
                pltpu.sync_copy(msg, part_h.at[core, pl.ds(c * FLUSH, FLUSH)])

    return k(qv3, k3, src, dst, ea, we)[0]


def _stage_c_body(agg1, agg2, skip1, skip2, wqv3, bqv3, wks3, bks3,
                  qv3, k3, skip3):
    c1 = jnp.maximum(agg1[...] + skip1[...], 0.0)
    b1 = jnp.maximum(agg2[...] + skip2[...], 0.0)
    qv3[...] = jnp.dot(c1, wqv3[...], precision=HP,
                       preferred_element_type=jnp.float32) + bqv3[...]
    yk = jnp.dot(b1, wks3[...], precision=HP,
                 preferred_element_type=jnp.float32) + bks3[...]
    k3[...] = yk[:, 0:D]
    skip3[...] = yk[:, D:2 * D]


def _stage_c(agg1, agg2, skip1, skip2, wqv3, bqv3, wks3, bks3):
    nblk = N // ROWS
    row_spec = pl.BlockSpec((ROWS, D), lambda i: (i, 0))
    qv_spec = pl.BlockSpec((ROWS, 2 * D), lambda i: (i, 0))
    return pl.pallas_call(
        _stage_c_body,
        grid=(nblk,),
        in_specs=[
            row_spec, row_spec, row_spec, row_spec,
            pl.BlockSpec((D, 2 * D), lambda i: (0, 0)),
            pl.BlockSpec((1, 2 * D), lambda i: (0, 0)),
            pl.BlockSpec((D, 2 * D), lambda i: (0, 0)),
            pl.BlockSpec((1, 2 * D), lambda i: (0, 0)),
        ],
        out_specs=[qv_spec, row_spec, row_spec],
        out_shape=[
            jax.ShapeDtypeStruct((N, 2 * D), jnp.float32),
            jax.ShapeDtypeStruct((N, D), jnp.float32),
            jax.ShapeDtypeStruct((N, D), jnp.float32),
        ],
    )(agg1, agg2, skip1, skip2, wqv3, bqv3, wks3, bks3)


def _stage_e_body(p0, p1, skip3, batch, w1, b1, w2, b2, w3, b3, wo, bo,
                  out, sums, cnts):
    step = pl.program_id(0)
    nsteps = pl.num_programs(0)

    @pl.when(step == 0)
    def _():
        sums[...] = jnp.zeros_like(sums)
        cnts[...] = jnp.zeros_like(cnts)

    b2v = jnp.maximum(p0[...] + p1[...] + skip3[...], 0.0)
    iota = lax.broadcasted_iota(jnp.int32, (ROWS, G), 1)
    oh = (batch[...] == iota).astype(jnp.float32)
    dn = (((0,), (0,)), ((), ()))
    sums[...] += lax.dot_general(oh, b2v, dn, precision=HP,
                                 preferred_element_type=jnp.float32)
    cnts[...] += lax.dot_general(oh, jnp.ones((ROWS, D), jnp.float32), dn,
                                 precision=HP,
                                 preferred_element_type=jnp.float32)

    @pl.when(step == nsteps - 1)
    def _():
        h = sums[...] / jnp.maximum(cnts[...], 1.0)
        h = jnp.maximum(jnp.dot(h, w1[...], precision=HP,
                                preferred_element_type=jnp.float32) + b1[...], 0.0)
        h = jnp.maximum(jnp.dot(h, w2[...], precision=HP,
                                preferred_element_type=jnp.float32) + b2[...], 0.0)
        h = jnp.maximum(jnp.dot(h, w3[...], precision=HP,
                                preferred_element_type=jnp.float32) + b3[...], 0.0)
        out[...] = jnp.dot(h, wo[...], precision=HP,
                           preferred_element_type=jnp.float32) + bo[...]


def _stage_e(p0, p1, skip3, batch2d, w1, b1, w2, b2, w3, b3, wo, bo):
    nblk = N // ROWS
    row_spec = pl.BlockSpec((ROWS, D), lambda i: (i, 0))
    full = pl.BlockSpec((D, D), lambda i: (0, 0))
    vec = pl.BlockSpec((1, D), lambda i: (0, 0))
    return pl.pallas_call(
        _stage_e_body,
        grid=(nblk,),
        in_specs=[
            row_spec, row_spec, row_spec,
            pl.BlockSpec((ROWS, 1), lambda i: (i, 0)),
            full, vec, full, vec, full, vec,
            pl.BlockSpec((D, 1), lambda i: (0, 0)),
            pl.BlockSpec((1, 1), lambda i: (0, 0)),
        ],
        out_specs=[pl.BlockSpec((G, 1), lambda i: (0, 0))],
        out_shape=[jax.ShapeDtypeStruct((G, 1), jnp.float32)],
        scratch_shapes=[pltpu.VMEM((G, D), jnp.float32),
                        pltpu.VMEM((G, D), jnp.float32)],
    )(p0, p1, skip3, batch2d, w1, b1, w2, b2, w3, b3, wo, bo)[0]


def kernel(x_x, x_c, x_b, edge_index_xac, edge_index_cbb, edge_attr_xac,
           edge_attr_cbb, batch_b,
           xac1_Wk, xac1_bk, xac1_Wq, xac1_bq, xac1_Wv, xac1_bv, xac1_We,
           xac1_Wskip, xac1_bias,
           cbb1_Wk, cbb1_bk, cbb1_Wq, cbb1_bq, cbb1_Wv, cbb1_bv, cbb1_We,
           cbb1_Wskip, cbb1_bias,
           cbb2_Wk, cbb2_bk, cbb2_Wq, cbb2_bq, cbb2_Wv, cbb2_bv, cbb2_We,
           cbb2_Wskip, cbb2_bias,
           W1, b1, W2, b2, W3, b3, Wo, bo):
    f32 = jnp.float32
    wqv1 = jnp.concatenate([xac1_Wq, xac1_Wv], axis=1)
    bqv1 = jnp.concatenate([xac1_bq, xac1_bv]).reshape(1, 2 * D)
    wc = jnp.concatenate([xac1_Wk, xac1_Wskip, cbb1_Wq, cbb1_Wv], axis=1)
    bc = jnp.concatenate([xac1_bk, xac1_bias, cbb1_bq, cbb1_bv]).reshape(1, 4 * D)
    wb = jnp.concatenate([cbb1_Wk, cbb1_Wskip], axis=1)
    bb = jnp.concatenate([cbb1_bk, cbb1_bias]).reshape(1, 2 * D)
    wqv3 = jnp.concatenate([cbb2_Wq, cbb2_Wv], axis=1)
    bqv3 = jnp.concatenate([cbb2_bq, cbb2_bv]).reshape(1, 2 * D)
    wks3 = jnp.concatenate([cbb2_Wk, cbb2_Wskip], axis=1)
    bks3 = jnp.concatenate([cbb2_bk, cbb2_bias]).reshape(1, 2 * D)

    src1 = edge_index_xac[0].astype(jnp.int32)
    dst1 = edge_index_xac[1].astype(jnp.int32)
    src2 = edge_index_cbb[0].astype(jnp.int32)
    dst2 = edge_index_cbb[1].astype(jnp.int32)
    ea1 = edge_attr_xac.reshape(E).astype(f32)
    ea2 = edge_attr_cbb.reshape(E).astype(f32)
    we1 = xac1_We.reshape(D).astype(f32)
    we2 = cbb1_We.reshape(D).astype(f32)
    we3 = cbb2_We.reshape(D).astype(f32)

    qv1, k1, skip1, qv2, k2, skip2 = _stage_a(
        x_x, x_c, x_b, wqv1, bqv1, wc, bc, wb, bb)

    agg1, agg2 = _stage_b(qv1, k1, src1, dst1, ea1, we1,
                          qv2, k2, src2, dst2, ea2, we2)

    qv3, k3, skip3 = _stage_c(agg1, agg2, skip1, skip2,
                              wqv3, bqv3, wks3, bks3)

    part = _stage_d(qv3, k3, src2, dst2, ea2, we3)

    out = _stage_e(part[0], part[1], skip3, batch_b.reshape(N, 1).astype(jnp.int32),
                   W1, b1.reshape(1, D), W2, b2.reshape(1, D),
                   W3, b3.reshape(1, D), Wo, bo.reshape(1, 1))
    return out.reshape(-1)

# --- scband reference (transcript-rebuilt; emitter-appended) ---
"""Pipeline reference for scband-new-model-47029891891468 (READ-ONLY COPY).

The authoritative reference and input builder live on the scoring server;
editing this copy changes nothing except your own understanding.
"""

import jax, jax.numpy as jnp
import numpy as np

Nx = 10000
Nc = 10000
Nb = 10000
E1 = 320000
E2 = 320000
D = 128
H = 128
G = 64


def _lin(key, din, dout, bias=True, unit=False):
    k1, k2 = jax.random.split(key)
    lim = 1.0 / np.sqrt(din)
    if unit:
        W = jax.random.uniform(k1, (din, dout), jnp.float32, 0.0, 1.0)
    else:
        W = jax.random.uniform(k1, (din, dout), jnp.float32, -lim, lim)
    b = jax.random.uniform(k2, (dout,), jnp.float32, -lim, lim) if bias else None
    return W, b


def setup_inputs(seed=0):
    key = jax.random.key(seed)
    ks = jax.random.split(key, 40)
    inp = {}
    inp["x_x"] = jax.random.normal(ks[0], (Nx, D), jnp.float32)
    inp["x_c"] = jax.random.normal(ks[1], (Nc, D), jnp.float32)
    inp["x_b"] = jax.random.normal(ks[2], (Nb, D), jnp.float32)
    inp["edge_index_xac"] = jnp.stack([jax.random.randint(ks[3], (E1,), 0, Nx), jax.random.randint(ks[4], (E1,), 0, Nc)])
    inp["edge_index_cbb"] = jnp.stack([jax.random.randint(ks[5], (E2,), 0, Nc), jax.random.randint(ks[6], (E2,), 0, Nb)])
    inp["edge_attr_xac"] = jax.random.normal(ks[7], (E1, 1), jnp.float32)
    inp["edge_attr_cbb"] = jax.random.normal(ks[8], (E2, 1), jnp.float32)
    inp["batch_b"] = jnp.sort(jax.random.randint(ks[9], (Nb,), 0, G))
    i = 10
    for name in ["xac1", "cbb1", "cbb2"]:
        inp[name + "_Wk"], inp[name + "_bk"] = _lin(ks[i], D, H); i += 1
        inp[name + "_Wq"], inp[name + "_bq"] = _lin(ks[i], D, H); i += 1
        inp[name + "_Wv"], inp[name + "_bv"] = _lin(ks[i], D, H); i += 1
        inp[name + "_We"] = _lin(ks[i], 1, H, bias=False)[0]; i += 1
        inp[name + "_Wskip"] = _lin(ks[i], D, H, bias=False)[0]; i += 1
        inp[name + "_bias"] = jnp.zeros((H,), jnp.float32)
    inp["W1"], inp["b1"] = _lin(ks[i], H, H); i += 1
    inp["W2"], inp["b2"] = _lin(ks[i], H, H); i += 1
    inp["W3"], inp["b3"] = _lin(ks[i], H, H); i += 1
    inp["Wo"], inp["bo"] = _lin(ks[i], H, 1, unit=True); i += 1
    return inp


def _resgated(x_src, x_dst, ei, ea, Wk, bk, Wq, bq, Wv, bv, We, Wskip, bias):
    # PyG ResGatedGraphConv with edge_dim: gate = sigmoid(lin_key(x_i) + lin_query(x_j) + lin_edge(e_ij))
    # out_i = sum_j gate_ij * lin_value(x_j) + lin_skip(x_i) + bias
    k = x_dst @ Wk + bk
    q = x_src @ Wq + bq
    v = x_src @ Wv + bv
    e = ea @ We
    src = ei[0]
    dst = ei[1]
    gate = jax.nn.sigmoid(k[dst] + q[src] + e)
    agg = jax.ops.segment_sum(gate * v[src], dst, num_segments=x_dst.shape[0])
    return agg + x_dst @ Wskip + bias


def _forward(d):
    def cp(n):
        return [d[n + "_" + s] for s in ["Wk", "bk", "Wq", "bq", "Wv", "bv", "We", "Wskip", "bias"]]
    # Layer 1 HeteroConv (aggr='sum'; one conv per dst type)
    c1 = jax.nn.relu(_resgated(d["x_x"], d["x_c"], d["edge_index_xac"], d["edge_attr_xac"], *cp("xac1")))
    b1 = jax.nn.relu(_resgated(d["x_c"], d["x_b"], d["edge_index_cbb"], d["edge_attr_cbb"], *cp("cbb1")))
    # Layer 2: node type 'x' no longer present, so only ('c','b','b') fires; output dict has only 'b'
    b2 = jax.nn.relu(_resgated(c1, b1, d["edge_index_cbb"], d["edge_attr_cbb"], *cp("cbb2")))
    # global_mean_pool over 'b'
    seg = d["batch_b"]
    sums = jax.ops.segment_sum(b2, seg, num_segments=G)
    cnts = jax.ops.segment_sum(jnp.ones((b2.shape[0], 1), b2.dtype), seg, num_segments=G)
    h = sums / jnp.maximum(cnts, 1.0)
    # dropout omitted (deterministic eval)
    h = jax.nn.relu(h @ d["W1"] + d["b1"])
    h = jax.nn.relu(h @ d["W2"] + d["b2"])
    h = jax.nn.relu(h @ d["W3"] + d["b3"])
    out = h @ d["Wo"] + d["bo"]
    return out.reshape(-1)


def reference(x_x, x_c, x_b, edge_index_xac, edge_index_cbb, edge_attr_xac,
              edge_attr_cbb, batch_b,
              xac1_Wk, xac1_bk, xac1_Wq, xac1_bq, xac1_Wv, xac1_bv, xac1_We,
              xac1_Wskip, xac1_bias,
              cbb1_Wk, cbb1_bk, cbb1_Wq, cbb1_bq, cbb1_Wv, cbb1_bv, cbb1_We,
              cbb1_Wskip, cbb1_bias,
              cbb2_Wk, cbb2_bk, cbb2_Wq, cbb2_bq, cbb2_Wv, cbb2_bv, cbb2_We,
              cbb2_Wskip, cbb2_bias,
              W1, b1, W2, b2, W3, b3, Wo, bo):
    return _forward(dict(locals()))

if __name__ == "__main__":
    import jax
    _d = setup_inputs()
    print(jax.jit(kernel)(*tuple(_d.values())))

</pallas_src>

<mosaic_0001>
#map = affine_map<(d0, d1) -> (0, 0)>
#map1 = affine_map<(d0, d1) -> (0)>
module attributes {stable_mosaic.version = 14 : i64} {
  func.func @k(%arg0: i32, %arg1: i32, %arg2: memref<10000x256xf32, #tpu.memory_space<hbm>>, %arg3: memref<10000x128xf32, #tpu.memory_space<hbm>>, %arg4: memref<320000xi32, #tpu.memory_space<hbm>>, %arg5: memref<320000xi32, #tpu.memory_space<hbm>>, %arg6: memref<320000xf32, #tpu.memory_space<hbm>>, %arg7: memref<128xf32, #tpu.memory_space<hbm>>, %arg8: memref<10000x256xf32, #tpu.memory_space<hbm>>, %arg9: memref<10000x128xf32, #tpu.memory_space<hbm>>, %arg10: memref<320000xi32, #tpu.memory_space<hbm>>, %arg11: memref<320000xi32, #tpu.memory_space<hbm>>, %arg12: memref<320000xf32, #tpu.memory_space<hbm>>, %arg13: memref<128xf32, #tpu.memory_space<hbm>>, %arg14: memref<10000x128xf32, #tpu.memory_space<hbm>>, %arg15: memref<10000x128xf32, #tpu.memory_space<hbm>>, %arg16: memref<80xi32, #tpu.memory_space<vmem>>, %arg17: memref<80xi32, #tpu.memory_space<vmem>>, %arg18: memref<80xf32, #tpu.memory_space<vmem>>, %arg19: memref<128xf32, #tpu.memory_space<vmem>>, %arg20: memref<80x256xf32, #tpu.memory_space<vmem>>, %arg21: memref<80x128xf32, #tpu.memory_space<vmem>>, %arg22: memref<80x128xf32, #tpu.memory_space<vmem>>, %arg23: memref<10000x128xf32, #tpu.memory_space<vmem_shared>>) attributes {dimension_semantics = [#tpu.dimension_semantics<core_parallel>, #tpu.dimension_semantics<subcore_parallel>], iteration_bounds = array<i64: 2, 16>, scalar_prefetch = 0 : i64, scratch_operands = 8 : i64, tpu.core_type = #tpu.core_type<sc_vector_subcore>, window_params = [{transform_indices = #map}, {transform_indices = #map}, {transform_indices = #map1}, {transform_indices = #map1}, {transform_indices = #map1}, {transform_indices = #map1}, {transform_indices = #map}, {transform_indices = #map}, {transform_indices = #map1}, {transform_indices = #map1}, {transform_indices = #map1}, {transform_indices = #map1}, {transform_indices = #map}, {transform_indices = #map}]} {
    %broadcast_in_dim3A = arith.constant 0.000000e+00 : f32
    %broadcast_in_dim3A_0 = vector.broadcast %broadcast_in_dim3A : f32 to vector<16xf32>
    %scan3A = arith.constant 0 : i32
    %scan3A_1 = arith.constant 80 : i32
    %scan3A_2 = arith.addi %scan3A, %scan3A_1 : i32
    %scan3A_3 = arith.constant 1 : i32
    scf.for %scan3A_28 = %scan3A to %scan3A_2 step %scan3A_3  : i32 {
      %mul3A = arith.constant 1 : i32
      %mul3A_29 = arith.muli %scan3A_28, %mul3A : i32
      %add3A = arith.constant 0 : i32
      %add3A_30 = arith.addi %add3A, %mul3A_29 : i32
      %swap3A = arith.index_cast %add3A_30 : i32 to index
      %swap3A_31 = arith.constant 0 : index
      %swap3A_32 = tpu.vector_load %arg22[%swap3A, %swap3A_31] {strides = array<i32>} : memref<80x128xf32, #tpu.memory_space<vmem>>, vector<16xf32>,
      tpu.vector_store %arg22[%swap3A, %swap3A_31], %broadcast_in_dim3A_0 {strides = array<i32>} : memref<80x128xf32, #tpu.memory_space<vmem>>, vector<16xf32>,
      %swap3A_33 = arith.index_cast %add3A_30 : i32 to index
      %swap3A_34 = arith.constant 16 : index
      %swap3A_35 = tpu.vector_load %arg22[%swap3A_33, %swap3A_34] {strides = array<i32>} : memref<80x128xf32, #tpu.memory_space<vmem>>, vector<16xf32>,
      tpu.vector_store %arg22[%swap3A_33, %swap3A_34], %broadcast_in_dim3A_0 {strides = array<i32>} : memref<80x128xf32, #tpu.memory_space<vmem>>, vector<16xf32>,
      %swap3A_36 = arith.index_cast %add3A_30 : i32 to index
      %swap3A_37 = arith.constant 32 : index
      %swap3A_38 = tpu.vector_load %arg22[%swap3A_36, %swap3A_37] {strides = array<i32>} : memref<80x128xf32, #tpu.memory_space<vmem>>, vector<16xf32>,
      tpu.vector_store %arg22[%swap3A_36, %swap3A_37], %broadcast_in_dim3A_0 {strides = array<i32>} : memref<80x128xf32, #tpu.memory_space<vmem>>, vector<16xf32>,
      %swap3A_39 = arith.index_cast %add3A_30 : i32 to index
      %swap3A_40 = arith.constant 48 : index
      %swap3A_41 = tpu.vector_load %arg22[%swap3A_39, %swap3A_40] {strides = array<i32>} : memref<80x128xf32, #tpu.memory_space<vmem>>, vector<16xf32>,
      tpu.vector_store %arg22[%swap3A_39, %swap3A_40], %broadcast_in_dim3A_0 {strides = array<i32>} : memref<80x128xf32, #tpu.memory_space<vmem>>, vector<16xf32>,
      %swap3A_42 = arith.index_cast %add3A_30 : i32 to index
      %swap3A_43 = arith.constant 64 : index
      %swap3A_44 = tpu.vector_load %arg22[%swap3A_42, %swap3A_43] {strides = array<i32>} : memref<80x128xf32, #tpu.memory_space<vmem>>, vector<16xf32>,
      tpu.vector_store %arg22[%swap3A_42, %swap3A_43], %broadcast_in_dim3A_0 {strides = array<i32>} : memref<80x128xf32, #tpu.memory_space<vmem>>, vector<16xf32>,
      %swap3A_45 = arith.index_cast %add3A_30 : i32 to index
      %swap3A_46 = arith.constant 80 : index
      %swap3A_47 = tpu.vector_load %arg22[%swap3A_45, %swap3A_46] {strides = array<i32>} : memref<80x128xf32, #tpu.memory_space<vmem>>, vector<16xf32>,
      tpu.vector_store %arg22[%swap3A_45, %swap3A_46], %broadcast_in_dim3A_0 {strides = array<i32>} : memref<80x128xf32, #tpu.memory_space<vmem>>, vector<16xf32>,
      %swap3A_48 = arith.index_cast %add3A_30 : i32 to index
      %swap3A_49 = arith.constant 96 : index
      %swap3A_50 = tpu.vector_load %arg22[%swap3A_48, %swap3A_49] {strides = array<i32>} : memref<80x128xf32, #tpu.memory_space<vmem>>, vector<16xf32>,
      tpu.vector_store %arg22[%swap3A_48, %swap3A_49], %broadcast_in_dim3A_0 {strides = array<i32>} : memref<80x128xf32, #tpu.memory_space<vmem>>, vector<16xf32>,
      %swap3A_51 = arith.index_cast %add3A_30 : i32 to index
      %swap3A_52 = arith.constant 112 : index
      %swap3A_53 = tpu.vector_load %arg22[%swap3A_51, %swap3A_52] {strides = array<i32>} : memref<80x128xf32, #tpu.memory_space<vmem>>, vector<16xf32>,
      tpu.vector_store %arg22[%swap3A_51, %swap3A_52], %broadcast_in_dim3A_0 {strides = array<i32>} : memref<80x128xf32, #tpu.memory_space<vmem>>, vector<16xf32>,
    }
    %scan3A_4 = arith.constant 80 : i32
    %scan3A_5 = arith.constant 0 : i32
    %scan3A_6 = arith.constant 8 : i32
    %scan3A_7 = arith.addi %scan3A_5, %scan3A_6 : i32
    %scan3A_8 = arith.constant 1 : i32
    scf.for %scan3A_28 = %scan3A_5 to %scan3A_7 step %scan3A_8  : i32 {
      %mul3A = arith.constant 1 : i32
      %mul3A_29 = arith.muli %scan3A_28, %mul3A : i32
      %add3A = arith.constant 0 : i32
      %add3A_30 = arith.addi %add3A, %mul3A_29 : i32
      %mul3A_31 = arith.constant 16 : i32
      %mul3A_32 = arith.muli %mul3A_31, %add3A_30 : i32
      %add3A_33 = arith.addi %arg1, %mul3A_32 : i32
      %lt3A = arith.constant 125 : i32
      %lt3A_34 = arith.cmpi slt, %add3A_33, %lt3A : i32
      %convert_element_type3A_35 = arith.extui %lt3A_34 : i1 to i32
      %cond3A_36 = arith.constant 0 : i32
      %cond3A_37 = arith.cmpi ne, %convert_element_type3A_35, %cond3A_36 : i32
      scf.if %cond3A_37 {
        %mul3A_38 = arith.constant 80 : i32
        %mul3A_39 = arith.muli %add3A_33, %mul3A_38 : i32
        "tpu.region"() ({
          %run_scoped3A = tpu.sem_alloc : memref<!tpu.dma_semaphore, #tpu.memory_space<semaphore_mem>>
          %dma_start3A = arith.constant 0 : i32
          %dma_start3A_40 = tpu.memref_slice %arg23[%mul3A_39, %dma_start3A] : memref<10000x128xf32, #tpu.memory_space<vmem_shared>> -> memref<80x128xf32, #tpu.memory_space<vmem_shared>>
          %dma_start3A_41 = arith.constant 0 : i32
          %dma_start3A_42 = tpu.memref_slice %arg23[%mul3A_39, %dma_start3A_41] : memref<10000x128xf32, #tpu.memory_space<vmem_shared>> -> memref<80x128xf32, #tpu.memory_space<vmem_shared>>
          tpu.enqueue_dma source(%arg22 : memref<80x128xf32, #tpu.memory_space<vmem>>) target(%dma_start3A_42 : memref<80x128xf32, #tpu.memory_space<vmem_shared>>) target_semaphore(%run_scoped3A : memref<!tpu.dma_semaphore, #tpu.memory_space<semaphore_mem>>)
          %dma_wait3A = arith.constant 0 : i32
          %dma_wait3A_43 = tpu.memref_slice %arg23[%mul3A_39, %dma_wait3A] : memref<10000x128xf32, #tpu.memory_space<vmem_shared>> -> memref<80x128xf32, #tpu.memory_space<vmem_shared>>
          %dma_wait3A_44 = arith.constant 0 : i32
          %dma_wait3A_45 = tpu.memref_slice %arg23[%mul3A_39, %dma_wait3A_44] : memref<10000x128xf32, #tpu.memory_space<vmem_shared>> -> memref<80x128xf32, #tpu.memory_space<vmem_shared>>
          tpu.wait_dma2 semaphore(%run_scoped3A : memref<!tpu.dma_semaphore, #tpu.memory_space<semaphore_mem>>) src(%arg22 : memref<80x128xf32, #tpu.memory_space<vmem>>) dst(%dma_wait3A_45 : memref<80x128xf32, #tpu.memory_space<vmem_shared>>)
          tpu.yield
        }) : () -> ()
      } else {
      }
    }
    %scan3A_9 = arith.constant 8 : i32
    %barrier3A = arith.constant 0 : index
    tpu.barrier barrier_id(%barrier3A)
    %eq3A = arith.constant 0 : i32
    %eq3A_10 = arith.cmpi eq, %arg0, %eq3A : i32
    %convert_element_type3A = arith.extui %eq3A_10 : i1 to i32
    %cond3A = arith.constant 0 : i32
    %cond3A_11 = arith.cmpi ne, %convert_element_type3A, %cond3A : i32
    scf.if %cond3A_11 {
      "tpu.region"() ({
        %run_scoped3A = tpu.sem_alloc : memref<!tpu.dma_semaphore, #tpu.memory_space<semaphore_mem>>
        tpu.enqueue_dma source(%arg7 : memref<128xf32, #tpu.memory_space<hbm>>) target(%arg19 : memref<128xf32, #tpu.memory_space<vmem>>) target_semaphore(%run_scoped3A : memref<!tpu.dma_semaphore, #tpu.memory_space<semaphore_mem>>)
        tpu.wait_dma2 semaphore(%run_scoped3A : memref<!tpu.dma_semaphore, #tpu.memory_space<semaphore_mem>>) src(%arg7 : memref<128xf32, #tpu.memory_space<hbm>>) dst(%arg19 : memref<128xf32, #tpu.memory_space<vmem>>)
        tpu.yield
      }) : () -> ()
      %mul3A = arith.constant 20000 : i32
      %mul3A_28 = arith.muli %arg1, %mul3A : i32
      %scan3A_29 = arith.constant 0 : i32
      %scan3A_30 = arith.constant 250 : i32
      %scan3A_31 = arith.addi %scan3A_29, %scan3A_30 : i32
      %scan3A_32 = arith.constant 1 : i32
      scf.for %scan3A_34 = %scan3A_29 to %scan3A_31 step %scan3A_32  : i32 {
        %mul3A_35 = arith.constant 1 : i32
        %mul3A_36 = arith.muli %scan3A_34, %mul3A_35 : i32
        %add3A = arith.constant 0 : i32
        %add3A_37 = arith.addi %add3A, %mul3A_36 : i32
        %mul3A_38 = arith.constant 80 : i32
        %mul3A_39 = arith.muli %add3A_37, %mul3A_38 : i32
        %add3A_40 = arith.addi %mul3A_28, %mul3A_39 : i32
        "tpu.region"() ({
          %run_scoped3A = tpu.sem_alloc : memref<!tpu.dma_semaphore, #tpu.memory_space<semaphore_mem>>
          %dma_start3A = tpu.memref_slice %arg4[%add3A_40] : memref<320000xi32, #tpu.memory_space<hbm>> -> memref<80xi32, #tpu.memory_space<hbm>>
          %dma_start3A_46 = tpu.memref_slice %arg4[%add3A_40] : memref<320000xi32, #tpu.memory_space<hbm>> -> memref<80xi32, #tpu.memory_space<hbm>>
          tpu.enqueue_dma source(%dma_start3A_46 : memref<80xi32, #tpu.memory_space<hbm>>) target(%arg16 : memref<80xi32, #tpu.memory_space<vmem>>) target_semaphore(%run_scoped3A : memref<!tpu.dma_semaphore, #tpu.memory_space<semaphore_mem>>)
          %dma_wait3A = tpu.memref_slice %arg4[%add3A_40] : memref<320000xi32, #tpu.memory_space<hbm>> -> memref<80xi32, #tpu.memory_space<hbm>>
          %dma_wait3A_47 = tpu.memref_slice %arg4[%add3A_40] : memref<320000xi32, #tpu.memory_space<hbm>> -> memref<80xi32, #tpu.memory_space<hbm>>
          tpu.wait_dma2 semaphore(%run_scoped3A : memref<!tpu.dma_semaphore, #tpu.memory_space<semaphore_mem>>) src(%dma_wait3A_47 : memref<80xi32, #tpu.memory_space<hbm>>) dst(%arg16 : memref<80xi32, #tpu.memory_space<vmem>>)
          tpu.yield
        }) : () -> ()
        "tpu.region"() ({
          %run_scoped3A = tpu.sem_alloc : memref<!tpu.dma_semaphore, #tpu.memory_space<semaphore_mem>>
          %dma_start3A = tpu.memref_slice %arg5[%add3A_40] : memref<320000xi32, #tpu.memory_space<hbm>> -> memref<80xi32, #tpu.memory_space<hbm>>
          %dma_start3A_46 = tpu.memref_slice %arg5[%add3A_40] : memref<320000xi32, #tpu.memory_space<hbm>> -> memref<80xi32, #tpu.memory_space<hbm>>
          tpu.enqueue_dma source(%dma_start3A_46 : memref<80xi32, #tpu.memory_space<hbm>>) target(%arg17 : memref<80xi32, #tpu.memory_space<vmem>>) target_semaphore(%run_scoped3A : memref<!tpu.dma_semaphore, #tpu.memory_space<semaphore_mem>>)
          %dma_wait3A = tpu.memref_slice %arg5[%add3A_40] : memref<320000xi32, #tpu.memory_space<hbm>> -> memref<80xi32, #tpu.memory_space<hbm>>
          %dma_wait3A_47 = tpu.memref_slice %arg5[%add3A_40] : memref<320000xi32, #tpu.memory_space<hbm>> -> memref<80xi32, #tpu.memory_space<hbm>>
          tpu.wait_dma2 semaphore(%run_scoped3A : memref<!tpu.dma_semaphore, #tpu.memory_space<semaphore_mem>>) src(%dma_wait3A_47 : memref<80xi32, #tpu.memory_space<hbm>>) dst(%arg17 : memref<80xi32, #tpu.memory_space<vmem>>)
          tpu.yield
        }) : () -> ()
        "tpu.region"() ({
          %run_scoped3A = tpu.sem_alloc : memref<!tpu.dma_semaphore, #tpu.memory_space<semaphore_mem>>
          %dma_start3A = tpu.memref_slice %arg6[%add3A_40] : memref<320000xf32, #tpu.memory_space<hbm>> -> memref<80xf32, #tpu.memory_space<hbm>>
          %dma_start3A_46 = tpu.memref_slice %arg6[%add3A_40] : memref<320000xf32, #tpu.memory_space<hbm>> -> memref<80xf32, #tpu.memory_space<hbm>>
          tpu.enqueue_dma source(%dma_start3A_46 : memref<80xf32, #tpu.memory_space<hbm>>) target(%arg18 : memref<80xf32, #tpu.memory_space<vmem>>) target_semaphore(%run_scoped3A : memref<!tpu.dma_semaphore, #tpu.memory_space<semaphore_mem>>)
          %dma_wait3A = tpu.memref_slice %arg6[%add3A_40] : memref<320000xf32, #tpu.memory_space<hbm>> -> memref<80xf32, #tpu.memory_space<hbm>>
          %dma_wait3A_47 = tpu.memref_slice %arg6[%add3A_40] : memref<320000xf32, #tpu.memory_space<hbm>> -> memref<80xf32, #tpu.memory_space<hbm>>
          tpu.wait_dma2 semaphore(%run_scoped3A : memref<!tpu.dma_semaphore, #tpu.memory_space<semaphore_mem>>) src(%dma_wait3A_47 : memref<80xf32, #tpu.memory_space<hbm>>) dst(%arg18 : memref<80xf32, #tpu.memory_space<vmem>>)
          tpu.yield
        }) : () -> ()
        "tpu.region"() ({
          %run_scoped3A = tpu.sem_alloc : memref<!tpu.dma_semaphore, #tpu.memory_space<semaphore_mem>>
          %dma_start3A = arith.constant 0 : i32
          %dma_start3A_46 = arith.constant 0 : i32
          %dma_start3A_47 = tpu.memref_slice %arg2[%dma_start3A, %dma_start3A_46] : memref<10000x256xf32, #tpu.memory_space<hbm>> -> memref<10000x256xf32, #tpu.memory_space<hbm>>
          tpu.enqueue_indirect_dma source(%dma_start3A_47 : memref<10000x256xf32, #tpu.memory_space<hbm>>) target(%arg20 : memref<80x256xf32, #tpu.memory_space<vmem>>) offsets(%arg16 : memref<80xi32, #tpu.memory_space<vmem>>) semaphore(%run_scoped3A : memref<!tpu.dma_semaphore, #tpu.memory_space<semaphore_mem>>)
          %dma_wait3A = arith.constant 0 : i32
          %dma_wait3A_48 = arith.constant 0 : i32
          %dma_wait3A_49 = tpu.memref_slice %arg2[%dma_wait3A, %dma_wait3A_48] : memref<10000x256xf32, #tpu.memory_space<hbm>> -> memref<10000x256xf32, #tpu.memory_space<hbm>>
          tpu.wait_indirect_dma semaphore(%run_scoped3A : memref<!tpu.dma_semaphore, #tpu.memory_space<semaphore_mem>>) src(%dma_wait3A_49 : memref<10000x256xf32, #tpu.memory_space<hbm>>) dst(%arg20 : memref<80x256xf32, #tpu.memory_space<vmem>>)
          tpu.yield
        }) : () -> ()
        "tpu.region"() ({
          %run_scoped3A = tpu.sem_alloc : memref<!tpu.dma_semaphore, #tpu.memory_space<semaphore_mem>>
          %dma_start3A = arith.constant 0 : i32
          %dma_start3A_46 = arith.constant 0 : i32
          %dma_start3A_47 = tpu.memref_slice %arg3[%dma_start3A, %dma_start3A_46] : memref<10000x128xf32, #tpu.memory_space<hbm>> -> memref<10000x128xf32, #tpu.memory_space<hbm>>
          tpu.enqueue_indirect_dma source(%dma_start3A_47 : memref<10000x128xf32, #tpu.memory_space<hbm>>) target(%arg21 : memref<80x128xf32, #tpu.memory_space<vmem>>) offsets(%arg17 : memref<80xi32, #tpu.memory_space<vmem>>) semaphore(%run_scoped3A : memref<!tpu.dma_semaphore, #tpu.memory_space<semaphore_mem>>)
          %dma_wait3A = arith.constant 0 : i32
          %dma_wait3A_48 = arith.constant 0 : i32
          %dma_wait3A_49 = tpu.memref_slice %arg3[%dma_wait3A, %dma_wait3A_48] : memref<10000x128xf32, #tpu.memory_space<hbm>> -> memref<10000x128xf32, #tpu.memory_space<hbm>>
          tpu.wait_indirect_dma semaphore(%run_scoped3A : memref<!tpu.dma_semaphore, #tpu.memory_space<semaphore_mem>>) src(%dma_wait3A_49 : memref<10000x128xf32, #tpu.memory_space<hbm>>) dst(%arg21 : memref<80x128xf32, #tpu.memory_space<vmem>>)
          tpu.yield
        }) : () -> ()
        %scan3A_41 = arith.constant 0 : i32
        %scan3A_42 = arith.constant 80 : i32
        %scan3A_43 = arith.addi %scan3A_41, %scan3A_42 : i32
        %scan3A_44 = arith.constant 1 : i32
        scf.for %scan3A_46 = %scan3A_41 to %scan3A_43 step %scan3A_44  : i32 {
          %mul3A_47 = arith.constant 1 : i32
          %mul3A_48 = arith.muli %scan3A_46, %mul3A_47 : i32
          %add3A_49 = arith.constant 0 : i32
          %add3A_50 = arith.addi %add3A_49, %mul3A_48 : i32
          %broadcast_in_dim3A_51 = vector.broadcast %add3A_50 : i32 to vector<16xi32>
          %gather3A = tpu.vector_load_idx %arg18[%broadcast_in_dim3A_51] : memref<80xf32, #tpu.memory_space<vmem>>[vector<16xi32>], vector<16xf32>,
          %get3A = arith.index_cast %add3A_50 : i32 to index
          %get3A_52 = arith.constant 0 : index
          %get3A_53 = tpu.vector_load %arg21[%get3A, %get3A_52] {strides = array<i32>} : memref<80x128xf32, #tpu.memory_space<vmem>>, vector<16xf32>,
          %get3A_54 = arith.index_cast %add3A_50 : i32 to index
          %get3A_55 = arith.constant 0 : index
          %get3A_56 = tpu.vector_load %arg20[%get3A_54, %get3A_55] {strides = array<i32>} : memref<80x256xf32, #tpu.memory_space<vmem>>, vector<16xf32>,
          %add3A_57 = arith.addf %get3A_53, %get3A_56 : vector<16xf32>
          %get3A_58 = arith.constant 0 : index
          %get3A_59 = tpu.vector_load %arg19[%get3A_58] {strides = array<i32>} : memref<128xf32, #tpu.memory_space<vmem>>, vector<16xf32>,
          %mul3A_60 = arith.mulf %gather3A, %get3A_59 : vector<16xf32>
          %add3A_61 = arith.addf %add3A_57, %mul3A_60 : vector<16xf32>
          %neg3A = arith.constant 0.000000e+00 : f32
          %neg3A_62 = vector.broadcast %neg3A : f32 to vector<16xf32>
          %neg3A_63 = arith.subf %neg3A_62, %add3A_61 : vector<16xf32>
          %exp3A = math.exp %neg3A_63 : vector<16xf32>
          %add3A_64 = arith.constant 1.000000e+00 : f32
          %add3A_65 = vector.broadcast %add3A_64 : f32 to vector<16xf32>
          %add3A_66 = arith.addf %add3A_65, %exp3A : vector<16xf32>
          %div3A = arith.constant 1.000000e+00 : f32
          %div3A_67 = vector.broadcast %div3A : f32 to vector<16xf32>
          %div3A_68 = arith.divf %div3A_67, %add3A_66 : vector<16xf32>
          %get3A_69 = arith.index_cast %add3A_50 : i32 to index
          %get3A_70 = arith.constant 128 : index
          %get3A_71 = tpu.vector_load %arg20[%get3A_69, %get3A_70] {strides = array<i32>} : memref<80x256xf32, #tpu.memory_space<vmem>>, vector<16xf32>,
          %mul3A_72 = arith.mulf %div3A_68, %get3A_71 : vector<16xf32>
          %swap3A = arith.index_cast %add3A_50 : i32 to index
          %swap3A_73 = arith.constant 0 : index
          %swap3A_74 = tpu.vector_load %arg22[%swap3A, %swap3A_73] {strides = array<i32>} : memref<80x128xf32, #tpu.memory_space<vmem>>, vector<16xf32>,
          tpu.vector_store %arg22[%swap3A, %swap3A_73], %mul3A_72 {strides = array<i32>} : memref<80x128xf32, #tpu.memory_space<vmem>>, vector<16xf32>,
          %get3A_75 = arith.index_cast %add3A_50 : i32 to index
          %get3A_76 = arith.constant 16 : index
          %get3A_77 = tpu.vector_load %arg21[%get3A_75, %get3A_76] {strides = array<i32>} : memref<80x128xf32, #tpu.memory_space<vmem>>, vector<16xf32>,
          %get3A_78 = arith.index_cast %add3A_50 : i32 to index
          %get3A_79 = arith.constant 16 : index
          %get3A_80 = tpu.vector_load %arg20[%get3A_78, %get3A_79] {strides = array<i32>} : memref<80x256xf32, #tpu.memory_space<vmem>>, vector<16xf32>,
          %add3A_81 = arith.addf %get3A_77, %get3A_80 : vector<16xf32>
          %get3A_82 = arith.constant 16 : index
          %get3A_83 = tpu.vector_load %arg19[%get3A_82] {strides = array<i32>} : memref<128xf32, #tpu.memory_space<vmem>>, vector<16xf32>,
          %mul3A_84 = arith.mulf %gather3A, %get3A_83 : vector<16xf32>
          %add3A_85 = arith.addf %add3A_81, %mul3A_84 : vector<16xf32>
          %neg3A_86 = arith.constant 0.000000e+00 : f32
          %neg3A_87 = vector.broadcast %neg3A_86 : f32 to vector<16xf32>
          %neg3A_88 = arith.subf %neg3A_87, %add3A_85 : vector<16xf32>
          %exp3A_89 = math.exp %neg3A_88 : vector<16xf32>
          %add3A_90 = arith.constant 1.000000e+00 : f32
          %add3A_91 = vector.broadcast %add3A_90 : f32 to vector<16xf32>
          %add3A_92 = arith.addf %add3A_91, %exp3A_89 : vector<16xf32>
          %div3A_93 = arith.constant 1.000000e+00 : f32
          %div3A_94 = vector.broadcast %div3A_93 : f32 to vector<16xf32>
          %div3A_95 = arith.divf %div3A_94, %add3A_92 : vector<16xf32>
          %get3A_96 = arith.index_cast %add3A_50 : i32 to index
          %get3A_97 = arith.constant 144 : index
          %get3A_98 = tpu.vector_load %arg20[%get3A_96, %get3A_97] {strides = array<i32>} : memref<80x256xf32, #tpu.memory_space<vmem>>, vector<16xf32>,
          %mul3A_99 = arith.mulf %div3A_95, %get3A_98 : vector<16xf32>
          %swap3A_100 = arith.index_cast %add3A_50 : i32 to index
          %swap3A_101 = arith.constant 16 : index
          %swap3A_102 = tpu.vector_load %arg22[%swap3A_100, %swap3A_101] {strides = array<i32>} : memref<80x128xf32, #tpu.memory_space<vmem>>, vector<16xf32>,
          tpu.vector_store %arg22[%swap3A_100, %swap3A_101], %mul3A_99 {strides = array<i32>} : memref<80x128xf32, #tpu.memory_space<vmem>>, vector<16xf32>,
          %get3A_103 = arith.index_cast %add3A_50 : i32 to index
          %get3A_104 = arith.constant 32 : index
          %get3A_105 = tpu.vector_load %arg21[%get3A_103, %get3A_104] {strides = array<i32>} : memref<80x128xf32, #tpu.memory_space<vmem>>, vector<16xf32>,
          %get3A_106 = arith.index_cast %add3A_50 : i32 to index
          %get3A_107 = arith.constant 32 : index
          %get3A_108 = tpu.vector_load %arg20[%get3A_106, %get3A_107] {strides = array<i32>} : memref<80x256xf32, #tpu.memory_space<vmem>>, vector<16xf32>,
          %add3A_109 = arith.addf %get3A_105, %get3A_108 : vector<16xf32>
          %get3A_110 = arith.constant 32 : index
          %get3A_111 = tpu.vector_load %arg19[%get3A_110] {strides = array<i32>} : memref<128xf32, #tpu.memory_space<vmem>>, vector<16xf32>,
          %mul3A_112 = arith.mulf %gather3A, %get3A_111 : vector<16xf32>
          %add3A_113 = arith.addf %add3A_109, %mul3A_112 : vector<16xf32>
          %neg3A_114 = arith.constant 0.000000e+00 : f32
          %neg3A_115 = vector.broadcast %neg3A_114 : f32 to vector<16xf32>
          %neg3A_116 = arith.subf %neg3A_115, %add3A_113 : vector<16xf32>
          %exp3A_117 = math.exp %neg3A_116 : vector<16xf32>
          %add3A_118 = arith.constant 1.000000e+00 : f32
          %add3A_119 = vector.broadcast %add3A_118 : f32 to vector<16xf32>
          %add3A_120 = arith.addf %add3A_119, %exp3A_117 : vector<16xf32>
          %div3A_121 = arith.constant 1.000000e+00 : f32
          %div3A_122 = vector.broadcast %div3A_121 : f32 to vector<16xf32>
          %div3A_123 = arith.divf %div3A_122, %add3A_120 : vector<16xf32>
          %get3A_124 = arith.index_cast %add3A_50 : i32 to index
          %get3A_125 = arith.constant 160 : index
          %get3A_126 = tpu.vector_load %arg20[%get3A_124, %get3A_125] {strides = array<i32>} : memref<80x256xf32, #tpu.memory_space<vmem>>, vector<16xf32>,
          %mul3A_127 = arith.mulf %div3A_123, %get3A_126 : vector<16xf32>
          %swap3A_128 = arith.index_cast %add3A_50 : i32 to index
          %swap3A_129 = arith.constant 32 : index
          %swap3A_130 = tpu.vector_load %arg22[%swap3A_128, %swap3A_129] {strides = array<i32>} : memref<80x128xf32, #tpu.memory_space<vmem>>, vector<16xf32>,
          tpu.vector_store %arg22[%swap3A_128, %swap3A_129], %mul3A_127 {strides = array<i32>} : memref<80x128xf32, #tpu.memory_space<vmem>>, vector<16xf32>,
          %get3A_131 = arith.index_cast %add3A_50 : i32 to index
          %get3A_132 = arith.constant 48 : index
          %get3A_133 = tpu.vector_load %arg21[%get3A_131, %get3A_132] {strides = array<i32>} : memref<80x128xf32, #tpu.memory_space<vmem>>, vector<16xf32>,
          %get3A_134 = arith.index_cast %add3A_50 : i32 to index
          %get3A_135 = arith.constant 48 : index
          %get3A_136 = tpu.vector_load %arg20[%get3A_134, %get3A_135] {strides = array<i32>} : memref<80x256xf32, #tpu.memory_space<vmem>>, vector<16xf32>,
          %add3A_137 = arith.addf %get3A_133, %get3A_136 : vector<16xf32>
          %get3A_138 = arith.constant 48 : index
          %get3A_139 = tpu.vector_load %arg19[%get3A_138] {strides = array<i32>} : memref<128xf32, #tpu.memory_space<vmem>>, vector<16xf32>,
          %mul3A_140 = arith.mulf %gather3A, %get3A_139 : vector<16xf32>
          %add3A_141 = arith.addf %add3A_137, %mul3A_140 : vector<16xf32>
          %neg3A_142 = arith.constant 0.000000e+00 : f32
          %neg3A_143 = vector.broadcast %neg3A_142 : f32 to vector<16xf32>
          %neg3A_144 = arith.subf %neg3A_143, %add3A_141 : vector<16xf32>
          %exp3A_145 = math.exp %neg3A_144 : vector<16xf32>
          %add3A_146 = arith.constant 1.000000e+00 : f32
          %add3A_147 = vector.broadcast %add3A_146 : f32 to vector<16xf32>
          %add3A_148 = arith.addf %add3A_147, %exp3A_145 : vector<16xf32>
          %div3A_149 = arith.constant 1.000000e+00 : f32
          %div3A_150 = vector.broadcast %div3A_149 : f32 to vector<16xf32>
          %div3A_151 = arith.divf %div3A_150, %add3A_148 : vector<16xf32>
          %get3A_152 = arith.index_cast %add3A_50 : i32 to index
          %get3A_153 = arith.constant 176 : index
          %get3A_154 = tpu.vector_load %arg20[%get3A_152, %get3A_153] {strides = array<i32>} : memref<80x256xf32, #tpu.memory_space<vmem>>, vector<16xf32>,
          %mul3A_155 = arith.mulf %div3A_151, %get3A_154 : vector<16xf32>
          %swap3A_156 = arith.index_cast %add3A_50 : i32 to index
          %swap3A_157 = arith.constant 48 : index
          %swap3A_158 = tpu.vector_load %arg22[%swap3A_156, %swap3A_157] {strides = array<i32>} : memref<80x128xf32, #tpu.memory_space<vmem>>, vector<16xf32>,
          tpu.vector_store %arg22[%swap3A_156, %swap3A_157], %mul3A_155 {strides = array<i32>} : memref<80x128xf32, #tpu.memory_space<vmem>>, vector<16xf32>,
          %get3A_159 = arith.index_cast %add3A_50 : i32 to index
          %get3A_160 = arith.constant 64 : index
          %get3A_161 = tpu.vector_load %arg21[%get3A_159, %get3A_160] {strides = array<i32>} : memref<80x128xf32, #tpu.memory_space<vmem>>, vector<16xf32>,
          %get3A_162 = arith.index_cast %add3A_50 : i32 to index
          %get3A_163 = arith.constant 64 : index
          %get3A_164 = tpu.vector_load %arg20[%get3A_162, %get3A_163] {strides = array<i32>} : memref<80x256xf32, #tpu.memory_space<vmem>>, vector<16xf32>,
          %add3A_165 = arith.addf %get3A_161, %get3A_164 : vector<16xf32>
          %get3A_166 = arith.constant 64 : index
          %get3A_167 = tpu.vector_load %arg19[%get3A_166] {strides = array<i32>} : memref<128xf32, #tpu.memory_space<vmem>>, vector<16xf32>,
          %mul3A_168 = arith.mulf %gather3A, %get3A_167 : vector<16xf32>
          %add3A_169 = arith.addf %add3A_165, %mul3A_168 : vector<16xf32>
          %neg3A_170 = arith.constant 0.000000e+00 : f32
          %neg3A_171 = vector.broadcast %neg3A_170 : f32 to vector<16xf32>
          %neg3A_172 = arith.subf %neg3A_171, %add3A_169 : vector<16xf32>
          %exp3A_173 = math.exp %neg3A_172 : vector<16xf32>
          %add3A_174 = arith.constant 1.000000e+00 : f32
          %add3A_175 = vector.broadcast %add3A_174 : f32 to vector<16xf32>
          %add3A_176 = arith.addf %add3A_175, %exp3A_173 : vector<16xf32>
          %div3A_177 = arith.constant 1.000000e+00 : f32
          %div3A_178 = vector.broadcast %div3A_177 : f32 to vector<16xf32>
          %div3A_179 = arith.divf %div3A_178, %add3A_176 : vector<16xf32>
          %get3A_180 = arith.index_cast %add3A_50 : i32 to index
          %get3A_181 = arith.constant 192 : index
          %get3A_182 = tpu.vector_load %arg20[%get3A_180, %get3A_181] {strides = array<i32>} : memref<80x256xf32, #tpu.memory_space<vmem>>, vector<16xf32>,
          %mul3A_183 = arith.mulf %div3A_179, %get3A_182 : vector<16xf32>
          %swap3A_184 = arith.index_cast %add3A_50 : i32 to index
          %swap3A_185 = arith.constant 64 : index
          %swap3A_186 = tpu.vector_load %arg22[%swap3A_184, %swap3A_185] {strides = array<i32>} : memref<80x128xf32, #tpu.memory_space<vmem>>, vector<16xf32>,
          tpu.vector_store %arg22[%swap3A_184, %swap3A_185], %mul3A_183 {strides = array<i32>} : memref<80x128xf32, #tpu.memory_space<vmem>>, vector<16xf32>,
          %get3A_187 = arith.index_cast %add3A_50 : i32 to index
          %get3A_188 = arith.constant 80 : index
          %get3A_189 = tpu.vector_load %arg21[%get3A_187, %get3A_188] {strides = array<i32>} : memref<80x128xf32, #tpu.memory_space<vmem>>, vector<16xf32>,
          %get3A_190 = arith.index_cast %add3A_50 : i32 to index
          %get3A_191 = arith.constant 80 : index
          %get3A_192 = tpu.vector_load %arg20[%get3A_190, %get3A_191] {strides = array<i32>} : memref<80x256xf32, #tpu.memory_space<vmem>>, vector<16xf32>,
          %add3A_193 = arith.addf %get3A_189, %get3A_192 : vector<16xf32>
          %get3A_194 = arith.constant 80 : index
          %get3A_195 = tpu.vector_load %arg19[%get3A_194] {strides = array<i32>} : memref<128xf32, #tpu.memory_space<vmem>>, vector<16xf32>,
          %mul3A_196 = arith.mulf %gather3A, %get3A_195 : vector<16xf32>
          %add3A_197 = arith.addf %add3A_193, %mul3A_196 : vector<16xf32>
          %neg3A_198 = arith.constant 0.000000e+00 : f32
          %neg3A_199 = vector.broadcast %neg3A_198 : f32 to vector<16xf32>
          %neg3A_200 = arith.subf %neg3A_199, %add3A_197 : vector<16xf32>
          %exp3A_201 = math.exp %neg3A_200 : vector<16xf32>
          %add3A_202 = arith.constant 1.000000e+00 : f32
          %add3A_203 = vector.broadcast %add3A_202 : f32 to vector<16xf32>
          %add3A_204 = arith.addf %add3A_203, %exp3A_201 : vector<16xf32>
          %div3A_205 = arith.constant 1.000000e+00 : f32
          %div3A_206 = vector.broadcast %div3A_205 : f32 to vector<16xf32>
          %div3A_207 = arith.divf %div3A_206, %add3A_204 : vector<16xf32>
          %get3A_208 = arith.index_cast %add3A_50 : i32 to index
          %get3A_209 = arith.constant 208 : index
          %get3A_210 = tpu.vector_load %arg20[%get3A_208, %get3A_209] {strides = array<i32>} : memref<80x256xf32, #tpu.memory_space<vmem>>, vector<16xf32>,
          %mul3A_211 = arith.mulf %div3A_207, %get3A_210 : vector<16xf32>
          %swap3A_212 = arith.index_cast %add3A_50 : i32 to index
          %swap3A_213 = arith.constant 80 : index
          %swap3A_214 = tpu.vector_load %arg22[%swap3A_212, %swap3A_213] {strides = array<i32>} : memref<80x128xf32, #tpu.memory_space<vmem>>, vector<16xf32>,
          tpu.vector_store %arg22[%swap3A_212, %swap3A_213], %mul3A_211 {strides = array<i32>} : memref<80x128xf32, #tpu.memory_space<vmem>>, vector<16xf32>,
          %get3A_215 = arith.index_cast %add3A_50 : i32 to index
          %get3A_216 = arith.constant 96 : index
          %get3A_217 = tpu.vector_load %arg21[%get3A_215, %get3A_216] {strides = array<i32>} : memref<80x128xf32, #tpu.memory_space<vmem>>, vector<16xf32>,
          %get3A_218 = arith.index_cast %add3A_50 : i32 to index
          %get3A_219 = arith.constant 96 : index
          %get3A_220 = tpu.vector_load %arg20[%get3A_218, %get3A_219] {strides = array<i32>} : memref<80x256xf32, #tpu.memory_space<vmem>>, vector<16xf32>,
          %add3A_221 = arith.addf %get3A_217, %get3A_220 : vector<16xf32>
          %get3A_222 = arith.constant 96 : index
          %get3A_223 = tpu.vector_load %arg19[%get3A_222] {strides = array<i32>} : memref<128xf32, #tpu.memory_space<vmem>>, vector<16xf32>,
          %mul3A_224 = arith.mulf %gather3A, %get3A_223 : vector<16xf32>
          %add3A_225 = arith.addf %add3A_221, %mul3A_224 : vector<16xf32>
          %neg3A_226 = arith.constant 0.000000e+00 : f32
          %neg3A_227 = vector.broadcast %neg3A_226 : f32 to vector<16xf32>
          %neg3A_228 = arith.subf %neg3A_227, %add3A_225 : vector<16xf32>
          %exp3A_229 = math.exp %neg3A_228 : vector<16xf32>
          %add3A_230 = arith.constant 1.000000e+00 : f32
          %add3A_231 = vector.broadcast %add3A_230 : f32 to vector<16xf32>
          %add3A_232 = arith.addf %add3A_231, %exp3A_229 : vector<16xf32>
          %div3A_233 = arith.constant 1.000000e+00 : f32
          %div3A_234 = vector.broadcast %div3A_233 : f32 to vector<16xf32>
          %div3A_235 = arith.divf %div3A_234, %add3A_232 : vector<16xf32>
          %get3A_236 = arith.index_cast %add3A_50 : i32 to index
          %get3A_237 = arith.constant 224 : index
          %get3A_238 = tpu.vector_load %arg20[%get3A_236, %get3A_237] {strides = array<i32>} : memref<80x256xf32, #tpu.memory_space<vmem>>, vector<16xf32>,
          %mul3A_239 = arith.mulf %div3A_235, %get3A_238 : vector<16xf32>
          %swap3A_240 = arith.index_cast %add3A_50 : i32 to index
          %swap3A_241 = arith.constant 96 : index
          %swap3A_242 = tpu.vector_load %arg22[%swap3A_240, %swap3A_241] {strides = array<i32>} : memref<80x128xf32, #tpu.memory_space<vmem>>, vector<16xf32>,
          tpu.vector_store %arg22[%swap3A_240, %swap3A_241], %mul3A_239 {strides = array<i32>} : memref<80x128xf32, #tpu.memory_space<vmem>>, vector<16xf32>,
          %get3A_243 = arith.index_cast %add3A_50 : i32 to index
          %get3A_244 = arith.constant 112 : index
          %get3A_245 = tpu.vector_load %arg21[%get3A_243, %get3A_244] {strides = array<i32>} : memref<80x128xf32, #tpu.memory_space<vmem>>, vector<16xf32>,
          %get3A_246 = arith.index_cast %add3A_50 : i32 to index
          %get3A_247 = arith.constant 112 : index
          %get3A_248 = tpu.vector_load %arg20[%get3A_246, %get3A_247] {strides = array<i32>} : memref<80x256xf32, #tpu.memory_space<vmem>>, vector<16xf32>,
          %add3A_249 = arith.addf %get3A_245, %get3A_248 : vector<16xf32>
          %get3A_250 = arith.constant 112 : index
          %get3A_251 = tpu.vector_load %arg19[%get3A_250] {strides = array<i32>} : memref<128xf32, #tpu.memory_space<vmem>>, vector<16xf32>,
          %mul3A_252 = arith.mulf %gather3A, %get3A_251 : vector<16xf32>
          %add3A_253 = arith.addf %add3A_249, %mul3A_252 : vector<16xf32>
          %neg3A_254 = arith.constant 0.000000e+00 : f32
          %neg3A_255 = vector.broadcast %neg3A_254 : f32 to vector<16xf32>
          %neg3A_256 = arith.subf %neg3A_255, %add3A_253 : vector<16xf32>
          %exp3A_257 = math.exp %neg3A_256 : vector<16xf32>
          %add3A_258 = arith.constant 1.000000e+00 : f32
          %add3A_259 = vector.broadcast %add3A_258 : f32 to vector<16xf32>
          %add3A_260 = arith.addf %add3A_259, %exp3A_257 : vector<16xf32>
          %div3A_261 = arith.constant 1.000000e+00 : f32
          %div3A_262 = vector.broadcast %div3A_261 : f32 to vector<16xf32>
          %div3A_263 = arith.divf %div3A_262, %add3A_260 : vector<16xf32>
          %get3A_264 = arith.index_cast %add3A_50 : i32 to index
          %get3A_265 = arith.constant 240 : index
          %get3A_266 = tpu.vector_load %arg20[%get3A_264, %get3A_265] {strides = array<i32>} : memref<80x256xf32, #tpu.memory_space<vmem>>, vector<16xf32>,
          %mul3A_267 = arith.mulf %div3A_263, %get3A_266 : vector<16xf32>
          %swap3A_268 = arith.index_cast %add3A_50 : i32 to index
          %swap3A_269 = arith.constant 112 : index
          %swap3A_270 = tpu.vector_load %arg22[%swap3A_268, %swap3A_269] {strides = array<i32>} : memref<80x128xf32, #tpu.memory_space<vmem>>, vector<16xf32>,
          tpu.vector_store %arg22[%swap3A_268, %swap3A_269], %mul3A_267 {strides = array<i32>} : memref<80x128xf32, #tpu.memory_space<vmem>>, vector<16xf32>,
        }
        %scan3A_45 = arith.constant 80 : i32
        "tpu.region"() ({
          %run_scoped3A = tpu.sem_alloc : memref<!tpu.dma_semaphore, #tpu.memory_space<semaphore_mem>>
          %dma_start3A = arith.constant 0 : i32
          %dma_start3A_46 = arith.constant 0 : i32
          %dma_start3A_47 = tpu.memref_slice %arg23[%dma_start3A, %dma_start3A_46] : memref<10000x128xf32, #tpu.memory_space<vmem_shared>> -> memref<10000x128xf32, #tpu.memory_space<vmem_shared>>
          tpu.enqueue_indirect_dma source(%arg22 : memref<80x128xf32, #tpu.memory_space<vmem>>) target(%dma_start3A_47 : memref<10000x128xf32, #tpu.memory_space<vmem_shared>>) offsets(%arg17 : memref<80xi32, #tpu.memory_space<vmem>>) semaphore(%run_scoped3A : memref<!tpu.dma_semaphore, #tpu.memory_space<semaphore_mem>>) {add = true}
          %dma_wait3A = arith.constant 0 : i32
          %dma_wait3A_48 = arith.constant 0 : i32
          %dma_wait3A_49 = tpu.memref_slice %arg23[%dma_wait3A, %dma_wait3A_48] : memref<10000x128xf32, #tpu.memory_space<vmem_shared>> -> memref<10000x128xf32, #tpu.memory_space<vmem_shared>>
          tpu.wait_indirect_dma semaphore(%run_scoped3A : memref<!tpu.dma_semaphore, #tpu.memory_space<semaphore_mem>>) src(%arg22 : memref<80x128xf32, #tpu.memory_space<vmem>>) dst(%dma_wait3A_49 : memref<10000x128xf32, #tpu.memory_space<vmem_shared>>)
          tpu.yield
        }) : () -> ()
      }
      %scan3A_33 = arith.constant 250 : i32
    } else {
    }
    %eq3A_12 = arith.constant 1 : i32
    %eq3A_13 = arith.cmpi eq, %arg0, %eq3A_12 : i32
    %convert_element_type3A_14 = arith.extui %eq3A_13 : i1 to i32
    %cond3A_15 = arith.constant 0 : i32
    %cond3A_16 = arith.cmpi ne, %convert_element_type3A_14, %cond3A_15 : i32
    scf.if %cond3A_16 {
      "tpu.region"() ({
        %run_scoped3A = tpu.sem_alloc : memref<!tpu.dma_semaphore, #tpu.memory_space<semaphore_mem>>
        tpu.enqueue_dma source(%arg13 : memref<128xf32, #tpu.memory_space<hbm>>) target(%arg19 : memref<128xf32, #tpu.memory_space<vmem>>) target_semaphore(%run_scoped3A : memref<!tpu.dma_semaphore, #tpu.memory_space<semaphore_mem>>)
        tpu.wait_dma2 semaphore(%run_scoped3A : memref<!tpu.dma_semaphore, #tpu.memory_space<semaphore_mem>>) src(%arg13 : memref<128xf32, #tpu.memory_space<hbm>>) dst(%arg19 : memref<128xf32, #tpu.memory_space<vmem>>)
        tpu.yield
      }) : () -> ()
      %mul3A = arith.constant 20000 : i32
      %mul3A_28 = arith.muli %arg1, %mul3A : i32
      %scan3A_29 = arith.constant 0 : i32
      %scan3A_30 = arith.constant 250 : i32
      %scan3A_31 = arith.addi %scan3A_29, %scan3A_30 : i32
      %scan3A_32 = arith.constant 1 : i32
      scf.for %scan3A_34 = %scan3A_29 to %scan3A_31 step %scan3A_32  : i32 {
        %mul3A_35 = arith.constant 1 : i32
        %mul3A_36 = arith.muli %scan3A_34, %mul3A_35 : i32
        %add3A = arith.constant 0 : i32
        %add3A_37 = arith.addi %add3A, %mul3A_36 : i32
        %mul3A_38 = arith.constant 80 : i32
        %mul3A_39 = arith.muli %add3A_37, %mul3A_38 : i32
        %add3A_40 = arith.addi %mul3A_28, %mul3A_39 : i32
        "tpu.region"() ({
          %run_scoped3A = tpu.sem_alloc : memref<!tpu.dma_semaphore, #tpu.memory_space<semaphore_mem>>
          %dma_start3A = tpu.memref_slice %arg10[%add3A_40] : memref<320000xi32, #tpu.memory_space<hbm>> -> memref<80xi32, #tpu.memory_space<hbm>>
          %dma_start3A_46 = tpu.memref_slice %arg10[%add3A_40] : memref<320000xi32, #tpu.memory_space<hbm>> -> memref<80xi32, #tpu.memory_space<hbm>>
          tpu.enqueue_dma source(%dma_start3A_46 : memref<80xi32, #tpu.memory_space<hbm>>) target(%arg16 : memref<80xi32, #tpu.memory_space<vmem>>) target_semaphore(%run_scoped3A : memref<!tpu.dma_semaphore, #tpu.memory_space<semaphore_mem>>)
          %dma_wait3A = tpu.memref_slice %arg10[%add3A_40] : memref<320000xi32, #tpu.memory_space<hbm>> -> memref<80xi32, #tpu.memory_space<hbm>>
          %dma_wait3A_47 = tpu.memref_slice %arg10[%add3A_40] : memref<320000xi32, #tpu.memory_space<hbm>> -> memref<80xi32, #tpu.memory_space<hbm>>
          tpu.wait_dma2 semaphore(%run_scoped3A : memref<!tpu.dma_semaphore, #tpu.memory_space<semaphore_mem>>) src(%dma_wait3A_47 : memref<80xi32, #tpu.memory_space<hbm>>) dst(%arg16 : memref<80xi32, #tpu.memory_space<vmem>>)
          tpu.yield
        }) : () -> ()
        "tpu.region"() ({
          %run_scoped3A = tpu.sem_alloc : memref<!tpu.dma_semaphore, #tpu.memory_space<semaphore_mem>>
          %dma_start3A = tpu.memref_slice %arg11[%add3A_40] : memref<320000xi32, #tpu.memory_space<hbm>> -> memref<80xi32, #tpu.memory_space<hbm>>
          %dma_start3A_46 = tpu.memref_slice %arg11[%add3A_40] : memref<320000xi32, #tpu.memory_space<hbm>> -> memref<80xi32, #tpu.memory_space<hbm>>
          tpu.enqueue_dma source(%dma_start3A_46 : memref<80xi32, #tpu.memory_space<hbm>>) target(%arg17 : memref<80xi32, #tpu.memory_space<vmem>>) target_semaphore(%run_scoped3A : memref<!tpu.dma_semaphore, #tpu.memory_space<semaphore_mem>>)
          %dma_wait3A = tpu.memref_slice %arg11[%add3A_40] : memref<320000xi32, #tpu.memory_space<hbm>> -> memref<80xi32, #tpu.memory_space<hbm>>
          %dma_wait3A_47 = tpu.memref_slice %arg11[%add3A_40] : memref<320000xi32, #tpu.memory_space<hbm>> -> memref<80xi32, #tpu.memory_space<hbm>>
          tpu.wait_dma2 semaphore(%run_scoped3A : memref<!tpu.dma_semaphore, #tpu.memory_space<semaphore_mem>>) src(%dma_wait3A_47 : memref<80xi32, #tpu.memory_space<hbm>>) dst(%arg17 : memref<80xi32, #tpu.memory_space<vmem>>)
          tpu.yield
        }) : () -> ()
        "tpu.region"() ({
          %run_scoped3A = tpu.sem_alloc : memref<!tpu.dma_semaphore, #tpu.memory_space<semaphore_mem>>
          %dma_start3A = tpu.memref_slice %arg12[%add3A_40] : memref<320000xf32, #tpu.memory_space<hbm>> -> memref<80xf32, #tpu.memory_space<hbm>>
          %dma_start3A_46 = tpu.memref_slice %arg12[%add3A_40] : memref<320000xf32, #tpu.memory_space<hbm>> -> memref<80xf32, #tpu.memory_space<hbm>>
          tpu.enqueue_dma source(%dma_start3A_46 : memref<80xf32, #tpu.memory_space<hbm>>) target(%arg18 : memref<80xf32, #tpu.memory_space<vmem>>) target_semaphore(%run_scoped3A : memref<!tpu.dma_semaphore, #tpu.memory_space<semaphore_mem>>)
          %dma_wait3A = tpu.memref_slice %arg12[%add3A_40] : memref<320000xf32, #tpu.memory_space<hbm>> -> memref<80xf32, #tpu.memory_space<hbm>>
          %dma_wait3A_47 = tpu.memref_slice %arg12[%add3A_40] : memref<320000xf32, #tpu.memory_space<hbm>> -> memref<80xf32, #tpu.memory_space<hbm>>
          tpu.wait_dma2 semaphore(%run_scoped3A : memref<!tpu.dma_semaphore, #tpu.memory_space<semaphore_mem>>) src(%dma_wait3A_47 : memref<80xf32, #tpu.memory_space<hbm>>) dst(%arg18 : memref<80xf32, #tpu.memory_space<vmem>>)
          tpu.yield
        }) : () -> ()
        "tpu.region"() ({
          %run_scoped3A = tpu.sem_alloc : memref<!tpu.dma_semaphore, #tpu.memory_space<semaphore_mem>>
          %dma_start3A = arith.constant 0 : i32
          %dma_start3A_46 = arith.constant 0 : i32
          %dma_start3A_47 = tpu.memref_slice %arg8[%dma_start3A, %dma_start3A_46] : memref<10000x256xf32, #tpu.memory_space<hbm>> -> memref<10000x256xf32, #tpu.memory_space<hbm>>
          tpu.enqueue_indirect_dma source(%dma_start3A_47 : memref<10000x256xf32, #tpu.memory_space<hbm>>) target(%arg20 : memref<80x256xf32, #tpu.memory_space<vmem>>) offsets(%arg16 : memref<80xi32, #tpu.memory_space<vmem>>) semaphore(%run_scoped3A : memref<!tpu.dma_semaphore, #tpu.memory_space<semaphore_mem>>)
          %dma_wait3A = arith.constant 0 : i32
          %dma_wait3A_48 = arith.constant 0 : i32
          %dma_wait3A_49 = tpu.memref_slice %arg8[%dma_wait3A, %dma_wait3A_48] : memref<10000x256xf32, #tpu.memory_space<hbm>> -> memref<10000x256xf32, #tpu.memory_space<hbm>>
          tpu.wait_indirect_dma semaphore(%run_scoped3A : memref<!tpu.dma_semaphore, #tpu.memory_space<semaphore_mem>>) src(%dma_wait3A_49 : memref<10000x256xf32, #tpu.memory_space<hbm>>) dst(%arg20 : memref<80x256xf32, #tpu.memory_space<vmem>>)
          tpu.yield
        }) : () -> ()
        "tpu.region"() ({
          %run_scoped3A = tpu.sem_alloc : memref<!tpu.dma_semaphore, #tpu.memory_space<semaphore_mem>>
          %dma_start3A = arith.constant 0 : i32
          %dma_start3A_46 = arith.constant 0 : i32
          %dma_start3A_47 = tpu.memref_slice %arg9[%dma_start3A, %dma_start3A_46] : memref<10000x128xf32, #tpu.memory_space<hbm>> -> memref<10000x128xf32, #tpu.memory_space<hbm>>
          tpu.enqueue_indirect_dma source(%dma_start3A_47 : memref<10000x128xf32, #tpu.memory_space<hbm>>) target(%arg21 : memref<80x128xf32, #tpu.memory_space<vmem>>) offsets(%arg17 : memref<80xi32, #tpu.memory_space<vmem>>) semaphore(%run_scoped3A : memref<!tpu.dma_semaphore, #tpu.memory_space<semaphore_mem>>)
          %dma_wait3A = arith.constant 0 : i32
          %dma_wait3A_48 = arith.constant 0 : i32
          %dma_wait3A_49 = tpu.memref_slice %arg9[%dma_wait3A, %dma_wait3A_48] : memref<10000x128xf32, #tpu.memory_space<hbm>> -> memref<10000x128xf32, #tpu.memory_space<hbm>>
          tpu.wait_indirect_dma semaphore(%run_scoped3A : memref<!tpu.dma_semaphore, #tpu.memory_space<semaphore_mem>>) src(%dma_wait3A_49 : memref<10000x128xf32, #tpu.memory_space<hbm>>) dst(%arg21 : memref<80x128xf32, #tpu.memory_space<vmem>>)
          tpu.yield
        }) : () -> ()
        %scan3A_41 = arith.constant 0 : i32
        %scan3A_42 = arith.constant 80 : i32
        %scan3A_43 = arith.addi %scan3A_41, %scan3A_42 : i32
        %scan3A_44 = arith.constant 1 : i32
        scf.for %scan3A_46 = %scan3A_41 to %scan3A_43 step %scan3A_44  : i32 {
          %mul3A_47 = arith.constant 1 : i32
          %mul3A_48 = arith.muli %scan3A_46, %mul3A_47 : i32
          %add3A_49 = arith.constant 0 : i32
          %add3A_50 = arith.addi %add3A_49, %mul3A_48 : i32
          %broadcast_in_dim3A_51 = vector.broadcast %add3A_50 : i32 to vector<16xi32>
          %gather3A = tpu.vector_load_idx %arg18[%broadcast_in_dim3A_51] : memref<80xf32, #tpu.memory_space<vmem>>[vector<16xi32>], vector<16xf32>,
          %get3A = arith.index_cast %add3A_50 : i32 to index
          %get3A_52 = arith.constant 0 : index
          %get3A_53 = tpu.vector_load %arg21[%get3A, %get3A_52] {strides = array<i32>} : memref<80x128xf32, #tpu.memory_space<vmem>>, vector<16xf32>,
          %get3A_54 = arith.index_cast %add3A_50 : i32 to index
          %get3A_55 = arith.constant 0 : index
          %get3A_56 = tpu.vector_load %arg20[%get3A_54, %get3A_55] {strides = array<i32>} : memref<80x256xf32, #tpu.memory_space<vmem>>, vector<16xf32>,
          %add3A_57 = arith.addf %get3A_53, %get3A_56 : vector<16xf32>
          %get3A_58 = arith.constant 0 : index
          %get3A_59 = tpu.vector_load %arg19[%get3A_58] {strides = array<i32>} : memref<128xf32, #tpu.memory_space<vmem>>, vector<16xf32>,
          %mul3A_60 = arith.mulf %gather3A, %get3A_59 : vector<16xf32>
          %add3A_61 = arith.addf %add3A_57, %mul3A_60 : vector<16xf32>
          %neg3A = arith.constant 0.000000e+00 : f32
          %neg3A_62 = vector.broadcast %neg3A : f32 to vector<16xf32>
          %neg3A_63 = arith.subf %neg3A_62, %add3A_61 : vector<16xf32>
          %exp3A = math.exp %neg3A_63 : vector<16xf32>
          %add3A_64 = arith.constant 1.000000e+00 : f32
          %add3A_65 = vector.broadcast %add3A_64 : f32 to vector<16xf32>
          %add3A_66 = arith.addf %add3A_65, %exp3A : vector<16xf32>
          %div3A = arith.constant 1.000000e+00 : f32
          %div3A_67 = vector.broadcast %div3A : f32 to vector<16xf32>
          %div3A_68 = arith.divf %div3A_67, %add3A_66 : vector<16xf32>
          %get3A_69 = arith.index_cast %add3A_50 : i32 to index
          %get3A_70 = arith.constant 128 : index
          %get3A_71 = tpu.vector_load %arg20[%get3A_69, %get3A_70] {strides = array<i32>} : memref<80x256xf32, #tpu.memory_space<vmem>>, vector<16xf32>,
          %mul3A_72 = arith.mulf %div3A_68, %get3A_71 : vector<16xf32>
          %swap3A = arith.index_cast %add3A_50 : i32 to index
          %swap3A_73 = arith.constant 0 : index
          %swap3A_74 = tpu.vector_load %arg22[%swap3A, %swap3A_73] {strides = array<i32>} : memref<80x128xf32, #tpu.memory_space<vmem>>, vector<16xf32>,
          tpu.vector_store %arg22[%swap3A, %swap3A_73], %mul3A_72 {strides = array<i32>} : memref<80x128xf32, #tpu.memory_space<vmem>>, vector<16xf32>,
          %get3A_75 = arith.index_cast %add3A_50 : i32 to index
          %get3A_76 = arith.constant 16 : index
          %get3A_77 = tpu.vector_load %arg21[%get3A_75, %get3A_76] {strides = array<i32>} : memref<80x128xf32, #tpu.memory_space<vmem>>, vector<16xf32>,
          %get3A_78 = arith.index_cast %add3A_50 : i32 to index
          %get3A_79 = arith.constant 16 : index
          %get3A_80 = tpu.vector_load %arg20[%get3A_78, %get3A_79] {strides = array<i32>} : memref<80x256xf32, #tpu.memory_space<vmem>>, vector<16xf32>,
          %add3A_81 = arith.addf %get3A_77, %get3A_80 : vector<16xf32>
          %get3A_82 = arith.constant 16 : index
          %get3A_83 = tpu.vector_load %arg19[%get3A_82] {strides = array<i32>} : memref<128xf32, #tpu.memory_space<vmem>>, vector<16xf32>,
          %mul3A_84 = arith.mulf %gather3A, %get3A_83 : vector<16xf32>
          %add3A_85 = arith.addf %add3A_81, %mul3A_84 : vector<16xf32>
          %neg3A_86 = arith.constant 0.000000e+00 : f32
          %neg3A_87 = vector.broadcast %neg3A_86 : f32 to vector<16xf32>
          %neg3A_88 = arith.subf %neg3A_87, %add3A_85 : vector<16xf32>
          %exp3A_89 = math.exp %neg3A_88 : vector<16xf32>
          %add3A_90 = arith.constant 1.000000e+00 : f32
          %add3A_91 = vector.broadcast %add3A_90 : f32 to vector<16xf32>
          %add3A_92 = arith.addf %add3A_91, %exp3A_89 : vector<16xf32>
          %div3A_93 = arith.constant 1.000000e+00 : f32
          %div3A_94 = vector.broadcast %div3A_93 : f32 to vector<16xf32>
          %div3A_95 = arith.divf %div3A_94, %add3A_92 : vector<16xf32>
          %get3A_96 = arith.index_cast %add3A_50 : i32 to index
          %get3A_97 = arith.constant 144 : index
          %get3A_98 = tpu.vector_load %arg20[%get3A_96, %get3A_97] {strides = array<i32>} : memref<80x256xf32, #tpu.memory_space<vmem>>, vector<16xf32>,
          %mul3A_99 = arith.mulf %div3A_95, %get3A_98 : vector<16xf32>
          %swap3A_100 = arith.index_cast %add3A_50 : i32 to index
          %swap3A_101 = arith.constant 16 : index
          %swap3A_102 = tpu.vector_load %arg22[%swap3A_100, %swap3A_101] {strides = array<i32>} : memref<80x128xf32, #tpu.memory_space<vmem>>, vector<16xf32>,
          tpu.vector_store %arg22[%swap3A_100, %swap3A_101], %mul3A_99 {strides = array<i32>} : memref<80x128xf32, #tpu.memory_space<vmem>>, vector<16xf32>,
          %get3A_103 = arith.index_cast %add3A_50 : i32 to index
          %get3A_104 = arith.constant 32 : index
          %get3A_105 = tpu.vector_load %arg21[%get3A_103, %get3A_104] {strides = array<i32>} : memref<80x128xf32, #tpu.memory_space<vmem>>, vector<16xf32>,
          %get3A_106 = arith.index_cast %add3A_50 : i32 to index
          %get3A_107 = arith.constant 32 : index
          %get3A_108 = tpu.vector_load %arg20[%get3A_106, %get3A_107] {strides = array<i32>} : memref<80x256xf32, #tpu.memory_space<vmem>>, vector<16xf32>,
          %add3A_109 = arith.addf %get3A_105, %get3A_108 : vector<16xf32>
          %get3A_110 = arith.constant 32 : index
          %get3A_111 = tpu.vector_load %arg19[%get3A_110] {strides = array<i32>} : memref<128xf32, #tpu.memory_space<vmem>>, vector<16xf32>,
          %mul3A_112 = arith.mulf %gather3A, %get3A_111 : vector<16xf32>
          %add3A_113 = arith.addf %add3A_109, %mul3A_112 : vector<16xf32>
          %neg3A_114 = arith.constant 0.000000e+00 : f32
          %neg3A_115 = vector.broadcast %neg3A_114 : f32 to vector<16xf32>
          %neg3A_116 = arith.subf %neg3A_115, %add3A_113 : vector<16xf32>
          %exp3A_117 = math.exp %neg3A_116 : vector<16xf32>
          %add3A_118 = arith.constant 1.000000e+00 : f32
          %add3A_119 = vector.broadcast %add3A_118 : f32 to vector<16xf32>
          %add3A_120 = arith.addf %add3A_119, %exp3A_117 : vector<16xf32>
          %div3A_121 = arith.constant 1.000000e+00 : f32
          %div3A_122 = vector.broadcast %div3A_121 : f32 to vector<16xf32>
          %div3A_123 = arith.divf %div3A_122, %add3A_120 : vector<16xf32>
          %get3A_124 = arith.index_cast %add3A_50 : i32 to index
          %get3A_125 = arith.constant 160 : index
          %get3A_126 = tpu.vector_load %arg20[%get3A_124, %get3A_125] {strides = array<i32>} : memref<80x256xf32, #tpu.memory_space<vmem>>, vector<16xf32>,
          %mul3A_127 = arith.mulf %div3A_123, %get3A_126 : vector<16xf32>
          %swap3A_128 = arith.index_cast %add3A_50 : i32 to index
          %swap3A_129 = arith.constant 32 : index
          %swap3A_130 = tpu.vector_load %arg22[%swap3A_128, %swap3A_129] {strides = array<i32>} : memref<80x128xf32, #tpu.memory_space<vmem>>, vector<16xf32>,
          tpu.vector_store %arg22[%swap3A_128, %swap3A_129], %mul3A_127 {strides = array<i32>} : memref<80x128xf32, #tpu.memory_space<vmem>>, vector<16xf32>,
          %get3A_131 = arith.index_cast %add3A_50 : i32 to index
          %get3A_132 = arith.constant 48 : index
          %get3A_133 = tpu.vector_load %arg21[%get3A_131, %get3A_132] {strides = array<i32>} : memref<80x128xf32, #tpu.memory_space<vmem>>, vector<16xf32>,
          %get3A_134 = arith.index_cast %add3A_50 : i32 to index
          %get3A_135 = arith.constant 48 : index
          %get3A_136 = tpu.vector_load %arg20[%get3A_134, %get3A_135] {strides = array<i32>} : memref<80x256xf32, #tpu.memory_space<vmem>>, vector<16xf32>,
          %add3A_137 = arith.addf %get3A_133, %get3A_136 : vector<16xf32>
          %get3A_138 = arith.constant 48 : index
          %get3A_139 = tpu.vector_load %arg19[%get3A_138] {strides = array<i32>} : memref<128xf32, #tpu.memory_space<vmem>>, vector<16xf32>,
          %mul3A_140 = arith.mulf %gather3A, %get3A_139 : vector<16xf32>
          %add3A_141 = arith.addf %add3A_137, %mul3A_140 : vector<16xf32>
          %neg3A_142 = arith.constant 0.000000e+00 : f32
          %neg3A_143 = vector.broadcast %neg3A_142 : f32 to vector<16xf32>
          %neg3A_144 = arith.subf %neg3A_143, %add3A_141 : vector<16xf32>
          %exp3A_145 = math.exp %neg3A_144 : vector<16xf32>
          %add3A_146 = arith.constant 1.000000e+00 : f32
          %add3A_147 = vector.broadcast %add3A_146 : f32 to vector<16xf32>
          %add3A_148 = arith.addf %add3A_147, %exp3A_145 : vector<16xf32>
          %div3A_149 = arith.constant 1.000000e+00 : f32
          %div3A_150 = vector.broadcast %div3A_149 : f32 to vector<16xf32>
          %div3A_151 = arith.divf %div3A_150, %add3A_148 : vector<16xf32>
          %get3A_152 = arith.index_cast %add3A_50 : i32 to index
          %get3A_153 = arith.constant 176 : index
          %get3A_154 = tpu.vector_load %arg20[%get3A_152, %get3A_153] {strides = array<i32>} : memref<80x256xf32, #tpu.memory_space<vmem>>, vector<16xf32>,
          %mul3A_155 = arith.mulf %div3A_151, %get3A_154 : vector<16xf32>
          %swap3A_156 = arith.index_cast %add3A_50 : i32 to index
          %swap3A_157 = arith.constant 48 : index
          %swap3A_158 = tpu.vector_load %arg22[%swap3A_156, %swap3A_157] {strides = array<i32>} : memref<80x128xf32, #tpu.memory_space<vmem>>, vector<16xf32>,
          tpu.vector_store %arg22[%swap3A_156, %swap3A_157], %mul3A_155 {strides = array<i32>} : memref<80x128xf32, #tpu.memory_space<vmem>>, vector<16xf32>,
          %get3A_159 = arith.index_cast %add3A_50 : i32 to index
          %get3A_160 = arith.constant 64 : index
          %get3A_161 = tpu.vector_load %arg21[%get3A_159, %get3A_160] {strides = array<i32>} : memref<80x128xf32, #tpu.memory_space<vmem>>, vector<16xf32>,
          %get3A_162 = arith.index_cast %add3A_50 : i32 to index
          %get3A_163 = arith.constant 64 : index
          %get3A_164 = tpu.vector_load %arg20[%get3A_162, %get3A_163] {strides = array<i32>} : memref<80x256xf32, #tpu.memory_space<vmem>>, vector<16xf32>,
          %add3A_165 = arith.addf %get3A_161, %get3A_164 : vector<16xf32>
          %get3A_166 = arith.constant 64 : index
          %get3A_167 = tpu.vector_load %arg19[%get3A_166] {strides = array<i32>} : memref<128xf32, #tpu.memory_space<vmem>>, vector<16xf32>,
          %mul3A_168 = arith.mulf %gather3A, %get3A_167 : vector<16xf32>
          %add3A_169 = arith.addf %add3A_165, %mul3A_168 : vector<16xf32>
          %neg3A_170 = arith.constant 0.000000e+00 : f32
          %neg3A_171 = vector.broadcast %neg3A_170 : f32 to vector<16xf32>
          %neg3A_172 = arith.subf %neg3A_171, %add3A_169 : vector<16xf32>
          %exp3A_173 = math.exp %neg3A_172 : vector<16xf32>
          %add3A_174 = arith.constant 1.000000e+00 : f32
          %add3A_175 = vector.broadcast %add3A_174 : f32 to vector<16xf32>
          %add3A_176 = arith.addf %add3A_175, %exp3A_173 : vector<16xf32>
          %div3A_177 = arith.constant 1.000000e+00 : f32
          %div3A_178 = vector.broadcast %div3A_177 : f32 to vector<16xf32>
          %div3A_179 = arith.divf %div3A_178, %add3A_176 : vector<16xf32>
          %get3A_180 = arith.index_cast %add3A_50 : i32 to index
          %get3A_181 = arith.constant 192 : index
          %get3A_182 = tpu.vector_load %arg20[%get3A_180, %get3A_181] {strides = array<i32>} : memref<80x256xf32, #tpu.memory_space<vmem>>, vector<16xf32>,
          %mul3A_183 = arith.mulf %div3A_179, %get3A_182 : vector<16xf32>
          %swap3A_184 = arith.index_cast %add3A_50 : i32 to index
          %swap3A_185 = arith.constant 64 : index
          %swap3A_186 = tpu.vector_load %arg22[%swap3A_184, %swap3A_185] {strides = array<i32>} : memref<80x128xf32, #tpu.memory_space<vmem>>, vector<16xf32>,
          tpu.vector_store %arg22[%swap3A_184, %swap3A_185], %mul3A_183 {strides = array<i32>} : memref<80x128xf32, #tpu.memory_space<vmem>>, vector<16xf32>,
          %get3A_187 = arith.index_cast %add3A_50 : i32 to index
          %get3A_188 = arith.constant 80 : index
          %get3A_189 = tpu.vector_load %arg21[%get3A_187, %get3A_188] {strides = array<i32>} : memref<80x128xf32, #tpu.memory_space<vmem>>, vector<16xf32>,
          %get3A_190 = arith.index_cast %add3A_50 : i32 to index
          %get3A_191 = arith.constant 80 : index
          %get3A_192 = tpu.vector_load %arg20[%get3A_190, %get3A_191] {strides = array<i32>} : memref<80x256xf32, #tpu.memory_space<vmem>>, vector<16xf32>,
          %add3A_193 = arith.addf %get3A_189, %get3A_192 : vector<16xf32>
          %get3A_194 = arith.constant 80 : index
          %get3A_195 = tpu.vector_load %arg19[%get3A_194] {strides = array<i32>} : memref<128xf32, #tpu.memory_space<vmem>>, vector<16xf32>,
          %mul3A_196 = arith.mulf %gather3A, %get3A_195 : vector<16xf32>
          %add3A_197 = arith.addf %add3A_193, %mul3A_196 : vector<16xf32>
          %neg3A_198 = arith.constant 0.000000e+00 : f32
          %neg3A_199 = vector.broadcast %neg3A_198 : f32 to vector<16xf32>
          %neg3A_200 = arith.subf %neg3A_199, %add3A_197 : vector<16xf32>
          %exp3A_201 = math.exp %neg3A_200 : vector<16xf32>
          %add3A_202 = arith.constant 1.000000e+00 : f32
          %add3A_203 = vector.broadcast %add3A_202 : f32 to vector<16xf32>
          %add3A_204 = arith.addf %add3A_203, %exp3A_201 : vector<16xf32>
          %div3A_205 = arith.constant 1.000000e+00 : f32
          %div3A_206 = vector.broadcast %div3A_205 : f32 to vector<16xf32>
          %div3A_207 = arith.divf %div3A_206, %add3A_204 : vector<16xf32>
          %get3A_208 = arith.index_cast %add3A_50 : i32 to index
          %get3A_209 = arith.constant 208 : index
          %get3A_210 = tpu.vector_load %arg20[%get3A_208, %get3A_209] {strides = array<i32>} : memref<80x256xf32, #tpu.memory_space<vmem>>, vector<16xf32>,
          %mul3A_211 = arith.mulf %div3A_207, %get3A_210 : vector<16xf32>
          %swap3A_212 = arith.index_cast %add3A_50 : i32 to index
          %swap3A_213 = arith.constant 80 : index
          %swap3A_214 = tpu.vector_load %arg22[%swap3A_212, %swap3A_213] {strides = array<i32>} : memref<80x128xf32, #tpu.memory_space<vmem>>, vector<16xf32>,
          tpu.vector_store %arg22[%swap3A_212, %swap3A_213], %mul3A_211 {strides = array<i32>} : memref<80x128xf32, #tpu.memory_space<vmem>>, vector<16xf32>,
          %get3A_215 = arith.index_cast %add3A_50 : i32 to index
          %get3A_216 = arith.constant 96 : index
          %get3A_217 = tpu.vector_load %arg21[%get3A_215, %get3A_216] {strides = array<i32>} : memref<80x128xf32, #tpu.memory_space<vmem>>, vector<16xf32>,
          %get3A_218 = arith.index_cast %add3A_50 : i32 to index
          %get3A_219 = arith.constant 96 : index
          %get3A_220 = tpu.vector_load %arg20[%get3A_218, %get3A_219] {strides = array<i32>} : memref<80x256xf32, #tpu.memory_space<vmem>>, vector<16xf32>,
          %add3A_221 = arith.addf %get3A_217, %get3A_220 : vector<16xf32>
          %get3A_222 = arith.constant 96 : index
          %get3A_223 = tpu.vector_load %arg19[%get3A_222] {strides = array<i32>} : memref<128xf32, #tpu.memory_space<vmem>>, vector<16xf32>,
          %mul3A_224 = arith.mulf %gather3A, %get3A_223 : vector<16xf32>
          %add3A_225 = arith.addf %add3A_221, %mul3A_224 : vector<16xf32>
          %neg3A_226 = arith.constant 0.000000e+00 : f32
          %neg3A_227 = vector.broadcast %neg3A_226 : f32 to vector<16xf32>
          %neg3A_228 = arith.subf %neg3A_227, %add3A_225 : vector<16xf32>
          %exp3A_229 = math.exp %neg3A_228 : vector<16xf32>
          %add3A_230 = arith.constant 1.000000e+00 : f32
          %add3A_231 = vector.broadcast %add3A_230 : f32 to vector<16xf32>
          %add3A_232 = arith.addf %add3A_231, %exp3A_229 : vector<16xf32>
          %div3A_233 = arith.constant 1.000000e+00 : f32
          %div3A_234 = vector.broadcast %div3A_233 : f32 to vector<16xf32>
          %div3A_235 = arith.divf %div3A_234, %add3A_232 : vector<16xf32>
          %get3A_236 = arith.index_cast %add3A_50 : i32 to index
          %get3A_237 = arith.constant 224 : index
          %get3A_238 = tpu.vector_load %arg20[%get3A_236, %get3A_237] {strides = array<i32>} : memref<80x256xf32, #tpu.memory_space<vmem>>, vector<16xf32>,
          %mul3A_239 = arith.mulf %div3A_235, %get3A_238 : vector<16xf32>
          %swap3A_240 = arith.index_cast %add3A_50 : i32 to index
          %swap3A_241 = arith.constant 96 : index
          %swap3A_242 = tpu.vector_load %arg22[%swap3A_240, %swap3A_241] {strides = array<i32>} : memref<80x128xf32, #tpu.memory_space<vmem>>, vector<16xf32>,
          tpu.vector_store %arg22[%swap3A_240, %swap3A_241], %mul3A_239 {strides = array<i32>} : memref<80x128xf32, #tpu.memory_space<vmem>>, vector<16xf32>,
          %get3A_243 = arith.index_cast %add3A_50 : i32 to index
          %get3A_244 = arith.constant 112 : index
          %get3A_245 = tpu.vector_load %arg21[%get3A_243, %get3A_244] {strides = array<i32>} : memref<80x128xf32, #tpu.memory_space<vmem>>, vector<16xf32>,
          %get3A_246 = arith.index_cast %add3A_50 : i32 to index
          %get3A_247 = arith.constant 112 : index
          %get3A_248 = tpu.vector_load %arg20[%get3A_246, %get3A_247] {strides = array<i32>} : memref<80x256xf32, #tpu.memory_space<vmem>>, vector<16xf32>,
          %add3A_249 = arith.addf %get3A_245, %get3A_248 : vector<16xf32>
          %get3A_250 = arith.constant 112 : index
          %get3A_251 = tpu.vector_load %arg19[%get3A_250] {strides = array<i32>} : memref<128xf32, #tpu.memory_space<vmem>>, vector<16xf32>,
          %mul3A_252 = arith.mulf %gather3A, %get3A_251 : vector<16xf32>
          %add3A_253 = arith.addf %add3A_249, %mul3A_252 : vector<16xf32>
          %neg3A_254 = arith.constant 0.000000e+00 : f32
          %neg3A_255 = vector.broadcast %neg3A_254 : f32 to vector<16xf32>
          %neg3A_256 = arith.subf %neg3A_255, %add3A_253 : vector<16xf32>
          %exp3A_257 = math.exp %neg3A_256 : vector<16xf32>
          %add3A_258 = arith.constant 1.000000e+00 : f32
          %add3A_259 = vector.broadcast %add3A_258 : f32 to vector<16xf32>
          %add3A_260 = arith.addf %add3A_259, %exp3A_257 : vector<16xf32>
          %div3A_261 = arith.constant 1.000000e+00 : f32
          %div3A_262 = vector.broadcast %div3A_261 : f32 to vector<16xf32>
          %div3A_263 = arith.divf %div3A_262, %add3A_260 : vector<16xf32>
          %get3A_264 = arith.index_cast %add3A_50 : i32 to index
          %get3A_265 = arith.constant 240 : index
          %get3A_266 = tpu.vector_load %arg20[%get3A_264, %get3A_265] {strides = array<i32>} : memref<80x256xf32, #tpu.memory_space<vmem>>, vector<16xf32>,
          %mul3A_267 = arith.mulf %div3A_263, %get3A_266 : vector<16xf32>
          %swap3A_268 = arith.index_cast %add3A_50 : i32 to index
          %swap3A_269 = arith.constant 112 : index
          %swap3A_270 = tpu.vector_load %arg22[%swap3A_268, %swap3A_269] {strides = array<i32>} : memref<80x128xf32, #tpu.memory_space<vmem>>, vector<16xf32>,
          tpu.vector_store %arg22[%swap3A_268, %swap3A_269], %mul3A_267 {strides = array<i32>} : memref<80x128xf32, #tpu.memory_space<vmem>>, vector<16xf32>,
        }
        %scan3A_45 = arith.constant 80 : i32
        "tpu.region"() ({
          %run_scoped3A = tpu.sem_alloc : memref<!tpu.dma_semaphore, #tpu.memory_space<semaphore_mem>>
          %dma_start3A = arith.constant 0 : i32
          %dma_start3A_46 = arith.constant 0 : i32
          %dma_start3A_47 = tpu.memref_slice %arg23[%dma_start3A, %dma_start3A_46] : memref<10000x128xf32, #tpu.memory_space<vmem_shared>> -> memref<10000x128xf32, #tpu.memory_space<vmem_shared>>
          tpu.enqueue_indirect_dma source(%arg22 : memref<80x128xf32, #tpu.memory_space<vmem>>) target(%dma_start3A_47 : memref<10000x128xf32, #tpu.memory_space<vmem_shared>>) offsets(%arg17 : memref<80xi32, #tpu.memory_space<vmem>>) semaphore(%run_scoped3A : memref<!tpu.dma_semaphore, #tpu.memory_space<semaphore_mem>>) {add = true}
          %dma_wait3A = arith.constant 0 : i32
          %dma_wait3A_48 = arith.constant 0 : i32
          %dma_wait3A_49 = tpu.memref_slice %arg23[%dma_wait3A, %dma_wait3A_48] : memref<10000x128xf32, #tpu.memory_space<vmem_shared>> -> memref<10000x128xf32, #tpu.memory_space<vmem_shared>>
          tpu.wait_indirect_dma semaphore(%run_scoped3A : memref<!tpu.dma_semaphore, #tpu.memory_space<semaphore_mem>>) src(%arg22 : memref<80x128xf32, #tpu.memory_space<vmem>>) dst(%dma_wait3A_49 : memref<10000x128xf32, #tpu.memory_space<vmem_shared>>)
          tpu.yield
        }) : () -> ()
      }
      %scan3A_33 = arith.constant 250 : i32
    } else {
    }
    %barrier3A_17 = arith.constant 0 : index
    tpu.barrier barrier_id(%barrier3A_17)
    %eq3A_18 = arith.constant 0 : i32
    %eq3A_19 = arith.cmpi eq, %arg0, %eq3A_18 : i32
    %convert_element_type3A_20 = arith.extui %eq3A_19 : i1 to i32
    %cond3A_21 = arith.constant 0 : i32
    %cond3A_22 = arith.cmpi ne, %convert_element_type3A_20, %cond3A_21 : i32
    scf.if %cond3A_22 {
      %scan3A_28 = arith.constant 0 : i32
      %scan3A_29 = arith.constant 8 : i32
      %scan3A_30 = arith.addi %scan3A_28, %scan3A_29 : i32
      %scan3A_31 = arith.constant 1 : i32
      scf.for %scan3A_33 = %scan3A_28 to %scan3A_30 step %scan3A_31  : i32 {
        %mul3A = arith.constant 1 : i32
        %mul3A_34 = arith.muli %scan3A_33, %mul3A : i32
        %add3A = arith.constant 0 : i32
        %add3A_35 = arith.addi %add3A, %mul3A_34 : i32
        %mul3A_36 = arith.constant 16 : i32
        %mul3A_37 = arith.muli %mul3A_36, %add3A_35 : i32
        %add3A_38 = arith.addi %arg1, %mul3A_37 : i32
        %lt3A = arith.constant 125 : i32
        %lt3A_39 = arith.cmpi slt, %add3A_38, %lt3A : i32
        %convert_element_type3A_40 = arith.extui %lt3A_39 : i1 to i32
        %cond3A_41 = arith.constant 0 : i32
        %cond3A_42 = arith.cmpi ne, %convert_element_type3A_40, %cond3A_41 : i32
        scf.if %cond3A_42 {
          %mul3A_43 = arith.constant 80 : i32
          %mul3A_44 = arith.muli %add3A_38, %mul3A_43 : i32
          "tpu.region"() ({
            %run_scoped3A = tpu.sem_alloc : memref<!tpu.dma_semaphore, #tpu.memory_space<semaphore_mem>>
            %dma_start3A = arith.constant 0 : i32
            %dma_start3A_47 = tpu.memref_slice %arg23[%mul3A_44, %dma_start3A] : memref<10000x128xf32, #tpu.memory_space<vmem_shared>> -> memref<80x128xf32, #tpu.memory_space<vmem_shared>>
            %dma_start3A_48 = arith.constant 0 : i32
            %dma_start3A_49 = tpu.memref_slice %arg23[%mul3A_44, %dma_start3A_48] : memref<10000x128xf32, #tpu.memory_space<vmem_shared>> -> memref<80x128xf32, #tpu.memory_space<vmem_shared>>
            tpu.enqueue_dma source(%dma_start3A_49 : memref<80x128xf32, #tpu.memory_space<vmem_shared>>) target(%arg22 : memref<80x128xf32, #tpu.memory_space<vmem>>) target_semaphore(%run_scoped3A : memref<!tpu.dma_semaphore, #tpu.memory_space<semaphore_mem>>)
            %dma_wait3A = arith.constant 0 : i32
            %dma_wait3A_50 = tpu.memref_slice %arg23[%mul3A_44, %dma_wait3A] : memref<10000x128xf32, #tpu.memory_space<vmem_shared>> -> memref<80x128xf32, #tpu.memory_space<vmem_shared>>
            %dma_wait3A_51 = arith.constant 0 : i32
            %dma_wait3A_52 = tpu.memref_slice %arg23[%mul3A_44, %dma_wait3A_51] : memref<10000x128xf32, #tpu.memory_space<vmem_shared>> -> memref<80x128xf32, #tpu.memory_space<vmem_shared>>
            tpu.wait_dma2 semaphore(%run_scoped3A : memref<!tpu.dma_semaphore, #tpu.memory_space<semaphore_mem>>) src(%dma_wait3A_52 : memref<80x128xf32, #tpu.memory_space<vmem_shared>>) dst(%arg22 : memref<80x128xf32, #tpu.memory_space<vmem>>)
            tpu.yield
          }) : () -> ()
          %mul3A_45 = arith.constant 80 : i32
          %mul3A_46 = arith.muli %add3A_38, %mul3A_45 : i32
          "tpu.region"() ({
            %run_scoped3A = tpu.sem_alloc : memref<!tpu.dma_semaphore, #tpu.memory_space<semaphore_mem>>
            %dma_start3A = arith.constant 0 : i32
            %dma_start3A_47 = tpu.memref_slice %arg14[%mul3A_46, %dma_start3A] : memref<10000x128xf32, #tpu.memory_space<hbm>> -> memref<80x128xf32, #tpu.memory_space<hbm>>
            %dma_start3A_48 = arith.constant 0 : i32
            %dma_start3A_49 = tpu.memref_slice %arg14[%mul3A_46, %dma_start3A_48] : memref<10000x128xf32, #tpu.memory_space<hbm>> -> memref<80x128xf32, #tpu.memory_space<hbm>>
            tpu.enqueue_dma source(%arg22 : memref<80x128xf32, #tpu.memory_space<vmem>>) target(%dma_start3A_49 : memref<80x128xf32, #tpu.memory_space<hbm>>) target_semaphore(%run_scoped3A : memref<!tpu.dma_semaphore, #tpu.memory_space<semaphore_mem>>)
            %dma_wait3A = arith.constant 0 : i32
            %dma_wait3A_50 = tpu.memref_slice %arg14[%mul3A_46, %dma_wait3A] : memref<10000x128xf32, #tpu.memory_space<hbm>> -> memref<80x128xf32, #tpu.memory_space<hbm>>
            %dma_wait3A_51 = arith.constant 0 : i32
            %dma_wait3A_52 = tpu.memref_slice %arg14[%mul3A_46, %dma_wait3A_51] : memref<10000x128xf32, #tpu.memory_space<hbm>> -> memref<80x128xf32, #tpu.memory_space<hbm>>
            tpu.wait_dma2 semaphore(%run_scoped3A : memref<!tpu.dma_semaphore, #tpu.memory_space<semaphore_mem>>) src(%arg22 : memref<80x128xf32, #tpu.memory_space<vmem>>) dst(%dma_wait3A_52 : memref<80x128xf32, #tpu.memory_space<hbm>>)
            tpu.yield
          }) : () -> ()
        } else {
        }
      }
      %scan3A_32 = arith.constant 8 : i32
    } else {
    }
    %eq3A_23 = arith.constant 1 : i32
    %eq3A_24 = arith.cmpi eq, %arg0, %eq3A_23 : i32
    %convert_element_type3A_25 = arith.extui %eq3A_24 : i1 to i32
    %cond3A_26 = arith.constant 0 : i32
    %cond3A_27 = arith.cmpi ne, %convert_element_type3A_25, %cond3A_26 : i32
    scf.if %cond3A_27 {
      %scan3A_28 = arith.constant 0 : i32
      %scan3A_29 = arith.constant 8 : i32
      %scan3A_30 = arith.addi %scan3A_28, %scan3A_29 : i32
      %scan3A_31 = arith.constant 1 : i32
      scf.for %scan3A_33 = %scan3A_28 to %scan3A_30 step %scan3A_31  : i32 {
        %mul3A = arith.constant 1 : i32
        %mul3A_34 = arith.muli %scan3A_33, %mul3A : i32
        %add3A = arith.constant 0 : i32
        %add3A_35 = arith.addi %add3A, %mul3A_34 : i32
        %mul3A_36 = arith.constant 16 : i32
        %mul3A_37 = arith.muli %mul3A_36, %add3A_35 : i32
        %add3A_38 = arith.addi %arg1, %mul3A_37 : i32
        %lt3A = arith.constant 125 : i32
        %lt3A_39 = arith.cmpi slt, %add3A_38, %lt3A : i32
        %convert_element_type3A_40 = arith.extui %lt3A_39 : i1 to i32
        %cond3A_41 = arith.constant 0 : i32
        %cond3A_42 = arith.cmpi ne, %convert_element_type3A_40, %cond3A_41 : i32
        scf.if %cond3A_42 {
          %mul3A_43 = arith.constant 80 : i32
          %mul3A_44 = arith.muli %add3A_38, %mul3A_43 : i32
          "tpu.region"() ({
            %run_scoped3A = tpu.sem_alloc : memref<!tpu.dma_semaphore, #tpu.memory_space<semaphore_mem>>
            %dma_start3A = arith.constant 0 : i32
            %dma_start3A_47 = tpu.memref_slice %arg23[%mul3A_44, %dma_start3A] : memref<10000x128xf32, #tpu.memory_space<vmem_shared>> -> memref<80x128xf32, #tpu.memory_space<vmem_shared>>
            %dma_start3A_48 = arith.constant 0 : i32
            %dma_start3A_49 = tpu.memref_slice %arg23[%mul3A_44, %dma_start3A_48] : memref<10000x128xf32, #tpu.memory_space<vmem_shared>> -> memref<80x128xf32, #tpu.memory_space<vmem_shared>>
            tpu.enqueue_dma source(%dma_start3A_49 : memref<80x128xf32, #tpu.memory_space<vmem_shared>>) target(%arg22 : memref<80x128xf32, #tpu.memory_space<vmem>>) target_semaphore(%run_scoped3A : memref<!tpu.dma_semaphore, #tpu.memory_space<semaphore_mem>>)
            %dma_wait3A = arith.constant 0 : i32
            %dma_wait3A_50 = tpu.memref_slice %arg23[%mul3A_44, %dma_wait3A] : memref<10000x128xf32, #tpu.memory_space<vmem_shared>> -> memref<80x128xf32, #tpu.memory_space<vmem_shared>>
            %dma_wait3A_51 = arith.constant 0 : i32
            %dma_wait3A_52 = tpu.memref_slice %arg23[%mul3A_44, %dma_wait3A_51] : memref<10000x128xf32, #tpu.memory_space<vmem_shared>> -> memref<80x128xf32, #tpu.memory_space<vmem_shared>>
            tpu.wait_dma2 semaphore(%run_scoped3A : memref<!tpu.dma_semaphore, #tpu.memory_space<semaphore_mem>>) src(%dma_wait3A_52 : memref<80x128xf32, #tpu.memory_space<vmem_shared>>) dst(%arg22 : memref<80x128xf32, #tpu.memory_space<vmem>>)
            tpu.yield
          }) : () -> ()
          %mul3A_45 = arith.constant 80 : i32
          %mul3A_46 = arith.muli %add3A_38, %mul3A_45 : i32
          "tpu.region"() ({
            %run_scoped3A = tpu.sem_alloc : memref<!tpu.dma_semaphore, #tpu.memory_space<semaphore_mem>>
            %dma_start3A = arith.constant 0 : i32
            %dma_start3A_47 = tpu.memref_slice %arg15[%mul3A_46, %dma_start3A] : memref<10000x128xf32, #tpu.memory_space<hbm>> -> memref<80x128xf32, #tpu.memory_space<hbm>>
            %dma_start3A_48 = arith.constant 0 : i32
            %dma_start3A_49 = tpu.memref_slice %arg15[%mul3A_46, %dma_start3A_48] : memref<10000x128xf32, #tpu.memory_space<hbm>> -> memref<80x128xf32, #tpu.memory_space<hbm>>
            tpu.enqueue_dma source(%arg22 : memref<80x128xf32, #tpu.memory_space<vmem>>) target(%dma_start3A_49 : memref<80x128xf32, #tpu.memory_space<hbm>>) target_semaphore(%run_scoped3A : memref<!tpu.dma_semaphore, #tpu.memory_space<semaphore_mem>>)
            %dma_wait3A = arith.constant 0 : i32
            %dma_wait3A_50 = tpu.memref_slice %arg15[%mul3A_46, %dma_wait3A] : memref<10000x128xf32, #tpu.memory_space<hbm>> -> memref<80x128xf32, #tpu.memory_space<hbm>>
            %dma_wait3A_51 = arith.constant 0 : i32
            %dma_wait3A_52 = tpu.memref_slice %arg15[%mul3A_46, %dma_wait3A_51] : memref<10000x128xf32, #tpu.memory_space<hbm>> -> memref<80x128xf32, #tpu.memory_space<hbm>>
            tpu.wait_dma2 semaphore(%run_scoped3A : memref<!tpu.dma_semaphore, #tpu.memory_space<semaphore_mem>>) src(%arg22 : memref<80x128xf32, #tpu.memory_space<vmem>>) dst(%dma_wait3A_52 : memref<80x128xf32, #tpu.memory_space<hbm>>)
            tpu.yield
          }) : () -> ()
        } else {
        }
      }
      %scan3A_32 = arith.constant 8 : i32
    } else {
    }
    return
  }
}

#map = affine_map<(d0, d1) -> (0, 0)>
#map1 = affine_map<(d0, d1) -> (0)>
#map2 = affine_map<(d0, d1) -> (0, 0, 0)>
module attributes {stable_mosaic.version = 14 : i64} {
  func.func @k(%arg0: i32, %arg1: i32, %arg2: memref<10000x256xf32, #tpu.memory_space<hbm>>, %arg3: memref<10000x128xf32, #tpu.memory_space<hbm>>, %arg4: memref<320000xi32, #tpu.memory_space<hbm>>, %arg5: memref<320000xi32, #tpu.memory_space<hbm>>, %arg6: memref<320000xf32, #tpu.memory_space<hbm>>, %arg7: memref<128xf32, #tpu.memory_space<hbm>>, %arg8: memref<2x10000x128xf32, #tpu.memory_space<hbm>>, %arg9: memref<80xi32, #tpu.memory_space<vmem>>, %arg10: memref<80xi32, #tpu.memory_space<vmem>>, %arg11: memref<80xf32, #tpu.memory_space<vmem>>, %arg12: memref<128xf32, #tpu.memory_space<vmem>>, %arg13: memref<80x256xf32, #tpu.memory_space<vmem>>, %arg14: memref<80x128xf32, #tpu.memory_space<vmem>>, %arg15: memref<80x128xf32, #tpu.memory_space<vmem>>, %arg16: memref<10000x128xf32, #tpu.memory_space<vmem_shared>>) attributes {dimension_semantics = [#tpu.dimension_semantics<core_parallel>, #tpu.dimension_semantics<subcore_parallel>], iteration_bounds = array<i64: 2, 16>, scalar_prefetch = 0 : i64, scratch_operands = 8 : i64, tpu.core_type = #tpu.core_type<sc_vector_subcore>, window_params = [{transform_indices = #map}, {transform_indices = #map}, {transform_indices = #map1}, {transform_indices = #map1}, {transform_indices = #map1}, {transform_indices = #map1}, {transform_indices = #map2}]} {
    %broadcast_in_dim3A = arith.constant 0.000000e+00 : f32
    %broadcast_in_dim3A_0 = vector.broadcast %broadcast_in_dim3A : f32 to vector<16xf32>
    %scan3A = arith.constant 0 : i32
    %scan3A_1 = arith.constant 80 : i32
    %scan3A_2 = arith.addi %scan3A, %scan3A_1 : i32
    %scan3A_3 = arith.constant 1 : i32
    scf.for %scan3A_24 = %scan3A to %scan3A_2 step %scan3A_3  : i32 {
      %mul3A_25 = arith.constant 1 : i32
      %mul3A_26 = arith.muli %scan3A_24, %mul3A_25 : i32
      %add3A_27 = arith.constant 0 : i32
      %add3A_28 = arith.addi %add3A_27, %mul3A_26 : i32
      %swap3A = arith.index_cast %add3A_28 : i32 to index
      %swap3A_29 = arith.constant 0 : index
      %swap3A_30 = tpu.vector_load %arg15[%swap3A, %swap3A_29] {strides = array<i32>} : memref<80x128xf32, #tpu.memory_space<vmem>>, vector<16xf32>,
      tpu.vector_store %arg15[%swap3A, %swap3A_29], %broadcast_in_dim3A_0 {strides = array<i32>} : memref<80x128xf32, #tpu.memory_space<vmem>>, vector<16xf32>,
      %swap3A_31 = arith.index_cast %add3A_28 : i32 to index
      %swap3A_32 = arith.constant 16 : index
      %swap3A_33 = tpu.vector_load %arg15[%swap3A_31, %swap3A_32] {strides = array<i32>} : memref<80x128xf32, #tpu.memory_space<vmem>>, vector<16xf32>,
      tpu.vector_store %arg15[%swap3A_31, %swap3A_32], %broadcast_in_dim3A_0 {strides = array<i32>} : memref<80x128xf32, #tpu.memory_space<vmem>>, vector<16xf32>,
      %swap3A_34 = arith.index_cast %add3A_28 : i32 to index
      %swap3A_35 = arith.constant 32 : index
      %swap3A_36 = tpu.vector_load %arg15[%swap3A_34, %swap3A_35] {strides = array<i32>} : memref<80x128xf32, #tpu.memory_space<vmem>>, vector<16xf32>,
      tpu.vector_store %arg15[%swap3A_34, %swap3A_35], %broadcast_in_dim3A_0 {strides = array<i32>} : memref<80x128xf32, #tpu.memory_space<vmem>>, vector<16xf32>,
      %swap3A_37 = arith.index_cast %add3A_28 : i32 to index
      %swap3A_38 = arith.constant 48 : index
      %swap3A_39 = tpu.vector_load %arg15[%swap3A_37, %swap3A_38] {strides = array<i32>} : memref<80x128xf32, #tpu.memory_space<vmem>>, vector<16xf32>,
      tpu.vector_store %arg15[%swap3A_37, %swap3A_38], %broadcast_in_dim3A_0 {strides = array<i32>} : memref<80x128xf32, #tpu.memory_space<vmem>>, vector<16xf32>,
      %swap3A_40 = arith.index_cast %add3A_28 : i32 to index
      %swap3A_41 = arith.constant 64 : index
      %swap3A_42 = tpu.vector_load %arg15[%swap3A_40, %swap3A_41] {strides = array<i32>} : memref<80x128xf32, #tpu.memory_space<vmem>>, vector<16xf32>,
      tpu.vector_store %arg15[%swap3A_40, %swap3A_41], %broadcast_in_dim3A_0 {strides = array<i32>} : memref<80x128xf32, #tpu.memory_space<vmem>>, vector<16xf32>,
      %swap3A_43 = arith.index_cast %add3A_28 : i32 to index
      %swap3A_44 = arith.constant 80 : index
      %swap3A_45 = tpu.vector_load %arg15[%swap3A_43, %swap3A_44] {strides = array<i32>} : memref<80x128xf32, #tpu.memory_space<vmem>>, vector<16xf32>,
      tpu.vector_store %arg15[%swap3A_43, %swap3A_44], %broadcast_in_dim3A_0 {strides = array<i32>} : memref<80x128xf32, #tpu.memory_space<vmem>>, vector<16xf32>,
      %swap3A_46 = arith.index_cast %add3A_28 : i32 to index
      %swap3A_47 = arith.constant 96 : index
      %swap3A_48 = tpu.vector_load %arg15[%swap3A_46, %swap3A_47] {strides = array<i32>} : memref<80x128xf32, #tpu.memory_space<vmem>>, vector<16xf32>,
      tpu.vector_store %arg15[%swap3A_46, %swap3A_47], %broadcast_in_dim3A_0 {strides = array<i32>} : memref<80x128xf32, #tpu.memory_space<vmem>>, vector<16xf32>,
      %swap3A_49 = arith.index_cast %add3A_28 : i32 to index
      %swap3A_50 = arith.constant 112 : index
      %swap3A_51 = tpu.vector_load %arg15[%swap3A_49, %swap3A_50] {strides = array<i32>} : memref<80x128xf32, #tpu.memory_space<vmem>>, vector<16xf32>,
      tpu.vector_store %arg15[%swap3A_49, %swap3A_50], %broadcast_in_dim3A_0 {strides = array<i32>} : memref<80x128xf32, #tpu.memory_space<vmem>>, vector<16xf32>,
    }
    %scan3A_4 = arith.constant 80 : i32
    %scan3A_5 = arith.constant 0 : i32
    %scan3A_6 = arith.constant 8 : i32
    %scan3A_7 = arith.addi %scan3A_5, %scan3A_6 : i32
    %scan3A_8 = arith.constant 1 : i32
    scf.for %scan3A_24 = %scan3A_5 to %scan3A_7 step %scan3A_8  : i32 {
      %mul3A_25 = arith.constant 1 : i32
      %mul3A_26 = arith.muli %scan3A_24, %mul3A_25 : i32
      %add3A_27 = arith.constant 0 : i32
      %add3A_28 = arith.addi %add3A_27, %mul3A_26 : i32
      %mul3A_29 = arith.constant 16 : i32
      %mul3A_30 = arith.muli %mul3A_29, %add3A_28 : i32
      %add3A_31 = arith.addi %arg1, %mul3A_30 : i32
      %lt3A = arith.constant 125 : i32
      %lt3A_32 = arith.cmpi slt, %add3A_31, %lt3A : i32
      %convert_element_type3A = arith.extui %lt3A_32 : i1 to i32
      %cond3A = arith.constant 0 : i32
      %cond3A_33 = arith.cmpi ne, %convert_element_type3A, %cond3A : i32
      scf.if %cond3A_33 {
        %mul3A_34 = arith.constant 80 : i32
        %mul3A_35 = arith.muli %add3A_31, %mul3A_34 : i32
        "tpu.region"() ({
          %run_scoped3A = tpu.sem_alloc : memref<!tpu.dma_semaphore, #tpu.memory_space<semaphore_mem>>
          %dma_start3A = arith.constant 0 : i32
          %dma_start3A_36 = tpu.memref_slice %arg16[%mul3A_35, %dma_start3A] : memref<10000x128xf32, #tpu.memory_space<vmem_shared>> -> memref<80x128xf32, #tpu.memory_space<vmem_shared>>
          %dma_start3A_37 = arith.constant 0 : i32
          %dma_start3A_38 = tpu.memref_slice %arg16[%mul3A_35, %dma_start3A_37] : memref<10000x128xf32, #tpu.memory_space<vmem_shared>> -> memref<80x128xf32, #tpu.memory_space<vmem_shared>>
          tpu.enqueue_dma source(%arg15 : memref<80x128xf32, #tpu.memory_space<vmem>>) target(%dma_start3A_38 : memref<80x128xf32, #tpu.memory_space<vmem_shared>>) target_semaphore(%run_scoped3A : memref<!tpu.dma_semaphore, #tpu.memory_space<semaphore_mem>>)
          %dma_wait3A = arith.constant 0 : i32
          %dma_wait3A_39 = tpu.memref_slice %arg16[%mul3A_35, %dma_wait3A] : memref<10000x128xf32, #tpu.memory_space<vmem_shared>> -> memref<80x128xf32, #tpu.memory_space<vmem_shared>>
          %dma_wait3A_40 = arith.constant 0 : i32
          %dma_wait3A_41 = tpu.memref_slice %arg16[%mul3A_35, %dma_wait3A_40] : memref<10000x128xf32, #tpu.memory_space<vmem_shared>> -> memref<80x128xf32, #tpu.memory_space<vmem_shared>>
          tpu.wait_dma2 semaphore(%run_scoped3A : memref<!tpu.dma_semaphore, #tpu.memory_space<semaphore_mem>>) src(%arg15 : memref<80x128xf32, #tpu.memory_space<vmem>>) dst(%dma_wait3A_41 : memref<80x128xf32, #tpu.memory_space<vmem_shared>>)
          tpu.yield
        }) : () -> ()
      } else {
      }
    }
    %scan3A_9 = arith.constant 8 : i32
    %barrier3A = arith.constant 0 : index
    tpu.barrier barrier_id(%barrier3A)
    %mul3A = arith.constant 16 : i32
    %mul3A_10 = arith.muli %arg0, %mul3A : i32
    %add3A = arith.addi %mul3A_10, %arg1 : i32
    "tpu.region"() ({
      %run_scoped3A = tpu.sem_alloc : memref<!tpu.dma_semaphore, #tpu.memory_space<semaphore_mem>>
      tpu.enqueue_dma source(%arg7 : memref<128xf32, #tpu.memory_space<hbm>>) target(%arg12 : memref<128xf32, #tpu.memory_space<vmem>>) target_semaphore(%run_scoped3A : memref<!tpu.dma_semaphore, #tpu.memory_space<semaphore_mem>>)
      tpu.wait_dma2 semaphore(%run_scoped3A : memref<!tpu.dma_semaphore, #tpu.memory_space<semaphore_mem>>) src(%arg7 : memref<128xf32, #tpu.memory_space<hbm>>) dst(%arg12 : memref<128xf32, #tpu.memory_space<vmem>>)
      tpu.yield
    }) : () -> ()
    %mul3A_11 = arith.constant 10000 : i32
    %mul3A_12 = arith.muli %add3A, %mul3A_11 : i32
    %scan3A_13 = arith.constant 0 : i32
    %scan3A_14 = arith.constant 125 : i32
    %scan3A_15 = arith.addi %scan3A_13, %scan3A_14 : i32
    %scan3A_16 = arith.constant 1 : i32
    scf.for %scan3A_24 = %scan3A_13 to %scan3A_15 step %scan3A_16  : i32 {
      %mul3A_25 = arith.constant 1 : i32
      %mul3A_26 = arith.muli %scan3A_24, %mul3A_25 : i32
      %add3A_27 = arith.constant 0 : i32
      %add3A_28 = arith.addi %add3A_27, %mul3A_26 : i32
      %mul3A_29 = arith.constant 80 : i32
      %mul3A_30 = arith.muli %add3A_28, %mul3A_29 : i32
      %add3A_31 = arith.addi %mul3A_12, %mul3A_30 : i32
      "tpu.region"() ({
        %run_scoped3A = tpu.sem_alloc : memref<!tpu.dma_semaphore, #tpu.memory_space<semaphore_mem>>
        %dma_start3A = tpu.memref_slice %arg4[%add3A_31] : memref<320000xi32, #tpu.memory_space<hbm>> -> memref<80xi32, #tpu.memory_space<hbm>>
        %dma_start3A_37 = tpu.memref_slice %arg4[%add3A_31] : memref<320000xi32, #tpu.memory_space<hbm>> -> memref<80xi32, #tpu.memory_space<hbm>>
        tpu.enqueue_dma source(%dma_start3A_37 : memref<80xi32, #tpu.memory_space<hbm>>) target(%arg9 : memref<80xi32, #tpu.memory_space<vmem>>) target_semaphore(%run_scoped3A : memref<!tpu.dma_semaphore, #tpu.memory_space<semaphore_mem>>)
        %dma_wait3A = tpu.memref_slice %arg4[%add3A_31] : memref<320000xi32, #tpu.memory_space<hbm>> -> memref<80xi32, #tpu.memory_space<hbm>>
        %dma_wait3A_38 = tpu.memref_slice %arg4[%add3A_31] : memref<320000xi32, #tpu.memory_space<hbm>> -> memref<80xi32, #tpu.memory_space<hbm>>
        tpu.wait_dma2 semaphore(%run_scoped3A : memref<!tpu.dma_semaphore, #tpu.memory_space<semaphore_mem>>) src(%dma_wait3A_38 : memref<80xi32, #tpu.memory_space<hbm>>) dst(%arg9 : memref<80xi32, #tpu.memory_space<vmem>>)
        tpu.yield
      }) : () -> ()
      "tpu.region"() ({
        %run_scoped3A = tpu.sem_alloc : memref<!tpu.dma_semaphore, #tpu.memory_space<semaphore_mem>>
        %dma_start3A = tpu.memref_slice %arg5[%add3A_31] : memref<320000xi32, #tpu.memory_space<hbm>> -> memref<80xi32, #tpu.memory_space<hbm>>
        %dma_start3A_37 = tpu.memref_slice %arg5[%add3A_31] : memref<320000xi32, #tpu.memory_space<hbm>> -> memref<80xi32, #tpu.memory_space<hbm>>
        tpu.enqueue_dma source(%dma_start3A_37 : memref<80xi32, #tpu.memory_space<hbm>>) target(%arg10 : memref<80xi32, #tpu.memory_space<vmem>>) target_semaphore(%run_scoped3A : memref<!tpu.dma_semaphore, #tpu.memory_space<semaphore_mem>>)
        %dma_wait3A = tpu.memref_slice %arg5[%add3A_31] : memref<320000xi32, #tpu.memory_space<hbm>> -> memref<80xi32, #tpu.memory_space<hbm>>
        %dma_wait3A_38 = tpu.memref_slice %arg5[%add3A_31] : memref<320000xi32, #tpu.memory_space<hbm>> -> memref<80xi32, #tpu.memory_space<hbm>>
        tpu.wait_dma2 semaphore(%run_scoped3A : memref<!tpu.dma_semaphore, #tpu.memory_space<semaphore_mem>>) src(%dma_wait3A_38 : memref<80xi32, #tpu.memory_space<hbm>>) dst(%arg10 : memref<80xi32, #tpu.memory_space<vmem>>)
        tpu.yield
      }) : () -> ()
      "tpu.region"() ({
        %run_scoped3A = tpu.sem_alloc : memref<!tpu.dma_semaphore, #tpu.memory_space<semaphore_mem>>
        %dma_start3A = tpu.memref_slice %arg6[%add3A_31] : memref<320000xf32, #tpu.memory_space<hbm>> -> memref<80xf32, #tpu.memory_space<hbm>>
        %dma_start3A_37 = tpu.memref_slice %arg6[%add3A_31] : memref<320000xf32, #tpu.memory_space<hbm>> -> memref<80xf32, #tpu.memory_space<hbm>>
        tpu.enqueue_dma source(%dma_start3A_37 : memref<80xf32, #tpu.memory_space<hbm>>) target(%arg11 : memref<80xf32, #tpu.memory_space<vmem>>) target_semaphore(%run_scoped3A : memref<!tpu.dma_semaphore, #tpu.memory_space<semaphore_mem>>)
        %dma_wait3A = tpu.memref_slice %arg6[%add3A_31] : memref<320000xf32, #tpu.memory_space<hbm>> -> memref<80xf32, #tpu.memory_space<hbm>>
        %dma_wait3A_38 = tpu.memref_slice %arg6[%add3A_31] : memref<320000xf32, #tpu.memory_space<hbm>> -> memref<80xf32, #tpu.memory_space<hbm>>
        tpu.wait_dma2 semaphore(%run_scoped3A : memref<!tpu.dma_semaphore, #tpu.memory_space<semaphore_mem>>) src(%dma_wait3A_38 : memref<80xf32, #tpu.memory_space<hbm>>) dst(%arg11 : memref<80xf32, #tpu.memory_space<vmem>>)
        tpu.yield
      }) : () -> ()
      "tpu.region"() ({
        %run_scoped3A = tpu.sem_alloc : memref<!tpu.dma_semaphore, #tpu.memory_space<semaphore_mem>>
        %dma_start3A = arith.constant 0 : i32
        %dma_start3A_37 = arith.constant 0 : i32
        %dma_start3A_38 = tpu.memref_slice %arg2[%dma_start3A, %dma_start3A_37] : memref<10000x256xf32, #tpu.memory_space<hbm>> -> memref<10000x256xf32, #tpu.memory_space<hbm>>
        tpu.enqueue_indirect_dma source(%dma_start3A_38 : memref<10000x256xf32, #tpu.memory_space<hbm>>) target(%arg13 : memref<80x256xf32, #tpu.memory_space<vmem>>) offsets(%arg9 : memref<80xi32, #tpu.memory_space<vmem>>) semaphore(%run_scoped3A : memref<!tpu.dma_semaphore, #tpu.memory_space<semaphore_mem>>)
        %dma_wait3A = arith.constant 0 : i32
        %dma_wait3A_39 = arith.constant 0 : i32
        %dma_wait3A_40 = tpu.memref_slice %arg2[%dma_wait3A, %dma_wait3A_39] : memref<10000x256xf32, #tpu.memory_space<hbm>> -> memref<10000x256xf32, #tpu.memory_space<hbm>>
        tpu.wait_indirect_dma semaphore(%run_scoped3A : memref<!tpu.dma_semaphore, #tpu.memory_space<semaphore_mem>>) src(%dma_wait3A_40 : memref<10000x256xf32, #tpu.memory_space<hbm>>) dst(%arg13 : memref<80x256xf32, #tpu.memory_space<vmem>>)
        tpu.yield
      }) : () -> ()
      "tpu.region"() ({
        %run_scoped3A = tpu.sem_alloc : memref<!tpu.dma_semaphore, #tpu.memory_space<semaphore_mem>>
        %dma_start3A = arith.constant 0 : i32
        %dma_start3A_37 = arith.constant 0 : i32
        %dma_start3A_38 = tpu.memref_slice %arg3[%dma_start3A, %dma_start3A_37] : memref<10000x128xf32, #tpu.memory_space<hbm>> -> memref<10000x128xf32, #tpu.memory_space<hbm>>
        tpu.enqueue_indirect_dma source(%dma_start3A_38 : memref<10000x128xf32, #tpu.memory_space<hbm>>) target(%arg14 : memref<80x128xf32, #tpu.memory_space<vmem>>) offsets(%arg10 : memref<80xi32, #tpu.memory_space<vmem>>) semaphore(%run_scoped3A : memref<!tpu.dma_semaphore, #tpu.memory_space<semaphore_mem>>)
        %dma_wait3A = arith.constant 0 : i32
        %dma_wait3A_39 = arith.constant 0 : i32
        %dma_wait3A_40 = tpu.memref_slice %arg3[%dma_wait3A, %dma_wait3A_39] : memref<10000x128xf32, #tpu.memory_space<hbm>> -> memref<10000x128xf32, #tpu.memory_space<hbm>>
        tpu.wait_indirect_dma semaphore(%run_scoped3A : memref<!tpu.dma_semaphore, #tpu.memory_space<semaphore_mem>>) src(%dma_wait3A_40 : memref<10000x128xf32, #tpu.memory_space<hbm>>) dst(%arg14 : memref<80x128xf32, #tpu.memory_space<vmem>>)
        tpu.yield
      }) : () -> ()
      %scan3A_32 = arith.constant 0 : i32
      %scan3A_33 = arith.constant 80 : i32
      %scan3A_34 = arith.addi %scan3A_32, %scan3A_33 : i32
      %scan3A_35 = arith.constant 1 : i32
      scf.for %scan3A_37 = %scan3A_32 to %scan3A_34 step %scan3A_35  : i32 {
        %mul3A_38 = arith.constant 1 : i32
        %mul3A_39 = arith.muli %scan3A_37, %mul3A_38 : i32
        %add3A_40 = arith.constant 0 : i32
        %add3A_41 = arith.addi %add3A_40, %mul3A_39 : i32
        %broadcast_in_dim3A_42 = vector.broadcast %add3A_41 : i32 to vector<16xi32>
        %gather3A = tpu.vector_load_idx %arg11[%broadcast_in_dim3A_42] : memref<80xf32, #tpu.memory_space<vmem>>[vector<16xi32>], vector<16xf32>,
        %get3A = arith.index_cast %add3A_41 : i32 to index
        %get3A_43 = arith.constant 0 : index
        %get3A_44 = tpu.vector_load %arg14[%get3A, %get3A_43] {strides = array<i32>} : memref<80x128xf32, #tpu.memory_space<vmem>>, vector<16xf32>,
        %get3A_45 = arith.index_cast %add3A_41 : i32 to index
        %get3A_46 = arith.constant 0 : index
        %get3A_47 = tpu.vector_load %arg13[%get3A_45, %get3A_46] {strides = array<i32>} : memref<80x256xf32, #tpu.memory_space<vmem>>, vector<16xf32>,
        %add3A_48 = arith.addf %get3A_44, %get3A_47 : vector<16xf32>
        %get3A_49 = arith.constant 0 : index
        %get3A_50 = tpu.vector_load %arg12[%get3A_49] {strides = array<i32>} : memref<128xf32, #tpu.memory_space<vmem>>, vector<16xf32>,
        %mul3A_51 = arith.mulf %gather3A, %get3A_50 : vector<16xf32>
        %add3A_52 = arith.addf %add3A_48, %mul3A_51 : vector<16xf32>
        %neg3A = arith.constant 0.000000e+00 : f32
        %neg3A_53 = vector.broadcast %neg3A : f32 to vector<16xf32>
        %neg3A_54 = arith.subf %neg3A_53, %add3A_52 : vector<16xf32>
        %exp3A = math.exp %neg3A_54 : vector<16xf32>
        %add3A_55 = arith.constant 1.000000e+00 : f32
        %add3A_56 = vector.broadcast %add3A_55 : f32 to vector<16xf32>
        %add3A_57 = arith.addf %add3A_56, %exp3A : vector<16xf32>
        %div3A = arith.constant 1.000000e+00 : f32
        %div3A_58 = vector.broadcast %div3A : f32 to vector<16xf32>
        %div3A_59 = arith.divf %div3A_58, %add3A_57 : vector<16xf32>
        %get3A_60 = arith.index_cast %add3A_41 : i32 to index
        %get3A_61 = arith.constant 128 : index
        %get3A_62 = tpu.vector_load %arg13[%get3A_60, %get3A_61] {strides = array<i32>} : memref<80x256xf32, #tpu.memory_space<vmem>>, vector<16xf32>,
        %mul3A_63 = arith.mulf %div3A_59, %get3A_62 : vector<16xf32>
        %swap3A = arith.index_cast %add3A_41 : i32 to index
        %swap3A_64 = arith.constant 0 : index
        %swap3A_65 = tpu.vector_load %arg15[%swap3A, %swap3A_64] {strides = array<i32>} : memref<80x128xf32, #tpu.memory_space<vmem>>, vector<16xf32>,
        tpu.vector_store %arg15[%swap3A, %swap3A_64], %mul3A_63 {strides = array<i32>} : memref<80x128xf32, #tpu.memory_space<vmem>>, vector<16xf32>,
        %get3A_66 = arith.index_cast %add3A_41 : i32 to index
        %get3A_67 = arith.constant 16 : index
        %get3A_68 = tpu.vector_load %arg14[%get3A_66, %get3A_67] {strides = array<i32>} : memref<80x128xf32, #tpu.memory_space<vmem>>, vector<16xf32>,
        %get3A_69 = arith.index_cast %add3A_41 : i32 to index
        %get3A_70 = arith.constant 16 : index
        %get3A_71 = tpu.vector_load %arg13[%get3A_69, %get3A_70] {strides = array<i32>} : memref<80x256xf32, #tpu.memory_space<vmem>>, vector<16xf32>,
        %add3A_72 = arith.addf %get3A_68, %get3A_71 : vector<16xf32>
        %get3A_73 = arith.constant 16 : index
        %get3A_74 = tpu.vector_load %arg12[%get3A_73] {strides = array<i32>} : memref<128xf32, #tpu.memory_space<vmem>>, vector<16xf32>,
        %mul3A_75 = arith.mulf %gather3A, %get3A_74 : vector<16xf32>
        %add3A_76 = arith.addf %add3A_72, %mul3A_75 : vector<16xf32>
        %neg3A_77 = arith.constant 0.000000e+00 : f32
        %neg3A_78 = vector.broadcast %neg3A_77 : f32 to vector<16xf32>
        %neg3A_79 = arith.subf %neg3A_78, %add3A_76 : vector<16xf32>
        %exp3A_80 = math.exp %neg3A_79 : vector<16xf32>
        %add3A_81 = arith.constant 1.000000e+00 : f32
        %add3A_82 = vector.broadcast %add3A_81 : f32 to vector<16xf32>
        %add3A_83 = arith.addf %add3A_82, %exp3A_80 : vector<16xf32>
        %div3A_84 = arith.constant 1.000000e+00 : f32
        %div3A_85 = vector.broadcast %div3A_84 : f32 to vector<16xf32>
        %div3A_86 = arith.divf %div3A_85, %add3A_83 : vector<16xf32>
        %get3A_87 = arith.index_cast %add3A_41 : i32 to index
        %get3A_88 = arith.constant 144 : index
        %get3A_89 = tpu.vector_load %arg13[%get3A_87, %get3A_88] {strides = array<i32>} : memref<80x256xf32, #tpu.memory_space<vmem>>, vector<16xf32>,
        %mul3A_90 = arith.mulf %div3A_86, %get3A_89 : vector<16xf32>
        %swap3A_91 = arith.index_cast %add3A_41 : i32 to index
        %swap3A_92 = arith.constant 16 : index
        %swap3A_93 = tpu.vector_load %arg15[%swap3A_91, %swap3A_92] {strides = array<i32>} : memref<80x128xf32, #tpu.memory_space<vmem>>, vector<16xf32>,
        tpu.vector_store %arg15[%swap3A_91, %swap3A_92], %mul3A_90 {strides = array<i32>} : memref<80x128xf32, #tpu.memory_space<vmem>>, vector<16xf32>,
        %get3A_94 = arith.index_cast %add3A_41 : i32 to index
        %get3A_95 = arith.constant 32 : index
        %get3A_96 = tpu.vector_load %arg14[%get3A_94, %get3A_95] {strides = array<i32>} : memref<80x128xf32, #tpu.memory_space<vmem>>, vector<16xf32>,
        %get3A_97 = arith.index_cast %add3A_41 : i32 to index
        %get3A_98 = arith.constant 32 : index
        %get3A_99 = tpu.vector_load %arg13[%get3A_97, %get3A_98] {strides = array<i32>} : memref<80x256xf32, #tpu.memory_space<vmem>>, vector<16xf32>,
        %add3A_100 = arith.addf %get3A_96, %get3A_99 : vector<16xf32>
        %get3A_101 = arith.constant 32 : index
        %get3A_102 = tpu.vector_load %arg12[%get3A_101] {strides = array<i32>} : memref<128xf32, #tpu.memory_space<vmem>>, vector<16xf32>,
        %mul3A_103 = arith.mulf %gather3A, %get3A_102 : vector<16xf32>
        %add3A_104 = arith.addf %add3A_100, %mul3A_103 : vector<16xf32>
        %neg3A_105 = arith.constant 0.000000e+00 : f32
        %neg3A_106 = vector.broadcast %neg3A_105 : f32 to vector<16xf32>
        %neg3A_107 = arith.subf %neg3A_106, %add3A_104 : vector<16xf32>
        %exp3A_108 = math.exp %neg3A_107 : vector<16xf32>
        %add3A_109 = arith.constant 1.000000e+00 : f32
        %add3A_110 = vector.broadcast %add3A_109 : f32 to vector<16xf32>
        %add3A_111 = arith.addf %add3A_110, %exp3A_108 : vector<16xf32>
        %div3A_112 = arith.constant 1.000000e+00 : f32
        %div3A_113 = vector.broadcast %div3A_112 : f32 to vector<16xf32>
        %div3A_114 = arith.divf %div3A_113, %add3A_111 : vector<16xf32>
        %get3A_115 = arith.index_cast %add3A_41 : i32 to index
        %get3A_116 = arith.constant 160 : index
        %get3A_117 = tpu.vector_load %arg13[%get3A_115, %get3A_116] {strides = array<i32>} : memref<80x256xf32, #tpu.memory_space<vmem>>, vector<16xf32>,
        %mul3A_118 = arith.mulf %div3A_114, %get3A_117 : vector<16xf32>
        %swap3A_119 = arith.index_cast %add3A_41 : i32 to index
        %swap3A_120 = arith.constant 32 : index
        %swap3A_121 = tpu.vector_load %arg15[%swap3A_119, %swap3A_120] {strides = array<i32>} : memref<80x128xf32, #tpu.memory_space<vmem>>, vector<16xf32>,
        tpu.vector_store %arg15[%swap3A_119, %swap3A_120], %mul3A_118 {strides = array<i32>} : memref<80x128xf32, #tpu.memory_space<vmem>>, vector<16xf32>,
        %get3A_122 = arith.index_cast %add3A_41 : i32 to index
        %get3A_123 = arith.constant 48 : index
        %get3A_124 = tpu.vector_load %arg14[%get3A_122, %get3A_123] {strides = array<i32>} : memref<80x128xf32, #tpu.memory_space<vmem>>, vector<16xf32>,
        %get3A_125 = arith.index_cast %add3A_41 : i32 to index
        %get3A_126 = arith.constant 48 : index
        %get3A_127 = tpu.vector_load %arg13[%get3A_125, %get3A_126] {strides = array<i32>} : memref<80x256xf32, #tpu.memory_space<vmem>>, vector<16xf32>,
        %add3A_128 = arith.addf %get3A_124, %get3A_127 : vector<16xf32>
        %get3A_129 = arith.constant 48 : index
        %get3A_130 = tpu.vector_load %arg12[%get3A_129] {strides = array<i32>} : memref<128xf32, #tpu.memory_space<vmem>>, vector<16xf32>,
        %mul3A_131 = arith.mulf %gather3A, %get3A_130 : vector<16xf32>
        %add3A_132 = arith.addf %add3A_128, %mul3A_131 : vector<16xf32>
        %neg3A_133 = arith.constant 0.000000e+00 : f32
        %neg3A_134 = vector.broadcast %neg3A_133 : f32 to vector<16xf32>
        %neg3A_135 = arith.subf %neg3A_134, %add3A_132 : vector<16xf32>
        %exp3A_136 = math.exp %neg3A_135 : vector<16xf32>
        %add3A_137 = arith.constant 1.000000e+00 : f32
        %add3A_138 = vector.broadcast %add3A_137 : f32 to vector<16xf32>
        %add3A_139 = arith.addf %add3A_138, %exp3A_136 : vector<16xf32>
        %div3A_140 = arith.constant 1.000000e+00 : f32
        %div3A_141 = vector.broadcast %div3A_140 : f32 to vector<16xf32>
        %div3A_142 = arith.divf %div3A_141, %add3A_139 : vector<16xf32>
        %get3A_143 = arith.index_cast %add3A_41 : i32 to index
        %get3A_144 = arith.constant 176 : index
        %get3A_145 = tpu.vector_load %arg13[%get3A_143, %get3A_144] {strides = array<i32>} : memref<80x256xf32, #tpu.memory_space<vmem>>, vector<16xf32>,
        %mul3A_146 = arith.mulf %div3A_142, %get3A_145 : vector<16xf32>
        %swap3A_147 = arith.index_cast %add3A_41 : i32 to index
        %swap3A_148 = arith.constant 48 : index
        %swap3A_149 = tpu.vector_load %arg15[%swap3A_147, %swap3A_148] {strides = array<i32>} : memref<80x128xf32, #tpu.memory_space<vmem>>, vector<16xf32>,
        tpu.vector_store %arg15[%swap3A_147, %swap3A_148], %mul3A_146 {strides = array<i32>} : memref<80x128xf32, #tpu.memory_space<vmem>>, vector<16xf32>,
        %get3A_150 = arith.index_cast %add3A_41 : i32 to index
        %get3A_151 = arith.constant 64 : index
        %get3A_152 = tpu.vector_load %arg14[%get3A_150, %get3A_151] {strides = array<i32>} : memref<80x128xf32, #tpu.memory_space<vmem>>, vector<16xf32>,
        %get3A_153 = arith.index_cast %add3A_41 : i32 to index
        %get3A_154 = arith.constant 64 : index
        %get3A_155 = tpu.vector_load %arg13[%get3A_153, %get3A_154] {strides = array<i32>} : memref<80x256xf32, #tpu.memory_space<vmem>>, vector<16xf32>,
        %add3A_156 = arith.addf %get3A_152, %get3A_155 : vector<16xf32>
        %get3A_157 = arith.constant 64 : index
        %get3A_158 = tpu.vector_load %arg12[%get3A_157] {strides = array<i32>} : memref<128xf32, #tpu.memory_space<vmem>>, vector<16xf32>,
        %mul3A_159 = arith.mulf %gather3A, %get3A_158 : vector<16xf32>
        %add3A_160 = arith.addf %add3A_156, %mul3A_159 : vector<16xf32>
        %neg3A_161 = arith.constant 0.000000e+00 : f32
        %neg3A_162 = vector.broadcast %neg3A_161 : f32 to vector<16xf32>
        %neg3A_163 = arith.subf %neg3A_162, %add3A_160 : vector<16xf32>
        %exp3A_164 = math.exp %neg3A_163 : vector<16xf32>
        %add3A_165 = arith.constant 1.000000e+00 : f32
        %add3A_166 = vector.broadcast %add3A_165 : f32 to vector<16xf32>
        %add3A_167 = arith.addf %add3A_166, %exp3A_164 : vector<16xf32>
        %div3A_168 = arith.constant 1.000000e+00 : f32
        %div3A_169 = vector.broadcast %div3A_168 : f32 to vector<16xf32>
        %div3A_170 = arith.divf %div3A_169, %add3A_167 : vector<16xf32>
        %get3A_171 = arith.index_cast %add3A_41 : i32 to index
        %get3A_172 = arith.constant 192 : index
        %get3A_173 = tpu.vector_load %arg13[%get3A_171, %get3A_172] {strides = array<i32>} : memref<80x256xf32, #tpu.memory_space<vmem>>, vector<16xf32>,
        %mul3A_174 = arith.mulf %div3A_170, %get3A_173 : vector<16xf32>
        %swap3A_175 = arith.index_cast %add3A_41 : i32 to index
        %swap3A_176 = arith.constant 64 : index
        %swap3A_177 = tpu.vector_load %arg15[%swap3A_175, %swap3A_176] {strides = array<i32>} : memref<80x128xf32, #tpu.memory_space<vmem>>, vector<16xf32>,
        tpu.vector_store %arg15[%swap3A_175, %swap3A_176], %mul3A_174 {strides = array<i32>} : memref<80x128xf32, #tpu.memory_space<vmem>>, vector<16xf32>,
        %get3A_178 = arith.index_cast %add3A_41 : i32 to index
        %get3A_179 = arith.constant 80 : index
        %get3A_180 = tpu.vector_load %arg14[%get3A_178, %get3A_179] {strides = array<i32>} : memref<80x128xf32, #tpu.memory_space<vmem>>, vector<16xf32>,
        %get3A_181 = arith.index_cast %add3A_41 : i32 to index
        %get3A_182 = arith.constant 80 : index
        %get3A_183 = tpu.vector_load %arg13[%get3A_181, %get3A_182] {strides = array<i32>} : memref<80x256xf32, #tpu.memory_space<vmem>>, vector<16xf32>,
        %add3A_184 = arith.addf %get3A_180, %get3A_183 : vector<16xf32>
        %get3A_185 = arith.constant 80 : index
        %get3A_186 = tpu.vector_load %arg12[%get3A_185] {strides = array<i32>} : memref<128xf32, #tpu.memory_space<vmem>>, vector<16xf32>,
        %mul3A_187 = arith.mulf %gather3A, %get3A_186 : vector<16xf32>
        %add3A_188 = arith.addf %add3A_184, %mul3A_187 : vector<16xf32>
        %neg3A_189 = arith.constant 0.000000e+00 : f32
        %neg3A_190 = vector.broadcast %neg3A_189 : f32 to vector<16xf32>
        %neg3A_191 = arith.subf %neg3A_190, %add3A_188 : vector<16xf32>
        %exp3A_192 = math.exp %neg3A_191 : vector<16xf32>
        %add3A_193 = arith.constant 1.000000e+00 : f32
        %add3A_194 = vector.broadcast %add3A_193 : f32 to vector<16xf32>
        %add3A_195 = arith.addf %add3A_194, %exp3A_192 : vector<16xf32>
        %div3A_196 = arith.constant 1.000000e+00 : f32
        %div3A_197 = vector.broadcast %div3A_196 : f32 to vector<16xf32>
        %div3A_198 = arith.divf %div3A_197, %add3A_195 : vector<16xf32>
        %get3A_199 = arith.index_cast %add3A_41 : i32 to index
        %get3A_200 = arith.constant 208 : index
        %get3A_201 = tpu.vector_load %arg13[%get3A_199, %get3A_200] {strides = array<i32>} : memref<80x256xf32, #tpu.memory_space<vmem>>, vector<16xf32>,
        %mul3A_202 = arith.mulf %div3A_198, %get3A_201 : vector<16xf32>
        %swap3A_203 = arith.index_cast %add3A_41 : i32 to index
        %swap3A_204 = arith.constant 80 : index
        %swap3A_205 = tpu.vector_load %arg15[%swap3A_203, %swap3A_204] {strides = array<i32>} : memref<80x128xf32, #tpu.memory_space<vmem>>, vector<16xf32>,
        tpu.vector_store %arg15[%swap3A_203, %swap3A_204], %mul3A_202 {strides = array<i32>} : memref<80x128xf32, #tpu.memory_space<vmem>>, vector<16xf32>,
        %get3A_206 = arith.index_cast %add3A_41 : i32 to index
        %get3A_207 = arith.constant 96 : index
        %get3A_208 = tpu.vector_load %arg14[%get3A_206, %get3A_207] {strides = array<i32>} : memref<80x128xf32, #tpu.memory_space<vmem>>, vector<16xf32>,
        %get3A_209 = arith.index_cast %add3A_41 : i32 to index
        %get3A_210 = arith.constant 96 : index
        %get3A_211 = tpu.vector_load %arg13[%get3A_209, %get3A_210] {strides = array<i32>} : memref<80x256xf32, #tpu.memory_space<vmem>>, vector<16xf32>,
        %add3A_212 = arith.addf %get3A_208, %get3A_211 : vector<16xf32>
        %get3A_213 = arith.constant 96 : index
        %get3A_214 = tpu.vector_load %arg12[%get3A_213] {strides = array<i32>} : memref<128xf32, #tpu.memory_space<vmem>>, vector<16xf32>,
        %mul3A_215 = arith.mulf %gather3A, %get3A_214 : vector<16xf32>
        %add3A_216 = arith.addf %add3A_212, %mul3A_215 : vector<16xf32>
        %neg3A_217 = arith.constant 0.000000e+00 : f32
        %neg3A_218 = vector.broadcast %neg3A_217 : f32 to vector<16xf32>
        %neg3A_219 = arith.subf %neg3A_218, %add3A_216 : vector<16xf32>
        %exp3A_220 = math.exp %neg3A_219 : vector<16xf32>
        %add3A_221 = arith.constant 1.000000e+00 : f32
        %add3A_222 = vector.broadcast %add3A_221 : f32 to vector<16xf32>
        %add3A_223 = arith.addf %add3A_222, %exp3A_220 : vector<16xf32>
        %div3A_224 = arith.constant 1.000000e+00 : f32
        %div3A_225 = vector.broadcast %div3A_224 : f32 to vector<16xf32>
        %div3A_226 = arith.divf %div3A_225, %add3A_223 : vector<16xf32>
        %get3A_227 = arith.index_cast %add3A_41 : i32 to index
        %get3A_228 = arith.constant 224 : index
        %get3A_229 = tpu.vector_load %arg13[%get3A_227, %get3A_228] {strides = array<i32>} : memref<80x256xf32, #tpu.memory_space<vmem>>, vector<16xf32>,
        %mul3A_230 = arith.mulf %div3A_226, %get3A_229 : vector<16xf32>
        %swap3A_231 = arith.index_cast %add3A_41 : i32 to index
        %swap3A_232 = arith.constant 96 : index
        %swap3A_233 = tpu.vector_load %arg15[%swap3A_231, %swap3A_232] {strides = array<i32>} : memref<80x128xf32, #tpu.memory_space<vmem>>, vector<16xf32>,
        tpu.vector_store %arg15[%swap3A_231, %swap3A_232], %mul3A_230 {strides = array<i32>} : memref<80x128xf32, #tpu.memory_space<vmem>>, vector<16xf32>,
        %get3A_234 = arith.index_cast %add3A_41 : i32 to index
        %get3A_235 = arith.constant 112 : index
        %get3A_236 = tpu.vector_load %arg14[%get3A_234, %get3A_235] {strides = array<i32>} : memref<80x128xf32, #tpu.memory_space<vmem>>, vector<16xf32>,
        %get3A_237 = arith.index_cast %add3A_41 : i32 to index
        %get3A_238 = arith.constant 112 : index
        %get3A_239 = tpu.vector_load %arg13[%get3A_237, %get3A_238] {strides = array<i32>} : memref<80x256xf32, #tpu.memory_space<vmem>>, vector<16xf32>,
        %add3A_240 = arith.addf %get3A_236, %get3A_239 : vector<16xf32>
        %get3A_241 = arith.constant 112 : index
        %get3A_242 = tpu.vector_load %arg12[%get3A_241] {strides = array<i32>} : memref<128xf32, #tpu.memory_space<vmem>>, vector<16xf32>,
        %mul3A_243 = arith.mulf %gather3A, %get3A_242 : vector<16xf32>
        %add3A_244 = arith.addf %add3A_240, %mul3A_243 : vector<16xf32>
        %neg3A_245 = arith.constant 0.000000e+00 : f32
        %neg3A_246 = vector.broadcast %neg3A_245 : f32 to vector<16xf32>
        %neg3A_247 = arith.subf %neg3A_246, %add3A_244 : vector<16xf32>
        %exp3A_248 = math.exp %neg3A_247 : vector<16xf32>
        %add3A_249 = arith.constant 1.000000e+00 : f32
        %add3A_250 = vector.broadcast %add3A_249 : f32 to vector<16xf32>
        %add3A_251 = arith.addf %add3A_250, %exp3A_248 : vector<16xf32>
        %div3A_252 = arith.constant 1.000000e+00 : f32
        %div3A_253 = vector.broadcast %div3A_252 : f32 to vector<16xf32>
        %div3A_254 = arith.divf %div3A_253, %add3A_251 : vector<16xf32>
        %get3A_255 = arith.index_cast %add3A_41 : i32 to index
        %get3A_256 = arith.constant 240 : index
        %get3A_257 = tpu.vector_load %arg13[%get3A_255, %get3A_256] {strides = array<i32>} : memref<80x256xf32, #tpu.memory_space<vmem>>, vector<16xf32>,
        %mul3A_258 = arith.mulf %div3A_254, %get3A_257 : vector<16xf32>
        %swap3A_259 = arith.index_cast %add3A_41 : i32 to index
        %swap3A_260 = arith.constant 112 : index
        %swap3A_261 = tpu.vector_load %arg15[%swap3A_259, %swap3A_260] {strides = array<i32>} : memref<80x128xf32, #tpu.memory_space<vmem>>, vector<16xf32>,
        tpu.vector_store %arg15[%swap3A_259, %swap3A_260], %mul3A_258 {strides = array<i32>} : memref<80x128xf32, #tpu.memory_space<vmem>>, vector<16xf32>,
      }
      %scan3A_36 = arith.constant 80 : i32
      "tpu.region"() ({
        %run_scoped3A = tpu.sem_alloc : memref<!tpu.dma_semaphore, #tpu.memory_space<semaphore_mem>>
        %dma_start3A = arith.constant 0 : i32
        %dma_start3A_37 = arith.constant 0 : i32
        %dma_start3A_38 = tpu.memref_slice %arg16[%dma_start3A, %dma_start3A_37] : memref<10000x128xf32, #tpu.memory_space<vmem_shared>> -> memref<10000x128xf32, #tpu.memory_space<vmem_shared>>
        tpu.enqueue_indirect_dma source(%arg15 : memref<80x128xf32, #tpu.memory_space<vmem>>) target(%dma_start3A_38 : memref<10000x128xf32, #tpu.memory_space<vmem_shared>>) offsets(%arg10 : memref<80xi32, #tpu.memory_space<vmem>>) semaphore(%run_scoped3A : memref<!tpu.dma_semaphore, #tpu.memory_space<semaphore_mem>>) {add = true}
        %dma_wait3A = arith.constant 0 : i32
        %dma_wait3A_39 = arith.constant 0 : i32
        %dma_wait3A_40 = tpu.memref_slice %arg16[%dma_wait3A, %dma_wait3A_39] : memref<10000x128xf32, #tpu.memory_space<vmem_shared>> -> memref<10000x128xf32, #tpu.memory_space<vmem_shared>>
        tpu.wait_indirect_dma semaphore(%run_scoped3A : memref<!tpu.dma_semaphore, #tpu.memory_space<semaphore_mem>>) src(%arg15 : memref<80x128xf32, #tpu.memory_space<vmem>>) dst(%dma_wait3A_40 : memref<10000x128xf32, #tpu.memory_space<vmem_shared>>)
        tpu.yield
      }) : () -> ()
    }
    %scan3A_17 = arith.constant 125 : i32
    %barrier3A_18 = arith.constant 0 : index
    tpu.barrier barrier_id(%barrier3A_18)
    %scan3A_19 = arith.constant 0 : i32
    %scan3A_20 = arith.constant 8 : i32
    %scan3A_21 = arith.addi %scan3A_19, %scan3A_20 : i32
    %scan3A_22 = arith.constant 1 : i32
    scf.for %scan3A_24 = %scan3A_19 to %scan3A_21 step %scan3A_22  : i32 {
      %mul3A_25 = arith.constant 1 : i32
      %mul3A_26 = arith.muli %scan3A_24, %mul3A_25 : i32
      %add3A_27 = arith.constant 0 : i32
      %add3A_28 = arith.addi %add3A_27, %mul3A_26 : i32
      %mul3A_29 = arith.constant 16 : i32
      %mul3A_30 = arith.muli %mul3A_29, %add3A_28 : i32
      %add3A_31 = arith.addi %arg1, %mul3A_30 : i32
      %lt3A = arith.constant 125 : i32
      %lt3A_32 = arith.cmpi slt, %add3A_31, %lt3A : i32
      %convert_element_type3A = arith.extui %lt3A_32 : i1 to i32
      %cond3A = arith.constant 0 : i32
      %cond3A_33 = arith.cmpi ne, %convert_element_type3A, %cond3A : i32
      scf.if %cond3A_33 {
        %mul3A_34 = arith.constant 80 : i32
        %mul3A_35 = arith.muli %add3A_31, %mul3A_34 : i32
        "tpu.region"() ({
          %run_scoped3A = tpu.sem_alloc : memref<!tpu.dma_semaphore, #tpu.memory_space<semaphore_mem>>
          %dma_start3A = arith.constant 0 : i32
          %dma_start3A_38 = tpu.memref_slice %arg16[%mul3A_35, %dma_start3A] : memref<10000x128xf32, #tpu.memory_space<vmem_shared>> -> memref<80x128xf32, #tpu.memory_space<vmem_shared>>
          %dma_start3A_39 = arith.constant 0 : i32
          %dma_start3A_40 = tpu.memref_slice %arg16[%mul3A_35, %dma_start3A_39] : memref<10000x128xf32, #tpu.memory_space<vmem_shared>> -> memref<80x128xf32, #tpu.memory_space<vmem_shared>>
          tpu.enqueue_dma source(%dma_start3A_40 : memref<80x128xf32, #tpu.memory_space<vmem_shared>>) target(%arg15 : memref<80x128xf32, #tpu.memory_space<vmem>>) target_semaphore(%run_scoped3A : memref<!tpu.dma_semaphore, #tpu.memory_space<semaphore_mem>>)
          %dma_wait3A = arith.constant 0 : i32
          %dma_wait3A_41 = tpu.memref_slice %arg16[%mul3A_35, %dma_wait3A] : memref<10000x128xf32, #tpu.memory_space<vmem_shared>> -> memref<80x128xf32, #tpu.memory_space<vmem_shared>>
          %dma_wait3A_42 = arith.constant 0 : i32
          %dma_wait3A_43 = tpu.memref_slice %arg16[%mul3A_35, %dma_wait3A_42] : memref<10000x128xf32, #tpu.memory_space<vmem_shared>> -> memref<80x128xf32, #tpu.memory_space<vmem_shared>>
          tpu.wait_dma2 semaphore(%run_scoped3A : memref<!tpu.dma_semaphore, #tpu.memory_space<semaphore_mem>>) src(%dma_wait3A_43 : memref<80x128xf32, #tpu.memory_space<vmem_shared>>) dst(%arg15 : memref<80x128xf32, #tpu.memory_space<vmem>>)
          tpu.yield
        }) : () -> ()
        %mul3A_36 = arith.constant 80 : i32
        %mul3A_37 = arith.muli %add3A_31, %mul3A_36 : i32
        "tpu.region"() ({
          %run_scoped3A = tpu.sem_alloc : memref<!tpu.dma_semaphore, #tpu.memory_space<semaphore_mem>>
          %dma_start3A = arith.constant 0 : i32
          %dma_start3A_38 = tpu.memref_slice %arg8[%arg0, %mul3A_37, %dma_start3A] : memref<2x10000x128xf32, #tpu.memory_space<hbm>> -> memref<1x80x128xf32, #tpu.memory_space<hbm>>
          %dma_start3A_39 = tpu.memref_squeeze %dma_start3A_38 : memref<1x80x128xf32, #tpu.memory_space<hbm>> -> memref<80x128xf32, #tpu.memory_space<hbm>>
          %dma_start3A_40 = arith.constant 0 : i32
          %dma_start3A_41 = tpu.memref_slice %arg8[%arg0, %mul3A_37, %dma_start3A_40] : memref<2x10000x128xf32, #tpu.memory_space<hbm>> -> memref<1x80x128xf32, #tpu.memory_space<hbm>>
          %dma_start3A_42 = tpu.memref_squeeze %dma_start3A_41 : memref<1x80x128xf32, #tpu.memory_space<hbm>> -> memref<80x128xf32, #tpu.memory_space<hbm>>
          tpu.enqueue_dma source(%arg15 : memref<80x128xf32, #tpu.memory_space<vmem>>) target(%dma_start3A_42 : memref<80x128xf32, #tpu.memory_space<hbm>>) target_semaphore(%run_scoped3A : memref<!tpu.dma_semaphore, #tpu.memory_space<semaphore_mem>>)
          %dma_wait3A = arith.constant 0 : i32
          %dma_wait3A_43 = tpu.memref_slice %arg8[%arg0, %mul3A_37, %dma_wait3A] : memref<2x10000x128xf32, #tpu.memory_space<hbm>> -> memref<1x80x128xf32, #tpu.memory_space<hbm>>
          %dma_wait3A_44 = tpu.memref_squeeze %dma_wait3A_43 : memref<1x80x128xf32, #tpu.memory_space<hbm>> -> memref<80x128xf32, #tpu.memory_space<hbm>>
          %dma_wait3A_45 = arith.constant 0 : i32
          %dma_wait3A_46 = tpu.memref_slice %arg8[%arg0, %mul3A_37, %dma_wait3A_45] : memref<2x10000x128xf32, #tpu.memory_space<hbm>> -> memref<1x80x128xf32, #tpu.memory_space<hbm>>
          %dma_wait3A_47 = tpu.memref_squeeze %dma_wait3A_46 : memref<1x80x128xf32, #tpu.memory_space<hbm>> -> memref<80x128xf32, #tpu.memory_space<hbm>>
          tpu.wait_dma2 semaphore(%run_scoped3A : memref<!tpu.dma_semaphore, #tpu.memory_space<semaphore_mem>>) src(%arg15 : memref<80x128xf32, #tpu.memory_space<vmem>>) dst(%dma_wait3A_47 : memref<80x128xf32, #tpu.memory_space<hbm>>)
          tpu.yield
        }) : () -> ()
      } else {
      }
    }
    %scan3A_23 = arith.constant 8 : i32
    return
  }
}

module attributes {stable_mosaic.version = 14 : i64} {
  func.func @_stage_a_body(%arg0: i32, %arg1: memref<1000x128xf32, #tpu.memory_space<vmem>>, %arg2: memref<1000x128xf32, #tpu.memory_space<vmem>>, %arg3: memref<1000x128xf32, #tpu.memory_space<vmem>>, %arg4: memref<128x256xf32, #tpu.memory_space<vmem>>, %arg5: memref<1x256xf32, #tpu.memory_space<vmem>>, %arg6: memref<128x512xf32, #tpu.memory_space<vmem>>, %arg7: memref<1x512xf32, #tpu.memory_space<vmem>>, %arg8: memref<128x256xf32, #tpu.memory_space<vmem>>, %arg9: memref<1x256xf32, #tpu.memory_space<vmem>>, %arg10: memref<1000x256xf32, #tpu.memory_space<vmem>>, %arg11: memref<1000x128xf32, #tpu.memory_space<vmem>>, %arg12: memref<1000x128xf32, #tpu.memory_space<vmem>>, %arg13: memref<1000x256xf32, #tpu.memory_space<vmem>>, %arg14: memref<1000x128xf32, #tpu.memory_space<vmem>>, %arg15: memref<1000x128xf32, #tpu.memory_space<vmem>>) attributes {dimension_semantics = [#tpu.dimension_semantics<arbitrary>], iteration_bounds = array<i64: 10>, scalar_prefetch = 0 : i64, scratch_operands = 0 : i64, tpu.core_type = #tpu.core_type<tc>, window_params = [{transform_indices = @transform_0, window_bounds = array<i64: 1000, 128>}, {transform_indices = @transform_1, window_bounds = array<i64: 1000, 128>}, {transform_indices = @transform_2, window_bounds = array<i64: 1000, 128>}, {pipeline_mode = #tpu.pipeline_mode<synchronous>, transform_indices = @transform_3, window_bounds = array<i64: 128, 256>}, {pipeline_mode = #tpu.pipeline_mode<synchronous>, transform_indices = @transform_4, window_bounds = array<i64: 1, 256>}, {pipeline_mode = #tpu.pipeline_mode<synchronous>, transform_indices = @transform_5, window_bounds = array<i64: 128, 512>}, {pipeline_mode = #tpu.pipeline_mode<synchronous>, transform_indices = @transform_6, window_bounds = array<i64: 1, 512>}, {pipeline_mode = #tpu.pipeline_mode<synchronous>, transform_indices = @transform_7, window_bounds = array<i64: 128, 256>}, {pipeline_mode = #tpu.pipeline_mode<synchronous>, transform_indices = @transform_8, window_bounds = array<i64: 1, 256>}, {transform_indices = @transform_9, window_bounds = array<i64: 1000, 256>}, {transform_indices = @transform_10, window_bounds = array<i64: 1000, 128>}, {transform_indices = @transform_11, window_bounds = array<i64: 1000, 128>}, {transform_indices = @transform_12, window_bounds = array<i64: 1000, 256>}, {transform_indices = @transform_13, window_bounds = array<i64: 1000, 128>}, {transform_indices = @transform_14, window_bounds = array<i64: 1000, 128>}]} {
    %get3A = arith.constant 0 : index
    %get3A_0 = arith.constant 0 : index
    %get3A_1 = vector.load %arg1[%get3A, %get3A_0] : memref<1000x128xf32, #tpu.memory_space<vmem>>, vector<1000x128xf32>
    %get3A_2 = arith.constant 0 : index
    %get3A_3 = arith.constant 0 : index
    %get3A_4 = vector.load %arg4[%get3A_2, %get3A_3] : memref<128x256xf32, #tpu.memory_space<vmem>>, vector<128x256xf32>
    %dot_general3A = arith.constant dense<0.000000e+00> : vector<1000x256xf32>
    %dot_general3A_5 = tpu.matmul %get3A_1, %get3A_4, %dot_general3A {dimension_numbers = #tpu.dot_dimension_numbers<[1], [0], [0], [1], [0, 0, 1, 1], [], []>, precision = #tpu.contract_precision<fp32>, transpose_lhs_hint = false} : vector<1000x128xf32>, vector<128x256xf32>, vector<1000x256xf32> -> vector<1000x256xf32>
    %get3A_6 = arith.constant 0 : index
    %get3A_7 = arith.constant 0 : index
    %get3A_8 = vector.load %arg5[%get3A_6, %get3A_7] : memref<1x256xf32, #tpu.memory_space<vmem>>, vector<1x256xf32>
    %add3A = vector.broadcast %get3A_8 : vector<1x256xf32> to vector<1000x256xf32>
    %add3A_9 = arith.addf %dot_general3A_5, %add3A : vector<1000x256xf32>
    %swap3A = arith.constant 0 : index
    %swap3A_10 = arith.constant 0 : index
    %swap3A_11 = vector.load %arg10[%swap3A, %swap3A_10] : memref<1000x256xf32, #tpu.memory_space<vmem>>, vector<1000x256xf32>
    tpu.vector_store %arg10[%swap3A, %swap3A_10], %add3A_9 {strides = array<i32>} : memref<1000x256xf32, #tpu.memory_space<vmem>>, vector<1000x256xf32>,
    %get3A_12 = arith.constant 0 : index
    %get3A_13 = arith.constant 0 : index
    %get3A_14 = vector.load %arg2[%get3A_12, %get3A_13] : memref<1000x128xf32, #tpu.memory_space<vmem>>, vector<1000x128xf32>
    %get3A_15 = arith.constant 0 : index
    %get3A_16 = arith.constant 0 : index
    %get3A_17 = vector.load %arg6[%get3A_15, %get3A_16] : memref<128x512xf32, #tpu.memory_space<vmem>>, vector<128x512xf32>
    %dot_general3A_18 = arith.constant dense<0.000000e+00> : vector<1000x512xf32>
    %dot_general3A_19 = tpu.matmul %get3A_14, %get3A_17, %dot_general3A_18 {dimension_numbers = #tpu.dot_dimension_numbers<[1], [0], [0], [1], [0, 0, 1, 1], [], []>, precision = #tpu.contract_precision<fp32>, transpose_lhs_hint = false} : vector<1000x128xf32>, vector<128x512xf32>, vector<1000x512xf32> -> vector<1000x512xf32>
    %get3A_20 = arith.constant 0 : index
    %get3A_21 = arith.constant 0 : index
    %get3A_22 = vector.load %arg7[%get3A_20, %get3A_21] : memref<1x512xf32, #tpu.memory_space<vmem>>, vector<1x512xf32>
    %add3A_23 = vector.broadcast %get3A_22 : vector<1x512xf32> to vector<1000x512xf32>
    %add3A_24 = arith.addf %dot_general3A_19, %add3A_23 : vector<1000x512xf32>
    %slice3A = vector.extract_strided_slice %add3A_24 {offsets = [0, 0], sizes = [1000, 128], strides = [1, 1]} : vector<1000x512xf32> to vector<1000x128xf32>
    %swap3A_25 = arith.constant 0 : index
    %swap3A_26 = arith.constant 0 : index
    %swap3A_27 = vector.load %arg11[%swap3A_25, %swap3A_26] : memref<1000x128xf32, #tpu.memory_space<vmem>>, vector<1000x128xf32>
    tpu.vector_store %arg11[%swap3A_25, %swap3A_26], %slice3A {strides = array<i32>} : memref<1000x128xf32, #tpu.memory_space<vmem>>, vector<1000x128xf32>,
    %slice3A_28 = vector.extract_strided_slice %add3A_24 {offsets = [0, 128], sizes = [1000, 128], strides = [1, 1]} : vector<1000x512xf32> to vector<1000x128xf32>
    %swap3A_29 = arith.constant 0 : index
    %swap3A_30 = arith.constant 0 : index
    %swap3A_31 = vector.load %arg12[%swap3A_29, %swap3A_30] : memref<1000x128xf32, #tpu.memory_space<vmem>>, vector<1000x128xf32>
    tpu.vector_store %arg12[%swap3A_29, %swap3A_30], %slice3A_28 {strides = array<i32>} : memref<1000x128xf32, #tpu.memory_space<vmem>>, vector<1000x128xf32>,
    %slice3A_32 = vector.extract_strided_slice %add3A_24 {offsets = [0, 256], sizes = [1000, 256], strides = [1, 1]} : vector<1000x512xf32> to vector<1000x256xf32>
    %swap3A_33 = arith.constant 0 : index
    %swap3A_34 = arith.constant 0 : index
    %swap3A_35 = vector.load %arg13[%swap3A_33, %swap3A_34] : memref<1000x256xf32, #tpu.memory_space<vmem>>, vector<1000x256xf32>
    tpu.vector_store %arg13[%swap3A_33, %swap3A_34], %slice3A_32 {strides = array<i32>} : memref<1000x256xf32, #tpu.memory_space<vmem>>, vector<1000x256xf32>,
    %get3A_36 = arith.constant 0 : index
    %get3A_37 = arith.constant 0 : index
    %get3A_38 = vector.load %arg3[%get3A_36, %get3A_37] : memref<1000x128xf32, #tpu.memory_space<vmem>>, vector<1000x128xf32>
    %get3A_39 = arith.constant 0 : index
    %get3A_40 = arith.constant 0 : index
    %get3A_41 = vector.load %arg8[%get3A_39, %get3A_40] : memref<128x256xf32, #tpu.memory_space<vmem>>, vector<128x256xf32>
    %dot_general3A_42 = arith.constant dense<0.000000e+00> : vector<1000x256xf32>
    %dot_general3A_43 = tpu.matmul %get3A_38, %get3A_41, %dot_general3A_42 {dimension_numbers = #tpu.dot_dimension_numbers<[1], [0], [0], [1], [0, 0, 1, 1], [], []>, precision = #tpu.contract_precision<fp32>, transpose_lhs_hint = false} : vector<1000x128xf32>, vector<128x256xf32>, vector<1000x256xf32> -> vector<1000x256xf32>
    %get3A_44 = arith.constant 0 : index
    %get3A_45 = arith.constant 0 : index
    %get3A_46 = vector.load %arg9[%get3A_44, %get3A_45] : memref<1x256xf32, #tpu.memory_space<vmem>>, vector<1x256xf32>
    %add3A_47 = vector.broadcast %get3A_46 : vector<1x256xf32> to vector<1000x256xf32>
    %add3A_48 = arith.addf %dot_general3A_43, %add3A_47 : vector<1000x256xf32>
    %slice3A_49 = vector.extract_strided_slice %add3A_48 {offsets = [0, 0], sizes = [1000, 128], strides = [1, 1]} : vector<1000x256xf32> to vector<1000x128xf32>
    %swap3A_50 = arith.constant 0 : index
    %swap3A_51 = arith.constant 0 : index
    %swap3A_52 = vector.load %arg14[%swap3A_50, %swap3A_51] : memref<1000x128xf32, #tpu.memory_space<vmem>>, vector<1000x128xf32>
    tpu.vector_store %arg14[%swap3A_50, %swap3A_51], %slice3A_49 {strides = array<i32>} : memref<1000x128xf32, #tpu.memory_space<vmem>>, vector<1000x128xf32>,
    %slice3A_53 = vector.extract_strided_slice %add3A_48 {offsets = [0, 128], sizes = [1000, 128], strides = [1, 1]} : vector<1000x256xf32> to vector<1000x128xf32>
    %swap3A_54 = arith.constant 0 : index
    %swap3A_55 = arith.constant 0 : index
    %swap3A_56 = vector.load %arg15[%swap3A_54, %swap3A_55] : memref<1000x128xf32, #tpu.memory_space<vmem>>, vector<1000x128xf32>
    tpu.vector_store %arg15[%swap3A_54, %swap3A_55], %slice3A_53 {strides = array<i32>} : memref<1000x128xf32, #tpu.memory_space<vmem>>, vector<1000x128xf32>,
    return
  }
  func.func @transform_0(%arg0: i32) -> (i32, i32) {
    %c0_i32 = arith.constant 0 : i32
    %c0_i32_0 = arith.constant 0 : i32
    return %arg0, %c0_i32 : i32, i32
  }
  func.func @transform_1(%arg0: i32) -> (i32, i32) {
    %c0_i32 = arith.constant 0 : i32
    %c0_i32_0 = arith.constant 0 : i32
    return %arg0, %c0_i32 : i32, i32
  }
  func.func @transform_2(%arg0: i32) -> (i32, i32) {
    %c0_i32 = arith.constant 0 : i32
    %c0_i32_0 = arith.constant 0 : i32
    return %arg0, %c0_i32 : i32, i32
  }
  func.func @transform_3(%arg0: i32) -> (i32, i32) {
    %c0_i32 = arith.constant 0 : i32
    %c0_i32_0 = arith.constant 0 : i32
    %c0_i32_1 = arith.constant 0 : i32
    return %c0_i32, %c0_i32_0 : i32, i32
  }
  func.func @transform_4(%arg0: i32) -> (i32, i32) {
    %c0_i32 = arith.constant 0 : i32
    %c0_i32_0 = arith.constant 0 : i32
    %c0_i32_1 = arith.constant 0 : i32
    return %c0_i32, %c0_i32_0 : i32, i32
  }
  func.func @transform_5(%arg0: i32) -> (i32, i32) {
    %c0_i32 = arith.constant 0 : i32
    %c0_i32_0 = arith.constant 0 : i32
    %c0_i32_1 = arith.constant 0 : i32
    return %c0_i32, %c0_i32_0 : i32, i32
  }
  func.func @transform_6(%arg0: i32) -> (i32, i32) {
    %c0_i32 = arith.constant 0 : i32
    %c0_i32_0 = arith.constant 0 : i32
    %c0_i32_1 = arith.constant 0 : i32
    return %c0_i32, %c0_i32_0 : i32, i32
  }
  func.func @transform_7(%arg0: i32) -> (i32, i32) {
    %c0_i32 = arith.constant 0 : i32
    %c0_i32_0 = arith.constant 0 : i32
    %c0_i32_1 = arith.constant 0 : i32
    return %c0_i32, %c0_i32_0 : i32, i32
  }
  func.func @transform_8(%arg0: i32) -> (i32, i32) {
    %c0_i32 = arith.constant 0 : i32
    %c0_i32_0 = arith.constant 0 : i32
    %c0_i32_1 = arith.constant 0 : i32
    return %c0_i32, %c0_i32_0 : i32, i32
  }
  func.func @transform_9(%arg0: i32) -> (i32, i32) {
    %c0_i32 = arith.constant 0 : i32
    %c0_i32_0 = arith.constant 0 : i32
    return %arg0, %c0_i32 : i32, i32
  }
  func.func @transform_10(%arg0: i32) -> (i32, i32) {
    %c0_i32 = arith.constant 0 : i32
    %c0_i32_0 = arith.constant 0 : i32
    return %arg0, %c0_i32 : i32, i32
  }
  func.func @transform_11(%arg0: i32) -> (i32, i32) {
    %c0_i32 = arith.constant 0 : i32
    %c0_i32_0 = arith.constant 0 : i32
    return %arg0, %c0_i32 : i32, i32
  }
  func.func @transform_12(%arg0: i32) -> (i32, i32) {
    %c0_i32 = arith.constant 0 : i32
    %c0_i32_0 = arith.constant 0 : i32
    return %arg0, %c0_i32 : i32, i32
  }
  func.func @transform_13(%arg0: i32) -> (i32, i32) {
    %c0_i32 = arith.constant 0 : i32
    %c0_i32_0 = arith.constant 0 : i32
    return %arg0, %c0_i32 : i32, i32
  }
  func.func @transform_14(%arg0: i32) -> (i32, i32) {
    %c0_i32 = arith.constant 0 : i32
    %c0_i32_0 = arith.constant 0 : i32
    return %arg0, %c0_i32 : i32, i32
  }
}

module attributes {stable_mosaic.version = 14 : i64} {
  func.func @_stage_c_body(%arg0: i32, %arg1: memref<1000x128xf32, #tpu.memory_space<vmem>>, %arg2: memref<1000x128xf32, #tpu.memory_space<vmem>>, %arg3: memref<1000x128xf32, #tpu.memory_space<vmem>>, %arg4: memref<1000x128xf32, #tpu.memory_space<vmem>>, %arg5: memref<128x256xf32, #tpu.memory_space<vmem>>, %arg6: memref<1x256xf32, #tpu.memory_space<vmem>>, %arg7: memref<128x256xf32, #tpu.memory_space<vmem>>, %arg8: memref<1x256xf32, #tpu.memory_space<vmem>>, %arg9: memref<1000x256xf32, #tpu.memory_space<vmem>>, %arg10: memref<1000x128xf32, #tpu.memory_space<vmem>>, %arg11: memref<1000x128xf32, #tpu.memory_space<vmem>>) attributes {dimension_semantics = [#tpu.dimension_semantics<arbitrary>], iteration_bounds = array<i64: 10>, scalar_prefetch = 0 : i64, scratch_operands = 0 : i64, tpu.core_type = #tpu.core_type<tc>, window_params = [{transform_indices = @transform_0, window_bounds = array<i64: 1000, 128>}, {transform_indices = @transform_1, window_bounds = array<i64: 1000, 128>}, {transform_indices = @transform_2, window_bounds = array<i64: 1000, 128>}, {transform_indices = @transform_3, window_bounds = array<i64: 1000, 128>}, {pipeline_mode = #tpu.pipeline_mode<synchronous>, transform_indices = @transform_4, window_bounds = array<i64: 128, 256>}, {pipeline_mode = #tpu.pipeline_mode<synchronous>, transform_indices = @transform_5, window_bounds = array<i64: 1, 256>}, {pipeline_mode = #tpu.pipeline_mode<synchronous>, transform_indices = @transform_6, window_bounds = array<i64: 128, 256>}, {pipeline_mode = #tpu.pipeline_mode<synchronous>, transform_indices = @transform_7, window_bounds = array<i64: 1, 256>}, {transform_indices = @transform_8, window_bounds = array<i64: 1000, 256>}, {transform_indices = @transform_9, window_bounds = array<i64: 1000, 128>}, {transform_indices = @transform_10, window_bounds = array<i64: 1000, 128>}]} {
    %get3A = arith.constant 0 : index
    %get3A_0 = arith.constant 0 : index
    %get3A_1 = vector.load %arg1[%get3A, %get3A_0] : memref<1000x128xf32, #tpu.memory_space<vmem>>, vector<1000x128xf32>
    %get3A_2 = arith.constant 0 : index
    %get3A_3 = arith.constant 0 : index
    %get3A_4 = vector.load %arg3[%get3A_2, %get3A_3] : memref<1000x128xf32, #tpu.memory_space<vmem>>, vector<1000x128xf32>
    %add3A = arith.addf %get3A_1, %get3A_4 : vector<1000x128xf32>
    %max3A = arith.constant 0.000000e+00 : f32
    %max3A_5 = vector.broadcast %max3A : f32 to vector<1000x128xf32>
    %max3A_6 = arith.maximumf %add3A, %max3A_5 : vector<1000x128xf32>
    %get3A_7 = arith.constant 0 : index
    %get3A_8 = arith.constant 0 : index
    %get3A_9 = vector.load %arg2[%get3A_7, %get3A_8] : memref<1000x128xf32, #tpu.memory_space<vmem>>, vector<1000x128xf32>
    %get3A_10 = arith.constant 0 : index
    %get3A_11 = arith.constant 0 : index
    %get3A_12 = vector.load %arg4[%get3A_10, %get3A_11] : memref<1000x128xf32, #tpu.memory_space<vmem>>, vector<1000x128xf32>
    %add3A_13 = arith.addf %get3A_9, %get3A_12 : vector<1000x128xf32>
    %max3A_14 = arith.constant 0.000000e+00 : f32
    %max3A_15 = vector.broadcast %max3A_14 : f32 to vector<1000x128xf32>
    %max3A_16 = arith.maximumf %add3A_13, %max3A_15 : vector<1000x128xf32>
    %get3A_17 = arith.constant 0 : index
    %get3A_18 = arith.constant 0 : index
    %get3A_19 = vector.load %arg5[%get3A_17, %get3A_18] : memref<128x256xf32, #tpu.memory_space<vmem>>, vector<128x256xf32>
    %dot_general3A = arith.constant dense<0.000000e+00> : vector<1000x256xf32>
    %dot_general3A_20 = tpu.matmul %max3A_6, %get3A_19, %dot_general3A {dimension_numbers = #tpu.dot_dimension_numbers<[1], [0], [0], [1], [0, 0, 1, 1], [], []>, precision = #tpu.contract_precision<fp32>, transpose_lhs_hint = false} : vector<1000x128xf32>, vector<128x256xf32>, vector<1000x256xf32> -> vector<1000x256xf32>
    %get3A_21 = arith.constant 0 : index
    %get3A_22 = arith.constant 0 : index
    %get3A_23 = vector.load %arg6[%get3A_21, %get3A_22] : memref<1x256xf32, #tpu.memory_space<vmem>>, vector<1x256xf32>
    %add3A_24 = vector.broadcast %get3A_23 : vector<1x256xf32> to vector<1000x256xf32>
    %add3A_25 = arith.addf %dot_general3A_20, %add3A_24 : vector<1000x256xf32>
    %swap3A = arith.constant 0 : index
    %swap3A_26 = arith.constant 0 : index
    %swap3A_27 = vector.load %arg9[%swap3A, %swap3A_26] : memref<1000x256xf32, #tpu.memory_space<vmem>>, vector<1000x256xf32>
    tpu.vector_store %arg9[%swap3A, %swap3A_26], %add3A_25 {strides = array<i32>} : memref<1000x256xf32, #tpu.memory_space<vmem>>, vector<1000x256xf32>,
    %get3A_28 = arith.constant 0 : index
    %get3A_29 = arith.constant 0 : index
    %get3A_30 = vector.load %arg7[%get3A_28, %get3A_29] : memref<128x256xf32, #tpu.memory_space<vmem>>, vector<128x256xf32>
    %dot_general3A_31 = arith.constant dense<0.000000e+00> : vector<1000x256xf32>
    %dot_general3A_32 = tpu.matmul %max3A_16, %get3A_30, %dot_general3A_31 {dimension_numbers = #tpu.dot_dimension_numbers<[1], [0], [0], [1], [0, 0, 1, 1], [], []>, precision = #tpu.contract_precision<fp32>, transpose_lhs_hint = false} : vector<1000x128xf32>, vector<128x256xf32>, vector<1000x256xf32> -> vector<1000x256xf32>
    %get3A_33 = arith.constant 0 : index
    %get3A_34 = arith.constant 0 : index
    %get3A_35 = vector.load %arg8[%get3A_33, %get3A_34] : memref<1x256xf32, #tpu.memory_space<vmem>>, vector<1x256xf32>
    %add3A_36 = vector.broadcast %get3A_35 : vector<1x256xf32> to vector<1000x256xf32>
    %add3A_37 = arith.addf %dot_general3A_32, %add3A_36 : vector<1000x256xf32>
    %slice3A = vector.extract_strided_slice %add3A_37 {offsets = [0, 0], sizes = [1000, 128], strides = [1, 1]} : vector<1000x256xf32> to vector<1000x128xf32>
    %swap3A_38 = arith.constant 0 : index
    %swap3A_39 = arith.constant 0 : index
    %swap3A_40 = vector.load %arg10[%swap3A_38, %swap3A_39] : memref<1000x128xf32, #tpu.memory_space<vmem>>, vector<1000x128xf32>
    tpu.vector_store %arg10[%swap3A_38, %swap3A_39], %slice3A {strides = array<i32>} : memref<1000x128xf32, #tpu.memory_space<vmem>>, vector<1000x128xf32>,
    %slice3A_41 = vector.extract_strided_slice %add3A_37 {offsets = [0, 128], sizes = [1000, 128], strides = [1, 1]} : vector<1000x256xf32> to vector<1000x128xf32>
    %swap3A_42 = arith.constant 0 : index
    %swap3A_43 = arith.constant 0 : index
    %swap3A_44 = vector.load %arg11[%swap3A_42, %swap3A_43] : memref<1000x128xf32, #tpu.memory_space<vmem>>, vector<1000x128xf32>
    tpu.vector_store %arg11[%swap3A_42, %swap3A_43], %slice3A_41 {strides = array<i32>} : memref<1000x128xf32, #tpu.memory_space<vmem>>, vector<1000x128xf32>,
    return
  }
  func.func @transform_0(%arg0: i32) -> (i32, i32) {
    %c0_i32 = arith.constant 0 : i32
    %c0_i32_0 = arith.constant 0 : i32
    return %arg0, %c0_i32 : i32, i32
  }
  func.func @transform_1(%arg0: i32) -> (i32, i32) {
    %c0_i32 = arith.constant 0 : i32
    %c0_i32_0 = arith.constant 0 : i32
    return %arg0, %c0_i32 : i32, i32
  }
  func.func @transform_2(%arg0: i32) -> (i32, i32) {
    %c0_i32 = arith.constant 0 : i32
    %c0_i32_0 = arith.constant 0 : i32
    return %arg0, %c0_i32 : i32, i32
  }
  func.func @transform_3(%arg0: i32) -> (i32, i32) {
    %c0_i32 = arith.constant 0 : i32
    %c0_i32_0 = arith.constant 0 : i32
    return %arg0, %c0_i32 : i32, i32
  }
  func.func @transform_4(%arg0: i32) -> (i32, i32) {
    %c0_i32 = arith.constant 0 : i32
    %c0_i32_0 = arith.constant 0 : i32
    %c0_i32_1 = arith.constant 0 : i32
    return %c0_i32, %c0_i32_0 : i32, i32
  }
  func.func @transform_5(%arg0: i32) -> (i32, i32) {
    %c0_i32 = arith.constant 0 : i32
    %c0_i32_0 = arith.constant 0 : i32
    %c0_i32_1 = arith.constant 0 : i32
    return %c0_i32, %c0_i32_0 : i32, i32
  }
  func.func @transform_6(%arg0: i32) -> (i32, i32) {
    %c0_i32 = arith.constant 0 : i32
    %c0_i32_0 = arith.constant 0 : i32
    %c0_i32_1 = arith.constant 0 : i32
    return %c0_i32, %c0_i32_0 : i32, i32
  }
  func.func @transform_7(%arg0: i32) -> (i32, i32) {
    %c0_i32 = arith.constant 0 : i32
    %c0_i32_0 = arith.constant 0 : i32
    %c0_i32_1 = arith.constant 0 : i32
    return %c0_i32, %c0_i32_0 : i32, i32
  }
  func.func @transform_8(%arg0: i32) -> (i32, i32) {
    %c0_i32 = arith.constant 0 : i32
    %c0_i32_0 = arith.constant 0 : i32
    return %arg0, %c0_i32 : i32, i32
  }
  func.func @transform_9(%arg0: i32) -> (i32, i32) {
    %c0_i32 = arith.constant 0 : i32
    %c0_i32_0 = arith.constant 0 : i32
    return %arg0, %c0_i32 : i32, i32
  }
  func.func @transform_10(%arg0: i32) -> (i32, i32) {
    %c0_i32 = arith.constant 0 : i32
    %c0_i32_0 = arith.constant 0 : i32
    return %arg0, %c0_i32 : i32, i32
  }
}

module attributes {stable_mosaic.version = 14 : i64} {
  func.func @_stage_e_body(%arg0: i32, %arg1: memref<1000x128xf32, #tpu.memory_space<vmem>>, %arg2: memref<1000x128xf32, #tpu.memory_space<vmem>>, %arg3: memref<1000x128xf32, #tpu.memory_space<vmem>>, %arg4: memref<1000x1xi32, #tpu.memory_space<vmem>>, %arg5: memref<128x128xf32, #tpu.memory_space<vmem>>, %arg6: memref<1x128xf32, #tpu.memory_space<vmem>>, %arg7: memref<128x128xf32, #tpu.memory_space<vmem>>, %arg8: memref<1x128xf32, #tpu.memory_space<vmem>>, %arg9: memref<128x128xf32, #tpu.memory_space<vmem>>, %arg10: memref<1x128xf32, #tpu.memory_space<vmem>>, %arg11: memref<128x1xf32, #tpu.memory_space<vmem>>, %arg12: memref<1x1xf32, #tpu.memory_space<vmem>>, %arg13: memref<64x1xf32, #tpu.memory_space<vmem>>, %arg14: memref<64x128xf32, #tpu.memory_space<vmem>>, %arg15: memref<64x128xf32, #tpu.memory_space<vmem>>) attributes {dimension_semantics = [#tpu.dimension_semantics<arbitrary>], iteration_bounds = array<i64: 10>, scalar_prefetch = 0 : i64, scratch_operands = 2 : i64, tpu.core_type = #tpu.core_type<tc>, window_params = [{transform_indices = @transform_0, window_bounds = array<i64: 1000, 128>}, {transform_indices = @transform_1, window_bounds = array<i64: 1000, 128>}, {transform_indices = @transform_2, window_bounds = array<i64: 1000, 128>}, {transform_indices = @transform_3, window_bounds = array<i64: 1000, 1>}, {pipeline_mode = #tpu.pipeline_mode<synchronous>, transform_indices = @transform_4, window_bounds = array<i64: 128, 128>}, {pipeline_mode = #tpu.pipeline_mode<synchronous>, transform_indices = @transform_5, window_bounds = array<i64: 1, 128>}, {pipeline_mode = #tpu.pipeline_mode<synchronous>, transform_indices = @transform_6, window_bounds = array<i64: 128, 128>}, {pipeline_mode = #tpu.pipeline_mode<synchronous>, transform_indices = @transform_7, window_bounds = array<i64: 1, 128>}, {pipeline_mode = #tpu.pipeline_mode<synchronous>, transform_indices = @transform_8, window_bounds = array<i64: 128, 128>}, {pipeline_mode = #tpu.pipeline_mode<synchronous>, transform_indices = @transform_9, window_bounds = array<i64: 1, 128>}, {pipeline_mode = #tpu.pipeline_mode<synchronous>, transform_indices = @transform_10, window_bounds = array<i64: 128, 1>}, {pipeline_mode = #tpu.pipeline_mode<synchronous>, transform_indices = @transform_11, window_bounds = array<i64: 1, 1>}, {pipeline_mode = #tpu.pipeline_mode<synchronous>, transform_indices = @transform_12, window_bounds = array<i64: 64, 1>}]} {
    %eq3A = arith.constant 0 : i32
    %eq3A_0 = arith.cmpi eq, %arg0, %eq3A : i32
    %convert_element_type3A = arith.extui %eq3A_0 : i1 to i32
    %cond3A = arith.constant 0 : i32
    %cond3A_1 = arith.cmpi ne, %convert_element_type3A, %cond3A : i32
    scf.if %cond3A_1 {
      %broadcast_in_dim3A_42 = arith.constant 0.000000e+00 : f32
      %broadcast_in_dim3A_43 = vector.broadcast %broadcast_in_dim3A_42 : f32 to vector<64x128xf32>
      %swap3A_44 = arith.constant 0 : index
      %swap3A_45 = arith.constant 0 : index
      %swap3A_46 = vector.load %arg14[%swap3A_44, %swap3A_45] : memref<64x128xf32, #tpu.memory_space<vmem>>, vector<64x128xf32>
      tpu.vector_store %arg14[%swap3A_44, %swap3A_45], %broadcast_in_dim3A_43 {strides = array<i32>} : memref<64x128xf32, #tpu.memory_space<vmem>>, vector<64x128xf32>,
      %broadcast_in_dim3A_47 = arith.constant 0.000000e+00 : f32
      %broadcast_in_dim3A_48 = vector.broadcast %broadcast_in_dim3A_47 : f32 to vector<64x128xf32>
      %swap3A_49 = arith.constant 0 : index
      %swap3A_50 = arith.constant 0 : index
      %swap3A_51 = vector.load %arg15[%swap3A_49, %swap3A_50] : memref<64x128xf32, #tpu.memory_space<vmem>>, vector<64x128xf32>
      tpu.vector_store %arg15[%swap3A_49, %swap3A_50], %broadcast_in_dim3A_48 {strides = array<i32>} : memref<64x128xf32, #tpu.memory_space<vmem>>, vector<64x128xf32>,
    } else {
    }
    %get3A = arith.constant 0 : index
    %get3A_2 = arith.constant 0 : index
    %get3A_3 = vector.load %arg1[%get3A, %get3A_2] : memref<1000x128xf32, #tpu.memory_space<vmem>>, vector<1000x128xf32>
    %get3A_4 = arith.constant 0 : index
    %get3A_5 = arith.constant 0 : index
    %get3A_6 = vector.load %arg2[%get3A_4, %get3A_5] : memref<1000x128xf32, #tpu.memory_space<vmem>>, vector<1000x128xf32>
    %add3A = arith.addf %get3A_3, %get3A_6 : vector<1000x128xf32>
    %get3A_7 = arith.constant 0 : index
    %get3A_8 = arith.constant 0 : index
    %get3A_9 = vector.load %arg3[%get3A_7, %get3A_8] : memref<1000x128xf32, #tpu.memory_space<vmem>>, vector<1000x128xf32>
    %add3A_10 = arith.addf %add3A, %get3A_9 : vector<1000x128xf32>
    %max3A = arith.constant 0.000000e+00 : f32
    %max3A_11 = vector.broadcast %max3A : f32 to vector<1000x128xf32>
    %max3A_12 = arith.maximumf %add3A_10, %max3A_11 : vector<1000x128xf32>
    %iota3A = tpu.iota {dimensions = array<i32: 1>} : vector<1000x64xi32>
    %get3A_13 = arith.constant 0 : index
    %get3A_14 = arith.constant 0 : index
    %get3A_15 = vector.load %arg4[%get3A_13, %get3A_14] : memref<1000x1xi32, #tpu.memory_space<vmem>>, vector<1000x1xi32>
    %eq3A_16 = vector.broadcast %get3A_15 : vector<1000x1xi32> to vector<1000x64xi32>
    %eq3A_17 = arith.cmpi eq, %eq3A_16, %iota3A : vector<1000x64xi32>
    %convert_element_type3A_18 = arith.extui %eq3A_17 : vector<1000x64xi1> to vector<1000x64xi32>
    %convert_element_type3A_19 = arith.sitofp %convert_element_type3A_18 : vector<1000x64xi32> to vector<1000x64xf32>
    %get3A_20 = arith.constant 0 : index
    %get3A_21 = arith.constant 0 : index
    %get3A_22 = vector.load %arg14[%get3A_20, %get3A_21] : memref<64x128xf32, #tpu.memory_space<vmem>>, vector<64x128xf32>
    %dot_general3A = arith.constant dense<0.000000e+00> : vector<64x128xf32>
    %dot_general3A_23 = tpu.matmul %convert_element_type3A_19, %max3A_12, %dot_general3A {dimension_numbers = #tpu.dot_dimension_numbers<[0], [0], [1], [1], [0, 1, 1, 1], [], []>, precision = #tpu.contract_precision<fp32>, transpose_lhs_hint = false} : vector<1000x64xf32>, vector<1000x128xf32>, vector<64x128xf32> -> vector<64x128xf32>
    %add3A_24 = arith.addf %get3A_22, %dot_general3A_23 : vector<64x128xf32>
    %swap3A = arith.constant 0 : index
    %swap3A_25 = arith.constant 0 : index
    %swap3A_26 = vector.load %arg14[%swap3A, %swap3A_25] : memref<64x128xf32, #tpu.memory_space<vmem>>, vector<64x128xf32>
    tpu.vector_store %arg14[%swap3A, %swap3A_25], %add3A_24 {strides = array<i32>} : memref<64x128xf32, #tpu.memory_space<vmem>>, vector<64x128xf32>,
    %get3A_27 = arith.constant 0 : index
    %get3A_28 = arith.constant 0 : index
    %get3A_29 = vector.load %arg15[%get3A_27, %get3A_28] : memref<64x128xf32, #tpu.memory_space<vmem>>, vector<64x128xf32>
    %broadcast_in_dim3A = arith.constant 1.000000e+00 : f32
    %broadcast_in_dim3A_30 = vector.broadcast %broadcast_in_dim3A : f32 to vector<1000x128xf32>
    %dot_general3A_31 = arith.constant dense<0.000000e+00> : vector<64x128xf32>
    %dot_general3A_32 = tpu.matmul %convert_element_type3A_19, %broadcast_in_dim3A_30, %dot_general3A_31 {dimension_numbers = #tpu.dot_dimension_numbers<[0], [0], [1], [1], [0, 1, 1, 1], [], []>, precision = #tpu.contract_precision<fp32>, transpose_lhs_hint = false} : vector<1000x64xf32>, vector<1000x128xf32>, vector<64x128xf32> -> vector<64x128xf32>
    %add3A_33 = arith.addf %get3A_29, %dot_general3A_32 : vector<64x128xf32>
    %swap3A_34 = arith.constant 0 : index
    %swap3A_35 = arith.constant 0 : index
    %swap3A_36 = vector.load %arg15[%swap3A_34, %swap3A_35] : memref<64x128xf32, #tpu.memory_space<vmem>>, vector<64x128xf32>
    tpu.vector_store %arg15[%swap3A_34, %swap3A_35], %add3A_33 {strides = array<i32>} : memref<64x128xf32, #tpu.memory_space<vmem>>, vector<64x128xf32>,
    %eq3A_37 = arith.constant 9 : i32
    %eq3A_38 = arith.cmpi eq, %arg0, %eq3A_37 : i32
    %convert_element_type3A_39 = arith.extui %eq3A_38 : i1 to i32
    %cond3A_40 = arith.constant 0 : i32
    %cond3A_41 = arith.cmpi ne, %convert_element_type3A_39, %cond3A_40 : i32
    scf.if %cond3A_41 {
      %get3A_42 = arith.constant 0 : index
      %get3A_43 = arith.constant 0 : index
      %get3A_44 = vector.load %arg14[%get3A_42, %get3A_43] : memref<64x128xf32, #tpu.memory_space<vmem>>, vector<64x128xf32>
      %get3A_45 = arith.constant 0 : index
      %get3A_46 = arith.constant 0 : index
      %get3A_47 = vector.load %arg15[%get3A_45, %get3A_46] : memref<64x128xf32, #tpu.memory_space<vmem>>, vector<64x128xf32>
      %max3A_48 = arith.constant 1.000000e+00 : f32
      %max3A_49 = vector.broadcast %max3A_48 : f32 to vector<64x128xf32>
      %max3A_50 = arith.maximumf %get3A_47, %max3A_49 : vector<64x128xf32>
      %div3A = arith.divf %get3A_44, %max3A_50 : vector<64x128xf32>
      %get3A_51 = arith.constant 0 : index
      %get3A_52 = arith.constant 0 : index
      %get3A_53 = vector.load %arg5[%get3A_51, %get3A_52] : memref<128x128xf32, #tpu.memory_space<vmem>>, vector<128x128xf32>
      %dot_general3A_54 = arith.constant dense<0.000000e+00> : vector<64x128xf32>
      %dot_general3A_55 = tpu.matmul %div3A, %get3A_53, %dot_general3A_54 {dimension_numbers = #tpu.dot_dimension_numbers<[1], [0], [0], [1], [0, 0, 1, 1], [], []>, precision = #tpu.contract_precision<fp32>, transpose_lhs_hint = false} : vector<64x128xf32>, vector<128x128xf32>, vector<64x128xf32> -> vector<64x128xf32>
      %get3A_56 = arith.constant 0 : index
      %get3A_57 = arith.constant 0 : index
      %get3A_58 = vector.load %arg6[%get3A_56, %get3A_57] : memref<1x128xf32, #tpu.memory_space<vmem>>, vector<1x128xf32>
      %add3A_59 = vector.broadcast %get3A_58 : vector<1x128xf32> to vector<64x128xf32>
      %add3A_60 = arith.addf %dot_general3A_55, %add3A_59 : vector<64x128xf32>
      %max3A_61 = arith.constant 0.000000e+00 : f32
      %max3A_62 = vector.broadcast %max3A_61 : f32 to vector<64x128xf32>
      %max3A_63 = arith.maximumf %add3A_60, %max3A_62 : vector<64x128xf32>
      %get3A_64 = arith.constant 0 : index
      %get3A_65 = arith.constant 0 : index
      %get3A_66 = vector.load %arg7[%get3A_64, %get3A_65] : memref<128x128xf32, #tpu.memory_space<vmem>>, vector<128x128xf32>
      %dot_general3A_67 = arith.constant dense<0.000000e+00> : vector<64x128xf32>
      %dot_general3A_68 = tpu.matmul %max3A_63, %get3A_66, %dot_general3A_67 {dimension_numbers = #tpu.dot_dimension_numbers<[1], [0], [0], [1], [0, 0, 1, 1], [], []>, precision = #tpu.contract_precision<fp32>, transpose_lhs_hint = false} : vector<64x128xf32>, vector<128x128xf32>, vector<64x128xf32> -> vector<64x128xf32>
      %get3A_69 = arith.constant 0 : index
      %get3A_70 = arith.constant 0 : index
      %get3A_71 = vector.load %arg8[%get3A_69, %get3A_70] : memref<1x128xf32, #tpu.memory_space<vmem>>, vector<1x128xf32>
      %add3A_72 = vector.broadcast %get3A_71 : vector<1x128xf32> to vector<64x128xf32>
      %add3A_73 = arith.addf %dot_general3A_68, %add3A_72 : vector<64x128xf32>
      %max3A_74 = arith.constant 0.000000e+00 : f32
      %max3A_75 = vector.broadcast %max3A_74 : f32 to vector<64x128xf32>
      %max3A_76 = arith.maximumf %add3A_73, %max3A_75 : vector<64x128xf32>
      %get3A_77 = arith.constant 0 : index
      %get3A_78 = arith.constant 0 : index
      %get3A_79 = vector.load %arg9[%get3A_77, %get3A_78] : memref<128x128xf32, #tpu.memory_space<vmem>>, vector<128x128xf32>
      %dot_general3A_80 = arith.constant dense<0.000000e+00> : vector<64x128xf32>
      %dot_general3A_81 = tpu.matmul %max3A_76, %get3A_79, %dot_general3A_80 {dimension_numbers = #tpu.dot_dimension_numbers<[1], [0], [0], [1], [0, 0, 1, 1], [], []>, precision = #tpu.contract_precision<fp32>, transpose_lhs_hint = false} : vector<64x128xf32>, vector<128x128xf32>, vector<64x128xf32> -> vector<64x128xf32>
      %get3A_82 = arith.constant 0 : index
      %get3A_83 = arith.constant 0 : index
      %get3A_84 = vector.load %arg10[%get3A_82, %get3A_83] : memref<1x128xf32, #tpu.memory_space<vmem>>, vector<1x128xf32>
      %add3A_85 = vector.broadcast %get3A_84 : vector<1x128xf32> to vector<64x128xf32>
      %add3A_86 = arith.addf %dot_general3A_81, %add3A_85 : vector<64x128xf32>
      %max3A_87 = arith.constant 0.000000e+00 : f32
      %max3A_88 = vector.broadcast %max3A_87 : f32 to vector<64x128xf32>
      %max3A_89 = arith.maximumf %add3A_86, %max3A_88 : vector<64x128xf32>
      %get3A_90 = arith.constant 0 : index
      %get3A_91 = arith.constant 0 : index
      %get3A_92 = vector.load %arg11[%get3A_90, %get3A_91] : memref<128x1xf32, #tpu.memory_space<vmem>>, vector<128x1xf32>
      %dot_general3A_93 = arith.constant dense<0.000000e+00> : vector<64x1xf32>
      %dot_general3A_94 = tpu.matmul %max3A_89, %get3A_92, %dot_general3A_93 {dimension_numbers = #tpu.dot_dimension_numbers<[1], [0], [0], [1], [0, 0, 1, 1], [], []>, precision = #tpu.contract_precision<fp32>, transpose_lhs_hint = false} : vector<64x128xf32>, vector<128x1xf32>, vector<64x1xf32> -> vector<64x1xf32>
      %get3A_95 = arith.constant 0 : index
      %get3A_96 = arith.constant 0 : index
      %get3A_97 = vector.load %arg12[%get3A_95, %get3A_96] : memref<1x1xf32, #tpu.memory_space<vmem>>, vector<1x1xf32>
      %add3A_98 = vector.broadcast %get3A_97 : vector<1x1xf32> to vector<64x1xf32>
      %add3A_99 = arith.addf %dot_general3A_94, %add3A_98 : vector<64x1xf32>
      %swap3A_100 = arith.constant 0 : index
      %swap3A_101 = arith.constant 0 : index
      %swap3A_102 = vector.load %arg13[%swap3A_100, %swap3A_101] : memref<64x1xf32, #tpu.memory_space<vmem>>, vector<64x1xf32>
      tpu.vector_store %arg13[%swap3A_100, %swap3A_101], %add3A_99 {strides = array<i32>} : memref<64x1xf32, #tpu.memory_space<vmem>>, vector<64x1xf32>,
    } else {
    }
    return
  }
  func.func @transform_0(%arg0: i32) -> (i32, i32) {
    %c0_i32 = arith.constant 0 : i32
    %c0_i32_0 = arith.constant 0 : i32
    return %arg0, %c0_i32 : i32, i32
  }
  func.func @transform_1(%arg0: i32) -> (i32, i32) {
    %c0_i32 = arith.constant 0 : i32
    %c0_i32_0 = arith.constant 0 : i32
    return %arg0, %c0_i32 : i32, i32
  }
  func.func @transform_2(%arg0: i32) -> (i32, i32) {
    %c0_i32 = arith.constant 0 : i32
    %c0_i32_0 = arith.constant 0 : i32
    return %arg0, %c0_i32 : i32, i32
  }
  func.func @transform_3(%arg0: i32) -> (i32, i32) {
    %c0_i32 = arith.constant 0 : i32
    %c0_i32_0 = arith.constant 0 : i32
    return %arg0, %c0_i32 : i32, i32
  }
  func.func @transform_4(%arg0: i32) -> (i32, i32) {
    %c0_i32 = arith.constant 0 : i32
    %c0_i32_0 = arith.constant 0 : i32
    %c0_i32_1 = arith.constant 0 : i32
    return %c0_i32, %c0_i32_0 : i32, i32
  }
  func.func @transform_5(%arg0: i32) -> (i32, i32) {
    %c0_i32 = arith.constant 0 : i32
    %c0_i32_0 = arith.constant 0 : i32
    %c0_i32_1 = arith.constant 0 : i32
    return %c0_i32, %c0_i32_0 : i32, i32
  }
  func.func @transform_6(%arg0: i32) -> (i32, i32) {
    %c0_i32 = arith.constant 0 : i32
    %c0_i32_0 = arith.constant 0 : i32
    %c0_i32_1 = arith.constant 0 : i32
    return %c0_i32, %c0_i32_0 : i32, i32
  }
  func.func @transform_7(%arg0: i32) -> (i32, i32) {
    %c0_i32 = arith.constant 0 : i32
    %c0_i32_0 = arith.constant 0 : i32
    %c0_i32_1 = arith.constant 0 : i32
    return %c0_i32, %c0_i32_0 : i32, i32
  }
  func.func @transform_8(%arg0: i32) -> (i32, i32) {
    %c0_i32 = arith.constant 0 : i32
    %c0_i32_0 = arith.constant 0 : i32
    %c0_i32_1 = arith.constant 0 : i32
    return %c0_i32, %c0_i32_0 : i32, i32
  }
  func.func @transform_9(%arg0: i32) -> (i32, i32) {
    %c0_i32 = arith.constant 0 : i32
    %c0_i32_0 = arith.constant 0 : i32
    %c0_i32_1 = arith.constant 0 : i32
    return %c0_i32, %c0_i32_0 : i32, i32
  }
  func.func @transform_10(%arg0: i32) -> (i32, i32) {
    %c0_i32 = arith.constant 0 : i32
    %c0_i32_0 = arith.constant 0 : i32
    %c0_i32_1 = arith.constant 0 : i32
    return %c0_i32, %c0_i32_0 : i32, i32
  }
  func.func @transform_11(%arg0: i32) -> (i32, i32) {
    %c0_i32 = arith.constant 0 : i32
    %c0_i32_0 = arith.constant 0 : i32
    %c0_i32_1 = arith.constant 0 : i32
    return %c0_i32, %c0_i32_0 : i32, i32
  }
  func.func @transform_12(%arg0: i32) -> (i32, i32) {
    %c0_i32 = arith.constant 0 : i32
    %c0_i32_0 = arith.constant 0 : i32
    %c0_i32_1 = arith.constant 0 : i32
    return %c0_i32, %c0_i32_0 : i32, i32
  }
}

</mosaic_0001>

<sc_bundles>
// kernel: kernel.10.cloned.1.call-start
scs
__scs_entry_jumppad:
0x0: {  	(pc) =	sbr.rel $0x88, $3  }
0x1: {  	(tag) =	ssettag $0x0;
	lr =	simm.s32 $0x1  }
0x2: {  	[smem:$0x3F76] =	sst lr;
	_ =	strace $0xD0000000  }
0x3: {  	_ = 	snop  }
0x4: {  	_ = 	snop  }
0x5: {  	_ = 	snop  }
0x6: {  	_ = 	snop  }
0x7: {  	_ = 	snop  }
__scs_overlays_trampoline_lowered:
0x8: {  	[smem:$0x3F85] =	sst s0  }
0x9: {  	[smem:$0x3F86] =	sst s1  }
0xa: {  	[smem:$0x3F87] =	sst s2  }
0xb: {  	[smem:$0x3F88] =	sst s3  }
0xc: {  	[smem:$0x3F89] =	sst s4  }
0xd: {  	[smem:$0x3F8A] =	sst s5  }
0xe: {  	[smem:$0x3F8B] =	sst s6  }
0xf: {  	[smem:$0x3F8C] =	sst s7  }
0x10: {  	[smem:$0x3F8D] =	sst s8  }
0x11: {  	[smem:$0x3F8E] =	sst s9;
	s0 =	simm.s32 @!p0 $0x0  }
0x12: {  	s1 =	sld [smem:$0x3F74];
	s0 =	simm.s32 @p0 $0x1  }
0x13: {  	[smem:$0x3F8F] =	sst s0;
	s0 =	simm.s32 @!p1 $0x0  }
0x14: {  	s2 =	sld [smem:$0x3F73];
	s0 =	simm.s32 @p1 $0x1  }
0x15: {  	[smem:$0x3F90] =	sst s0;
	s0 =	simm.s32 @!p2 $0x0  }
0x16: {  	s3 =	sld [smem:$0x3FDB];
	s0 =	simm.s32 @p2 $0x1  }
0x17: {  	s4 =	simm.s32 $0x1BF5;
	[smem:$0x3F92] =	sst s0  }
0x18: {  	s0 =	sld [smem:$0x3F75];
	_ =	swait.ge [sflag:s4], $0x0  }
0x19: {  	s7 =	sld [smem:$0x3F76]  }
0x1a: {  	s8 =	sadd.s32 $0xFFFFE003, lr  }
0x1b: {  	s9 =	sadd.s32 $0xFFFFFEF7, lr;
	s5 =	simm.s32 $0xFFFFFFFF;
	p2 =	slt.u32 s8, $0xFFFFF086  }
0x1c: {  	p1 =	slt.u32 s9, $0xF7A;
	s5 =	simm.s32 @!p2 $0x0  }
0x1d: {  	s5 =	simm.s32 @p1 $0x1;
	p0 =	seq.s32 s7, s2  }
0x1e: {  	s7 =	smul.u32 @!p0 $0xF7A, s2;
	p2 =	seq.s32 @!p0 s5, $0x0  }
0x1f: {  	s9 =	smul.u32 $0xF7A, s1;
	s8 =	simm.s32 @!p0 $0x1BF5;
	p2 =	por !p2, p0  }
0x20: {  	[sflag:s8] =	ssyncset.s32 @!p0 $0xFFFFF086;
	s6 =	sadd.s32 @!p0 s3, s7;
	s7 =	simm.s32 @!p0 $0x108  }
0x21: {  	s3 =	sadd.s32 s3, s9;
	s6 =	sadd.s32 @!p0 $0x88, s6;
	s7 =	simm.s32 @p2 $0x1082  }
0x22: {  	[simem:s7], [sflag:s8] =	dma.local @!p0 [hbm:s6], $0xF7A  }
0x23: {  	s9 =	sor.u32 $0xD0000000, s2;
	s6 =	simm.s32 $0x108;
	_ =	swait.ge @!p0 [sflag:s8], $0x0  }
0x24: {  	s3 =	sadd.s32 $0x88, s3;
	s6 =	simm.s32 @!p1 $0x1082;
	[sflag:s4] =	ssyncset.s32 $0xFFFFF086  }
0x25: {  	[simem:s6], [sflag:s4] =	dma.local [hbm:s3], $0xF7A  }
0x26: {  	[smem:$0x3F76] =	sst s1;
	(tag) =	ssettag s2;
	_ =	strace s9  }
0x27: {  	s1 =	sld [smem:$0x3F86]  }
0x28: {  	s2 =	sld [smem:$0x3F87]  }
0x29: {  	s4 =	sld [smem:$0x3F89]  }
0x2a: {  	p0 =	seq.s32 s5, $0x0;
	s5 =	sld [smem:$0x3F8A]  }
0x2b: {  	s6 =	sld [smem:$0x3F8B]  }
0x2c: {  	s7 =	sld [smem:$0x3F8C]  }
0x2d: {  	s3 =	simm.s32 $0x108;
	s8 =	sld [smem:$0x3F8D]  }
0x2e: {  	s3 =	simm.s32 @!p0 $0x1082;
	s9 =	sld [smem:$0x3F8E]  }
0x2f: {  	lr =	sadd.s32 s0, s3;
	s0 =	sld [smem:$0x3F85]  }
0x30: {  	s3 =	sld [smem:$0x3F88]  }
0x31: {  	[smem:$0x3F91] =	sst s10  }
0x32: {  	s10 =	sld [smem:$0x3F8F];
	_ =	sdelay $0x3  }
0x33: {  	p0 =	seq.s32 s10, $0x1;
	s10 =	sld [smem:$0x3F91];
	_ =	sdelay $0x3  }
0x34: {  	[smem:$0x3F91] =	sst s10  }
0x35: {  	s10 =	sld [smem:$0x3F90];
	_ =	sdelay $0x3  }
0x36: {  	p1 =	seq.s32 s10, $0x1;
	s10 =	sld [smem:$0x3F91];
	_ =	sdelay $0x3  }
0x37: {  	[smem:$0x3F91] =	sst s10  }
0x38: {  	s10 =	sld [smem:$0x3F92]  }
0x39: {  	_ = 	snop;
	(pc) =	sbr.ind lr, $3  }
0x3a: {  	_ = 	snop  }
0x3b: {  	_ = 	snop  }
0x3c: {  	p2 =	seq.s32 s10, $0x1;
	s10 =	sld [smem:$0x3F91]  }
0x3d: {  	_ =	shalt  }
0x3e: {  	_ =	shalt  }
0x3f: {  	_ =	shalt  }
0x40: {  	_ =	shalt  }
0x41: {  	_ =	shalt  }
0x42: {  	_ =	shalt  }
0x43: {  	_ =	shalt  }
0x44: {  	_ =	shalt  }
0x45: {  	_ =	shalt  }
0x46: {  	_ =	shalt  }
0x47: {  	_ =	shalt  }
0x48: {  	_ =	shalt  }
0x49: {  	_ =	shalt  }
0x4a: {  	_ =	shalt  }
0x4b: {  	_ =	shalt  }
0x4c: {  	_ =	shalt  }
0x4d: {  	_ =	shalt  }
0x4e: {  	_ =	shalt  }
0x4f: {  	_ =	shalt  }
0x50: {  	_ =	shalt  }
0x51: {  	_ =	shalt  }
0x52: {  	_ =	shalt  }
0x53: {  	_ =	shalt  }
0x54: {  	_ =	shalt  }
0x55: {  	_ =	shalt  }
0x56: {  	_ =	shalt  }
0x57: {  	_ =	shalt  }
0x58: {  	_ =	shalt  }
0x59: {  	_ =	shalt  }
0x5a: {  	_ =	shalt  }
0x5b: {  	_ =	shalt  }
0x5c: {  	_ =	shalt  }
0x5d: {  	_ =	shalt  }
0x5e: {  	_ =	shalt  }
0x5f: {  	_ =	shalt  }
0x60: {  	_ =	shalt  }
0x61: {  	_ =	shalt  }
0x62: {  	_ =	shalt  }
0x63: {  	_ =	shalt  }
0x64: {  	_ =	shalt  }
0x65: {  	_ =	shalt  }
0x66: {  	_ =	shalt  }
0x67: {  	_ =	shalt  }
0x68: {  	_ =	shalt  }
0x69: {  	_ =	shalt  }
0x6a: {  	_ =	shalt  }
0x6b: {  	_ =	shalt  }
0x6c: {  	_ =	shalt  }
0x6d: {  	_ =	shalt  }
0x6e: {  	_ =	shalt  }
0x6f: {  	_ =	shalt  }
0x70: {  	_ =	shalt  }
0x71: {  	_ =	shalt  }
0x72: {  	_ =	shalt  }
0x73: {  	_ =	shalt  }
0x74: {  	_ =	shalt  }
0x75: {  	_ =	shalt  }
0x76: {  	_ =	shalt  }
0x77: {  	_ =	shalt  }
0x78: {  	_ =	shalt  }
0x79: {  	_ =	shalt  }
0x7a: {  	_ =	shalt  }
0x7b: {  	_ =	shalt  }
0x7c: {  	_ =	shalt  }
0x7d: {  	_ =	shalt  }
0x7e: {  	_ =	shalt  }
0x7f: {  	_ =	shalt  }
0x80: {  	_ =	shalt  }
0x81: {  	_ =	shalt  }
0x82: {  	_ =	shalt  }
0x83: {  	_ =	shalt  }
0x84: {  	_ =	shalt  }
0x85: {  	_ =	shalt  }
0x86: {  	_ =	shalt  }
0x87: {  	_ =	shalt  }
.Lfunc_end0:
.L_simem_size_0:
called_computation.1_lowered:
.L_overlay_start_0:
0x88: {  	s2 =	sld [smem:$0x3FD9]  }
0x89: {  	s3 =	sld [smem:$0x3FFE];
	_ =	sdelay $0x1  }
0x8a: {  	s1 =	srdreg.scid  }
0x8b: {  	s0 =	sand.u32 $0x1, s1  }
0x8c: {  	s17 =	sshll.u32 s0, $0xA;
	s2 =	sadd.s32 s3, s2  }
0x8d: {  	s2 =	sadd.s32 s2, s17  }
0x8e: {  	[smem:$0x3F9D] =	sst s2  }
0x8f: {  	_ = 	snop  }
0x90: {  	s2 =	sld [smem:$0x3FA9];
	(tm) =	ssettm $0x1  }
0x91: {  	s18 =	sld [smem:$0x3FFB];
	_ =	sdelay $0x3  }
0x92: {  	_ =	strace s18  }
0x93: {  	s3 =	sld [smem:$0x3FFC];
	_ =	sdelay $0x3  }
0x94: {  	_ =	strace s3  }
0x95: {  	s3 =	sld [smem:$0x3FFD];
	_ =	sdelay $0x3  }
0x96: {  	_ =	strace s3  }
0x97: {  	_ =	strace $0x8FFFFFFF  }
0x98: {  	s19 =	sld [smem:$0x3FDB];
	_ =	sdelay $0x1  }
0x99: {  	s4 =	simm.s32 $_scs_section_size  }
0x9a: {  	s5 =	simm.s32 $_size__tile_overlayer_lowered;
	s6 =	simm.s32 $_tile_overlayer_lowered  }
0x9b: {  	s22 =	simm.s32 $0x1BFF;
	s21 =	sshll.u32 s6, $0x1;
	s3 =	sadd.s32 s4, s19  }
0x9c: {  	s7 =	simm.s32 $0x0;
	s20 =	sshll.u32 s5, $0x1;
	s5 =	sadd.s32 s21, s3  }
0x9d: {  	[timem:s7], [sflag:s22] =	dma.local [hbm:s5], s20  }
0x9e: {  	_ =	swait.ge [sflag:s22], s20  }
0x9f: {  	s4 =	ssub.s32 $0x0, s20;
	[sflag:s22] =	ssyncset.done $0x0  }
0xa0: {  	[sflag:s22] =	ssyncadd.s32 s4;
	_ =	sdelay $0x1  }
0xa1: {  	s23 =	simm.s32 $0x1B8B  }
0xa2: {  	_ =	swait.ge [sflag:s23], $0x1  }
0xa3: {  	[sflag:s23] =	ssyncset.done $0x0  }
0xa4: {  	s25 =	simm.s32 $0x1B8E;
	s24 =	sld [smem:$0x3FFE];
	[sflag:s23] =	ssyncadd.s32 $0xFFFFFFFF  }
0xa5: {  	s26 =	simm.s32 $execute0_lowered;
	[smem:$0x3FD2] =	sst s25  }
0xa6: {  	s5 =	sshll.u32 s26, $0x1;
	_ =	strace $0x80000049;
	[dreg:$0x1] =	wrdreg $0xFFFFFFFF  }
0xa7: {  	s28 =	simm.s32 $_size_execute0_lowered;
	s3 =	sadd.s32 s3, s5;
	[dreg:$0x0] =	wrdreg $0x0  }
0xa8: {  	s5 =	sshll.u32 s28, $0x1;
	[dreg:$0x2] =	wrdreg s3  }
0xa9: {  	[dreg:$0x3] =	wrdreg s5  }
0xaa: {  	[dreg:$0x4] =	wrdreg $0xC0  }
0xab: {  	_ =	task [dreg:s7], $0x5FFFF  }
0xac: {  	[dreg:$0x1] =	wrdreg $0xFFFFFFFF  }
0xad: {  	[dreg:$0x0] =	wrdreg $0x60  }
0xae: {  	[dreg:$0x2] =	wrdreg s24  }
0xaf: {  	[dreg:$0x3] =	wrdreg s2  }
0xb0: {  	[dreg:$0x4] =	wrdreg $0xA2000  }
0xb1: {  	[dreg:$0x5] =	wrdreg $0x9  }
0xb2: {  	_ =	task.clear_ibuf [dreg:s7], $0x6FFFF;
	_ =	strace $0x90000049  }
0xb3: {  	s29 =	simm.s32 $0x9;
	_ =	strace $0x8000004B  }
0xb4: {  	_ =	swait.ge [sflag:s29], $0x1  }
0xb5: {  	[sflag:s29] =	ssyncadd.s32 $0xFFFFFFFF  }
0xb6: {  	_ =	strace $0x9000004B  }
0xb7: {  	_ =	sfence  }
0xb8: {  	s30 =	sld [smem:$0x0];
	_ =	sdelay $0x2  }
0xb9: {  	s31 =	sshll.u32 s1, $0xD;
	s1 =	sshrl.u32 s1, $0x2  }
0xba: {  	s3 =	sand.u32 $0x4000, s31;
	s1 =	sadd.s32 s1, s30  }
0xbb: {  	s0 =	sor.u32 s3, s0;
	s1 =	sshll.u32 s1, $0x11  }
0xbc: {  	s0 =	sor.u32 s1, s0  }
0xbd: {  	s0 =	sadd.s32 $0x8F2B, s0  }
0xbe: {  	[sflag:s0] =	ssyncadd.remote.s32 $0x1  }
0xbf: {  	_ =	sfence.sel $0xFFFF  }
0xc0: {  	[dreg:$0x0] =	wrdreg $0xFFFFFFFF;
	(pc) =	sbr.abs _section_cstart, $3  }
0xc1: {  	[dreg:$0x1] =	wrdreg $0xFFFFFFFF  }
0xc2: {  	_ =	task.clear_ibuf [dreg:s7], $0x2FFFF;
	_ =	strace $0x9FFFFFFF  }
0xc3: {  	(tm) =	ssettm $0x7FFFFFFF  }
tec
execute0_lowered:
.L_overlay_start_1:
0x0: {  	(tag) =	ssettag $0x1  }
0x1: {  	s0 =	rddreg [dreg:$0x0]  }
0x2: {  	s2 =	rddreg [dreg:$0x2];
	s3 =	simm.s32 $0x0  }
0x3: {  	s1 =	srdreg.scid;
	s23 =	stileid.u32;
	s29 =	simm.s32 $0x7A00  }
0x4: {  	s30 =	simm.s32 $0x1;
	s1 =	sand.u32 $0x1, s1;
	s7 =	smul.u32 $0x2800, s23  }
0x5: {  	s31 =	simm.s32 $0xA00;
	s4 =	sor.u32 $0x10, s23;
	s25 =	smul.u32 $0x138800, s1  }
0x6: {  	[smem:$0x7FF] =	sst s3;
	s8 =	sor.u32 $0x20, s23;
	s9 =	smul.u32 $0x2800, s4  }
0x7: {  	s5 =	sadd.s32 $0x3F600, s0;
	s11 =	sor.u32 $0x30, s23;
	s12 =	smul.u32 $0x2800, s8  }
0x8: {  	s6 =	sadd.s32 $0x8D800, s0;
	s14 =	sor.u32 $0x40, s23;
	s15 =	smul.u32 $0x2800, s11  }
0x9: {  	s19 =	sor.u32 $0x60, s23;
	s20 =	sor.u32 $0x70, s23;
	s16 =	smul.u32 $0x2800, s14  }
0xa: {  	s22 =	sadd.s32 $0xB4A00, s0;
	_ =	strace $0x8000004A;
	s18 =	smul.u32 $0x2800, s19  }
0xb: {  	s10 =	ssub.s32 $0x2, s1;
	s1 =	sshll.u32 s1, $0x4;
	s26 =	smul.u32 $0x2800, s20  }
0xc: {  	s4 =	smul.u32 $0xA000, s4;
	p0 =	sgt.u32 s20, $0x7C;
	s13 =	sshrl.u32 s10, $0x1  }
0xd: {  	s1 =	sor.u32 s23, s1;
	s10 =	ssub.s32 s10, s13;
	s13 =	sor.u32 $0x50, s23  }
0xe: {  	s21 =	sadd.s32 s25, s7;
	s9 =	sadd.s32 s25, s9;
	s12 =	sadd.s32 s25, s12  }
0xf: {  	s15 =	sadd.s32 s25, s15;
	s16 =	sadd.s32 s25, s16;
	s7 =	smul.u32 $0x2710, s1  }
0x10: {  	s18 =	sadd.s32 s25, s18;
	s3 =	sadd.s32 s25, s26;
	s17 =	smul.u32 $0x2800, s13  }
0x11: {  	s21 =	sshrl.u32 s21, $0x3;
	s24 =	sshrl.u32 s9, $0x3;
	s26 =	sshrl.u32 s15, $0x3  }
0x12: {  	s15 =	sshrl.u32 s16, $0x3;
	s9 =	sshrl.u32 s4, $0x2;
	s1 =	sadd.s32 s22, s21  }
0x13: {  	s21 =	sshrl.u32 s3, $0x3;
	s17 =	sadd.s32 s25, s17;
	[dreg:$0x4] =	wrdreg s1  }
0x14: {  	s1 =	sadd.s32 s22, s24;
	s25 =	sshrl.u32 s12, $0x3;
	s24 =	smul.u32 $0xA000, s23  }
0x15: {  	s12 =	sadd.s32 s22, s26;
	s26 =	smax.u32 s10, $0x1;
	s10 =	smul.u32 $0xA000, s14  }
0x16: {  	s23 =	sadd.s32 s9, s2;
	s14 =	smul.u32 $0xA000, s20;
	[dreg:$0x5] =	wrdreg s1  }
0x17: {  	s1 =	sadd.s32 s22, s25;
	[dreg:$0x7] =	wrdreg s12;
	s25 =	smul.u32 $0xA000, s8  }
0x18: {  	s9 =	simm.s32 $0x1A00;
	[dreg:$0xc] =	wrdreg s26;
	s8 =	smul.u32 $0xA000, s11  }
0x19: {  	s16 =	sshrl.u32 s17, $0x3;
	s11 =	smul.u32 $0xA000, s13;
	[dreg:$0xe] =	wrdreg s23  }
0x1a: {  	s17 =	sshrl.u32 s18, $0x3;
	s13 =	smul.u32 $0xA000, s19;
	[dreg:$0x6] =	wrdreg s1  }
0x1b: {  	s1 =	sadd.s32 s22, s15;
	s18 =	sadd.s32 s22, s17;
	s17 =	sadd.s32 $0x2BA00, s0  }
0x1c: {  	s4 =	sshrl.u32 s10, $0x2;
	s20 =	sshrl.u32 s14, $0x2;
	s10 =	simm.s32 $0x2200  }
0x1d: {  	s14 =	simm.s32 $0x4200;
	[dreg:$0x8] =	wrdreg s1;
	s1 =	sadd.s32 s22, s16  }
0x1e: {  	[dreg:$0xa] =	wrdreg s18;
	s16 =	sadd.s32 $0x35800, s0;
	s18 =	sadd.s32 $0x4200, s0  }
0x1f: {  	s0 =	sshrl.u32 s25, $0x2;
	s12 =	sshrl.u32 s8, $0x2;
	s26 =	sadd.s32 s4, s2  }
0x20: {  	s15 =	sshrl.u32 s11, $0x2;
	s19 =	sshrl.u32 s13, $0x2;
	s4 =	simm.s32 $0x100  }
0x21: {  	s8 =	simm.s32 $0x1200;
	s11 =	simm.s32 $0x2A00;
	[dreg:$0x9] =	wrdreg s1  }
0x22: {  	s13 =	simm.s32 $0x3A00;
	s1 =	sadd.s32 s22, s21;
	[dreg:$0x11] =	wrdreg s26  }
0x23: {  	s25 =	sadd.s32 s12, s2;
	s21 =	sadd.s32 s20, s2;
	[dreg:$0xb] =	wrdreg s1  }
0x24: {  	s28 =	sadd.s32 s15, s2;
	s12 =	simm.s32 $0x3200;
	[dreg:$0x14] =	wrdreg s21  }
0x25: {  	s15 =	simm.s32 $0x4A00;
	s1 =	sshrl.u32 s24, $0x2;
	[dreg:$0x10] =	wrdreg s25  }
0x26: {  	s24 =	sadd.s32 s0, s2;
	s0 =	sadd.s32 s19, s2;
	[dreg:$0x12] =	wrdreg s28  }
0x27: {  	v3 =	vlaneseq.u32;
	s20 =	simm.s32 $0x5200;
	s19 =	simm.s32 $0x50;
	[dreg:$0x13] =	wrdreg s0  }
0x28: {  	v0 =	vimm.f32 $0.0e+00;
	vm0 =	vmmov $0xffff;
	v2 =	vshrl.u32 v3, $0x3;
	s21 =	simm.s32 $0x0;
	s22 =	sadd.s32 s1, s2;
	[dreg:$0xf] =	wrdreg s24  }
0x29: {  	v1 =	vand.u32 $0x7, v3;
	v3 =	vor.u32 $0x8, v3;
	v2 =	vmul.u32 $0x8, v2;
	s0 =	simm.s32 $0x80;
	s1 =	simm.s32 $0x200;
	[dreg:$0xd] =	wrdreg s22  }
.LBB2_1:
0x2a: {  	[dreg:$0x15] =	wrdreg s21;
	s3 =	simm.s32 $0x0;
	s21 =	simm.s32 $0x200  }
.LBB2_2:
0x2b: {  	p1 =	sne.s32 s21, $0x9E00;
	[tilespmem:s3+$0x7A70] =	vst v0  }
0x2c: {  	[tilespmem:s3+$0x7A00] =	vst v0  }
0x2d: {  	[tilespmem:s3+$0x7A10] =	vst v0  }
.Ltmp0:
0x2e: {  	[tilespmem:s3+$0x7A20] =	vst v0;
	(pc) =	sbr.rel @p1 .LBB2_2-.Ltmp0, $4  }
0x2f: {  	[tilespmem:s3+$0x7A30] =	vst v0  }
0x30: {  	[tilespmem:s3+$0x7A40] =	vst v0  }
0x31: {  	[tilespmem:s3+$0x7A50] =	vst v0  }
0x32: {  	[tilespmem:s3+$0x7A60] =	vst v0;
	s3 =	sshra.s32 s21, $0x2;
	s21 =	sadd.s32 $0x200, s21  }
0x33: {  	[tilespmem:s3+$0x7A70] =	vst v0  }
0x34: {  	[tilespmem:s3+$0x7A00] =	vst v0  }
0x35: {  	[tilespmem:s3+$0x7A10] =	vst v0  }
0x36: {  	[tilespmem:s3+$0x7A20] =	vst v0  }
0x37: {  	[tilespmem:s3+$0x7A30] =	vst v0  }
0x38: {  	[tilespmem:s3+$0x7A40] =	vst v0  }
0x39: {  	[tilespmem:s3+$0x7A50] =	vst v0  }
0x3a: {  	[tilespmem:s3+$0x7A60] =	vst v0  }
0x3b: {  	[spmem:s22] =	stream.linear.scatter [tilespmem:s29], [sflag:$0x1], $0x2800, $0x38;
	[tilespmem:$0x1DA80] =	vst v63  }
0x3c: {  	_ =	swait.ge [sflag:s30], $0x2800  }
0x3d: {  	[sflag:s30] =	ssyncset.done $0x0  }
0x3e: {  	[sflag:s30] =	ssyncadd.s32 $0xFFFFD800  }
0x3f: {  	[spmem:s23] =	stream.linear.scatter [tilespmem:s29], [sflag:$0x1], $0x2800, $0x38;
	[tilespmem:$0x1DA80] =	vst v63  }
0x40: {  	_ =	swait.ge [sflag:s30], $0x2800  }
0x41: {  	[sflag:s30] =	ssyncset.done $0x0  }
0x42: {  	[sflag:s30] =	ssyncadd.s32 $0xFFFFD800  }
0x43: {  	[spmem:s24] =	stream.linear.scatter [tilespmem:s29], [sflag:$0x1], $0x2800, $0x38;
	[tilespmem:$0x1DA80] =	vst v63  }
0x44: {  	_ =	swait.ge [sflag:s30], $0x2800  }
0x45: {  	[sflag:s30] =	ssyncset.done $0x0  }
0x46: {  	[sflag:s30] =	ssyncadd.s32 $0xFFFFD800  }
0x47: {  	[spmem:s25] =	stream.linear.scatter [tilespmem:s29], [sflag:$0x1], $0x2800, $0x38;
	[tilespmem:$0x1DA80] =	vst v63  }
0x48: {  	_ =	swait.ge [sflag:s30], $0x2800  }
0x49: {  	[sflag:s30] =	ssyncset.done $0x0  }
0x4a: {  	[sflag:s30] =	ssyncadd.s32 $0xFFFFD800  }
0x4b: {  	[spmem:s26] =	stream.linear.scatter [tilespmem:s29], [sflag:$0x1], $0x2800, $0x38;
	[tilespmem:$0x1DA80] =	vst v63  }
0x4c: {  	_ =	swait.ge [sflag:s30], $0x2800  }
0x4d: {  	[sflag:s30] =	ssyncset.done $0x0  }
0x4e: {  	[sflag:s30] =	ssyncadd.s32 $0xFFFFD800  }
0x4f: {  	[spmem:s28] =	stream.linear.scatter [tilespmem:s29], [sflag:$0x1], $0x2800, $0x38;
	[tilespmem:$0x1DA80] =	vst v63  }
0x50: {  	_ =	swait.ge [sflag:s30], $0x2800  }
0x51: {  	[sflag:s30] =	ssyncset.done $0x0  }
0x52: {  	s2 =	rddreg [dreg:$0x13];
	[sflag:s30] =	ssyncadd.s32 $0xFFFFD800  }
0x53: {  	[spmem:s2] =	stream.linear.scatter [tilespmem:s29], [sflag:$0x1], $0x2800, $0x38;
	[tilespmem:$0x1DA80] =	vst v63  }
0x54: {  	_ =	swait.ge [sflag:s30], $0x2800  }
0x55: {  	[sflag:s30] =	ssyncset.done $0x0  }
0x56: {  	s3 =	simm.s32 @!p0 $0x7A00;
	s2 =	rddreg [dreg:$0x14];
	[sflag:s30] =	ssyncadd.s32 $0xFFFFD800  }
0x57: {  	[spmem:s2] =	stream.linear.scatter @!p0 [tilespmem:s3], [sflag:$0x1], $0x2800, $0x38;
	[tilespmem:$0x1DA80] =	vst v63  }
0x58: {  	s3 =	simm.s32 @!p0 $0x1  }
0x59: {  	_ =	swait.ge @!p0 [sflag:s3], $0x2800  }
0x5a: {  	[sflag:s3] =	ssyncset.done @!p0 $0x0  }
0x5b: {  	[sflag:s3] =	ssyncadd.s32 @!p0 $0xFFFFD800  }
0x5c: {  	[bflag:$0x0] =	sbarrier.arrive $0xFFFF  }
0x5d: {  	s23 =	simm.s32 $0x0;
	s28 =	simm.s32 $0x180;
	s26 =	rddreg [dreg:$0x1]  }
0x5e: {  	[tilespmem:s28], [sflag:$0x1] =	stream.linear.gather [hbm4b:s26+s23], $0x80, $0x38;
	[tilespmem:$0x1DA80] =	vst v63  }
0x5f: {  	_ =	swait.ge [sflag:s30], $0x80  }
0x60: {  	[sflag:s30] =	ssyncset.done $0x0  }
0x61: {  	s24 =	simm.s32 $0x0;
	[sflag:s30] =	ssyncadd.s32 $0xFFFFFF80  }
.LBB2_4:
0x62: {  	s3 =	smul.u32 $0x50, s24;
	_ =	sdelay $0x1  }
0x63: {  	s3 =	sadd.s32 s7, s3  }
0x64: {  	s3 =	sshrl.u32 s3, $0x3  }
0x65: {  	s21 =	sadd.s32 s16, s3  }
0x66: {  	[tilespmem:s23], [sflag:$0x1] =	stream.linear.gather [hbm4b:s21+s23], $0x50, $0x38;
	[tilespmem:$0x1DA80] =	vst v63  }
0x67: {  	_ =	swait.ge [sflag:s30], $0x50  }
0x68: {  	[sflag:s30] =	ssyncset.done $0x0  }
0x69: {  	s26 =	sadd.s32 s17, s3;
	[sflag:s30] =	ssyncadd.s32 $0xFFFFFFB0  }
0x6a: {  	[tilespmem:s0], [sflag:$0x1] =	stream.linear.gather [hbm4b:s26+s23], $0x50, $0x38;
	[tilespmem:$0x1DA80] =	vst v63  }
0x6b: {  	_ =	swait.ge [sflag:s30], $0x50  }
0x6c: {  	[sflag:s30] =	ssyncset.done $0x0  }
0x6d: {  	s3 =	sadd.s32 s18, s3;
	[sflag:s30] =	ssyncadd.s32 $0xFFFFFFB0  }
0x6e: {  	[tilespmem:s4], [sflag:$0x1] =	stream.linear.gather [hbm4b:s3+s23], $0x50, $0x38;
	[tilespmem:$0x1DA80] =	vst v63  }
0x6f: {  	_ =	swait.ge [sflag:s30], $0x50  }
0x70: {  	[sflag:s30] =	ssyncset.done $0x0  }
0x71: {  	[sflag:s30] =	ssyncadd.s32 $0xFFFFFFB0  }
0x72: {  	v4 =	vld [tilespmem:$0x0];
	_ =	sdelay $0x4  }
0x73: {  	v5 =	vshll.u32 v4, $0x1  }
0x74: {  	v4 =	vand.u32 $0x7, v4;
	v5 =	vand.u32 $0xFFFFFFF0, v5  }
0x75: {  	v4 =	vor.u32 v4, v5  }
0x76: {  	v5 =	vperm.xlane v4, v1;
	_ =	sdelay $0x1  }
0x77: {  	v4 =	vperm.xlane v4, v3;
	v5 =	vadd.s32 v2, v5;
	_ =	sdelay $0x1  }
0x78: {  	v4 =	vadd.s32 v2, v4;
	_ =	sdelay $0x2  }
0x79: {  	[tilespmem:s1], [sflag:$0x1] =	stream.indirect_vreg.gather [hbm4b:s5+s23], $0x80, v5, vm0, $0xb8;
	[tilespmem:$0x1DA80] =	vst v63  }
0x7a: {  	_ = 	snop  }
0x7b: {  	[tilespmem:s31], [sflag:$0x1] =	stream.indirect_vreg.gather [hbm4b:s5+s23], $0x80, v4, vm0, $0xb8;
	[tilespmem:$0x1DA80] =	vst v63  }
0x7c: {  	v4 =	vld [tilespmem:$0x10];
	_ =	sdelay $0x4  }
0x7d: {  	v5 =	vshll.u32 v4, $0x1  }
0x7e: {  	v4 =	vand.u32 $0x7, v4;
	v5 =	vand.u32 $0xFFFFFFF0, v5  }
0x7f: {  	v4 =	vor.u32 v4, v5  }
0x80: {  	v5 =	vperm.xlane v4, v1;
	_ =	sdelay $0x1  }
0x81: {  	v4 =	vperm.xlane v4, v3;
	v5 =	vadd.s32 v2, v5;
	_ =	sdelay $0x1  }
0x82: {  	v4 =	vadd.s32 v2, v4;
	_ =	sdelay $0x2  }
0x83: {  	[tilespmem:s8], [sflag:$0x1] =	stream.indirect_vreg.gather [hbm4b:s5+s23], $0x80, v5, vm0, $0xb8;
	[tilespmem:$0x1DA80] =	vst v63  }
0x84: {  	_ = 	snop  }
0x85: {  	[tilespmem:s9], [sflag:$0x1] =	stream.indirect_vreg.gather [hbm4b:s5+s23], $0x80, v4, vm0, $0xb8;
	[tilespmem:$0x1DA80] =	vst v63  }
0x86: {  	v4 =	vld [tilespmem:$0x20];
	_ =	sdelay $0x4  }
0x87: {  	v5 =	vshll.u32 v4, $0x1  }
0x88: {  	v4 =	vand.u32 $0x7, v4;
	v5 =	vand.u32 $0xFFFFFFF0, v5  }
0x89: {  	v4 =	vor.u32 v4, v5  }
0x8a: {  	v5 =	vperm.xlane v4, v1;
	_ =	sdelay $0x1  }
0x8b: {  	v4 =	vperm.xlane v4, v3;
	v5 =	vadd.s32 v2, v5;
	_ =	sdelay $0x1  }
0x8c: {  	v4 =	vadd.s32 v2, v4;
	_ =	sdelay $0x2  }
0x8d: {  	[tilespmem:s10], [sflag:$0x1] =	stream.indirect_vreg.gather [hbm4b:s5+s23], $0x80, v5, vm0, $0xb8;
	[tilespmem:$0x1DA80] =	vst v63  }
0x8e: {  	_ = 	snop  }
0x8f: {  	[tilespmem:s11], [sflag:$0x1] =	stream.indirect_vreg.gather [hbm4b:s5+s23], $0x80, v4, vm0, $0xb8;
	[tilespmem:$0x1DA80] =	vst v63  }
0x90: {  	v4 =	vld [tilespmem:$0x30];
	_ =	sdelay $0x4  }
0x91: {  	v5 =	vshll.u32 v4, $0x1  }
0x92: {  	v4 =	vand.u32 $0x7, v4;
	v5 =	vand.u32 $0xFFFFFFF0, v5  }
0x93: {  	v4 =	vor.u32 v4, v5  }
0x94: {  	v5 =	vperm.xlane v4, v1;
	_ =	sdelay $0x1  }
0x95: {  	v4 =	vperm.xlane v4, v3;
	v5 =	vadd.s32 v2, v5;
	_ =	sdelay $0x1  }
0x96: {  	v4 =	vadd.s32 v2, v4;
	_ =	sdelay $0x2  }
0x97: {  	[tilespmem:s12], [sflag:$0x1] =	stream.indirect_vreg.gather [hbm4b:s5+s23], $0x80, v5, vm0, $0xb8;
	[tilespmem:$0x1DA80] =	vst v63  }
0x98: {  	_ = 	snop  }
0x99: {  	[tilespmem:s13], [sflag:$0x1] =	stream.indirect_vreg.gather [hbm4b:s5+s23], $0x80, v4, vm0, $0xb8;
	[tilespmem:$0x1DA80] =	vst v63  }
0x9a: {  	v4 =	vld [tilespmem:$0x40];
	_ =	sdelay $0x4  }
0x9b: {  	v5 =	vshll.u32 v4, $0x1  }
0x9c: {  	v4 =	vand.u32 $0x7, v4;
	v5 =	vand.u32 $0xFFFFFFF0, v5  }
0x9d: {  	v4 =	vor.u32 v4, v5  }
0x9e: {  	v5 =	vperm.xlane v4, v1;
	_ =	sdelay $0x1  }
0x9f: {  	v4 =	vperm.xlane v4, v3;
	v5 =	vadd.s32 v2, v5;
	_ =	sdelay $0x1  }
0xa0: {  	v4 =	vadd.s32 v2, v4;
	_ =	sdelay $0x2  }
0xa1: {  	[tilespmem:s14], [sflag:$0x1] =	stream.indirect_vreg.gather [hbm4b:s5+s23], $0x80, v5, vm0, $0xb8;
	[tilespmem:$0x1DA80] =	vst v63  }
0xa2: {  	_ = 	snop  }
0xa3: {  	[tilespmem:s15], [sflag:$0x1] =	stream.indirect_vreg.gather [hbm4b:s5+s23], $0x80, v4, vm0, $0xb8;
	[tilespmem:$0x1DA80] =	vst v63  }
0xa4: {  	_ =	swait.ge [sflag:s30], $0x5000  }
0xa5: {  	[sflag:s30] =	ssyncset.done $0x0  }
0xa6: {  	[sflag:s30] =	ssyncadd.s32 $0xFFFFB000  }
0xa7: {  	[tilespmem:s20], [sflag:$0x1] =	stream.indirect.gather [hbm4b:s6+s19], $0x80, s0, s19, $0xb8;
	[tilespmem:$0x1DA80] =	vst v63  }
0xa8: {  	s25 =	simm.s32 $0x7A40;
	_ =	swait.ge [sflag:s30], $0x2800  }
0xa9: {  	s28 =	simm.s32 $0x0;
	s22 =	simm.s32 $0x0;
	[sflag:s30] =	ssyncset.done $0x0  }
0xaa: {  	s26 =	simm.s32 $0x5240;
	s3 =	simm.s32 $0x0;
	[sflag:s30] =	ssyncadd.s32 $0xFFFFD800  }
.LBB2_5:
0xab: {  	v4 =	vmov s22;
	_ =	sdelay $0x1  }
0xac: {  	s21 =	sand.u32 $0x7800, s3;
	s2 =	sand.u32 $0x380, s28;
	v5 =	vld [tilespmem:s26+$0xFFFFFFC0]  }
0xad: {  	v7 =	vld [tilespmem:$0x180];
	s21 =	sor.u32 s2, s21  }
0xae: {  	v6 =	vld [tilespmem:s21+$0x200]  }
0xaf: {  	v4 =	vld.idx.msk [tilespmem:v4+s4+$0x0], $0xffff;
	_ =	sdelay $0x4  }
0xb0: {  	v5 =	vadd.f32 v6, v5;
	v36 =	vmul.f32 v7, v4;
	_ =	sdelay $0x1  }
0xb1: {  	v5 =	vadd.f32 v36, v5;
	_ =	sdelay $0x1  }
0xb2: {  	v5 =	vsub.f32 $0.0e+00, v5;
	_ =	sdelay $0x1  }
0xb3: {  	v5 =	vmul.f32 $1.442695020e+00, v5;
	_ =	sdelay $0x1  }
0xb4: {  	(erf) = vpow2.f32 v5;
	_ =	sdelay $0x8  }
0xb5: {  	v5 =	vpop (erf)  }
0xb6: {  	v5 =	vadd.f32 $1.000000000e+00, v5;
	_ =	sdelay $0x1  }
0xb7: {  	(erf) = vrcp.f32 v5;
	_ =	sdelay $0x4  }
0xb8: {  	v5 =	vld [tilespmem:s21+$0x600];
	_ =	sdelay $0x3  }
0xb9: {  	v37 =	vpop (erf)  }
0xba: {  	v5 =	vmul.f32 v37, v5;
	_ =	sdelay $0x1  }
0xbb: {  	[tilespmem:s25+$0xFFFFFFC0] =	vst v5  }
0xbc: {  	v5 =	vld [tilespmem:s26+$0xFFFFFFD0]  }
0xbd: {  	v38 =	vld [tilespmem:s21+$0x210]  }
0xbe: {  	v39 =	vld [tilespmem:$0x190];
	_ =	sdelay $0x4  }
0xbf: {  	v5 =	vadd.f32 v38, v5;
	v40 =	vmul.f32 v39, v4;
	_ =	sdelay $0x1  }
0xc0: {  	v5 =	vadd.f32 v40, v5;
	_ =	sdelay $0x1  }
0xc1: {  	v5 =	vsub.f32 $0.0e+00, v5;
	_ =	sdelay $0x1  }
0xc2: {  	v5 =	vmul.f32 $1.442695020e+00, v5;
	_ =	sdelay $0x1  }
0xc3: {  	(erf) = vpow2.f32 v5;
	_ =	sdelay $0x8  }
0xc4: {  	v5 =	vpop (erf)  }
0xc5: {  	v5 =	vadd.f32 $1.000000000e+00, v5;
	_ =	sdelay $0x1  }
0xc6: {  	(erf) = vrcp.f32 v5;
	_ =	sdelay $0x4  }
0xc7: {  	v5 =	vld [tilespmem:s21+$0x610];
	_ =	sdelay $0x3  }
0xc8: {  	v41 =	vpop (erf)  }
0xc9: {  	v5 =	vmul.f32 v41, v5;
	_ =	sdelay $0x1  }
0xca: {  	[tilespmem:s25+$0xFFFFFFD0] =	vst v5  }
0xcb: {  	v5 =	vld [tilespmem:s26+$0xFFFFFFE0]  }
0xcc: {  	v42 =	vld [tilespmem:s21+$0x220]  }
0xcd: {  	v43 =	vld [tilespmem:$0x1A0];
	_ =	sdelay $0x4  }
0xce: {  	v5 =	vadd.f32 v42, v5;
	v44 =	vmul.f32 v43, v4;
	_ =	sdelay $0x1  }
0xcf: {  	v5 =	vadd.f32 v44, v5;
	_ =	sdelay $0x1  }
0xd0: {  	v5 =	vsub.f32 $0.0e+00, v5;
	_ =	sdelay $0x1  }
0xd1: {  	v5 =	vmul.f32 $1.442695020e+00, v5;
	_ =	sdelay $0x1  }
0xd2: {  	(erf) = vpow2.f32 v5;
	_ =	sdelay $0x8  }
0xd3: {  	v5 =	vpop (erf)  }
0xd4: {  	v5 =	vadd.f32 $1.000000000e+00, v5;
	_ =	sdelay $0x1  }
0xd5: {  	(erf) = vrcp.f32 v5;
	_ =	sdelay $0x4  }
0xd6: {  	v5 =	vld [tilespmem:s21+$0x620];
	_ =	sdelay $0x3  }
0xd7: {  	v45 =	vpop (erf)  }
0xd8: {  	v5 =	vmul.f32 v45, v5;
	_ =	sdelay $0x1  }
0xd9: {  	[tilespmem:s25+$0xFFFFFFE0] =	vst v5  }
0xda: {  	v5 =	vld [tilespmem:s26+$0xFFFFFFF0]  }
0xdb: {  	v46 =	vld [tilespmem:s21+$0x230]  }
0xdc: {  	v47 =	vld [tilespmem:$0x1B0];
	_ =	sdelay $0x4  }
0xdd: {  	v5 =	vadd.f32 v46, v5;
	v48 =	vmul.f32 v47, v4;
	_ =	sdelay $0x1  }
0xde: {  	v5 =	vadd.f32 v48, v5;
	_ =	sdelay $0x1  }
0xdf: {  	v5 =	vsub.f32 $0.0e+00, v5;
	_ =	sdelay $0x1  }
0xe0: {  	v5 =	vmul.f32 $1.442695020e+00, v5;
	_ =	sdelay $0x1  }
0xe1: {  	(erf) = vpow2.f32 v5;
	_ =	sdelay $0x8  }
0xe2: {  	v5 =	vpop (erf)  }
0xe3: {  	v5 =	vadd.f32 $1.000000000e+00, v5;
	_ =	sdelay $0x1  }
0xe4: {  	(erf) = vrcp.f32 v5;
	_ =	sdelay $0x4  }
0xe5: {  	v5 =	vld [tilespmem:s21+$0x630];
	_ =	sdelay $0x3  }
0xe6: {  	v49 =	vpop (erf)  }
0xe7: {  	v5 =	vmul.f32 v49, v5;
	_ =	sdelay $0x1  }
0xe8: {  	[tilespmem:s25+$0xFFFFFFF0] =	vst v5  }
0xe9: {  	v5 =	vld [tilespmem:s26+$0x0]  }
0xea: {  	v50 =	vld [tilespmem:s21+$0x240]  }
0xeb: {  	v51 =	vld [tilespmem:$0x1C0];
	_ =	sdelay $0x4  }
0xec: {  	v5 =	vadd.f32 v50, v5;
	v52 =	vmul.f32 v51, v4;
	_ =	sdelay $0x1  }
0xed: {  	v5 =	vadd.f32 v52, v5;
	_ =	sdelay $0x1  }
0xee: {  	v5 =	vsub.f32 $0.0e+00, v5;
	_ =	sdelay $0x1  }
0xef: {  	v5 =	vmul.f32 $1.442695020e+00, v5;
	_ =	sdelay $0x1  }
0xf0: {  	(erf) = vpow2.f32 v5;
	_ =	sdelay $0x8  }
0xf1: {  	v5 =	vpop (erf)  }
0xf2: {  	v5 =	vadd.f32 $1.000000000e+00, v5;
	_ =	sdelay $0x1  }
0xf3: {  	(erf) = vrcp.f32 v5;
	_ =	sdelay $0x4  }
0xf4: {  	v5 =	vld [tilespmem:s21+$0x640];
	_ =	sdelay $0x3  }
0xf5: {  	v53 =	vpop (erf)  }
0xf6: {  	v5 =	vmul.f32 v53, v5;
	_ =	sdelay $0x1  }
0xf7: {  	[tilespmem:s25+$0x0] =	vst v5  }
0xf8: {  	v5 =	vld [tilespmem:s26+$0x10]  }
0xf9: {  	v54 =	vld [tilespmem:s21+$0x250]  }
0xfa: {  	v55 =	vld [tilespmem:$0x1D0];
	_ =	sdelay $0x4  }
0xfb: {  	v5 =	vadd.f32 v54, v5;
	v56 =	vmul.f32 v55, v4;
	_ =	sdelay $0x1  }
0xfc: {  	v5 =	vadd.f32 v56, v5;
	_ =	sdelay $0x1  }
0xfd: {  	v5 =	vsub.f32 $0.0e+00, v5;
	_ =	sdelay $0x1  }
0xfe: {  	v5 =	vmul.f32 $1.442695020e+00, v5;
	_ =	sdelay $0x1  }
0xff: {  	(erf) = vpow2.f32 v5;
	_ =	sdelay $0x8  }
0x100: {  	v5 =	vpop (erf)  }
0x101: {  	v5 =	vadd.f32 $1.000000000e+00, v5;
	_ =	sdelay $0x1  }
0x102: {  	(erf) = vrcp.f32 v5;
	_ =	sdelay $0x4  }
0x103: {  	v5 =	vld [tilespmem:s21+$0x650];
	_ =	sdelay $0x3  }
0x104: {  	v57 =	vpop (erf)  }
0x105: {  	v5 =	vmul.f32 v57, v5;
	_ =	sdelay $0x1  }
0x106: {  	[tilespmem:s25+$0x10] =	vst v5  }
0x107: {  	v5 =	vld [tilespmem:s26+$0x20]  }
0x108: {  	v58 =	vld [tilespmem:s21+$0x260]  }
0x109: {  	v59 =	vld [tilespmem:$0x1E0];
	_ =	sdelay $0x4  }
0x10a: {  	v5 =	vadd.f32 v58, v5;
	v60 =	vmul.f32 v59, v4;
	_ =	sdelay $0x1  }
0x10b: {  	v5 =	vadd.f32 v60, v5;
	_ =	sdelay $0x1  }
0x10c: {  	v5 =	vsub.f32 $0.0e+00, v5;
	_ =	sdelay $0x1  }
0x10d: {  	v5 =	vmul.f32 $1.442695020e+00, v5;
	_ =	sdelay $0x1  }
0x10e: {  	(erf) = vpow2.f32 v5;
	_ =	sdelay $0x8  }
0x10f: {  	v5 =	vpop (erf)  }
0x110: {  	v5 =	vadd.f32 $1.000000000e+00, v5;
	_ =	sdelay $0x1  }
0x111: {  	(erf) = vrcp.f32 v5;
	_ =	sdelay $0x4  }
0x112: {  	v5 =	vld [tilespmem:s21+$0x660];
	_ =	sdelay $0x3  }
0x113: {  	v61 =	vpop (erf)  }
0x114: {  	v5 =	vmul.f32 v61, v5;
	_ =	sdelay $0x1  }
0x115: {  	[tilespmem:s25+$0x20] =	vst v5  }
0x116: {  	v5 =	vld [tilespmem:s26+$0x30]  }
0x117: {  	v62 =	vld [tilespmem:s21+$0x270]  }
0x118: {  	v63 =	vld [tilespmem:$0x1F0];
	_ =	sdelay $0x4  }
0x119: {  	v5 =	vadd.f32 v62, v5;
	v4 =	vmul.f32 v63, v4;
	_ =	sdelay $0x1  }
0x11a: {  	v4 =	vadd.f32 v4, v5;
	_ =	sdelay $0x1  }
0x11b: {  	v4 =	vsub.f32 $0.0e+00, v4;
	_ =	sdelay $0x1  }
0x11c: {  	v4 =	vmul.f32 $1.442695020e+00, v4;
	_ =	sdelay $0x1  }
0x11d: {  	(erf) = vpow2.f32 v4;
	_ =	sdelay $0x8  }
0x11e: {  	v4 =	vpop (erf)  }
0x11f: {  	v4 =	vadd.f32 $1.000000000e+00, v4;
	_ =	sdelay $0x1  }
0x120: {  	(erf) = vrcp.f32 v4;
	_ =	sdelay $0x4  }
0x121: {  	v4 =	vld [tilespmem:s21+$0x670];
	_ =	sdelay $0x1  }
0x122: {  	p1 =	sne.s32 s22, $0x4F  }
.Ltmp1:
0x123: {  	_ = 	snop;
	(pc) =	sbr.rel @p1 .LBB2_5-.Ltmp1, $4  }
0x124: {  	v5 =	vpop (erf)  }
0x125: {  	v4 =	vmul.f32 v5, v4  }
0x126: {  	s3 =	sadd.s32 $0x100, s3;
	s28 =	sadd.s32 $0x80, s28  }
0x127: {  	s22 =	sadd.s32 $0x1, s22;
	s26 =	sadd.s32 $0x80, s26;
	[tilespmem:s25+$0x30] =	vst v4;
	s25 =	sadd.s32 $0x80, s25  }
0x128: {  	s24 =	sadd.s32 $0x1, s24  }
0x129: {  	p1 =	sne.s32 s24, $0x7D  }
.Ltmp2:
0x12a: {  	s2 =	rddreg [dreg:$0x2];
	(pc) =	sbr.rel @p1 .LBB2_4-.Ltmp2, $4  }
0x12b: {  	[spmem:s2] =	stream.indirect.scatter.add.f32 [tilespmem:s29], [sflag:$0x1], $0x80, s0, s19, $0xb8;
	[tilespmem:$0x1DA80] =	vst v63  }
0x12c: {  	_ =	swait.ge [sflag:s30], $0x2800  }
0x12d: {  	[sflag:s30] =	ssyncset.done $0x0  }
0x12e: {  	[sflag:s30] =	ssyncadd.s32 $0xFFFFD800  }
0x12f: {  	[bflag:$0x0] =	sbarrier.arrive $0xFFFF  }
0x130: {  	s21 =	simm.s32 $0x2;
	s22 =	rddreg [dreg:$0xd]  }
0x131: {  	[tilespmem:s29], [sflag:$0x2] =	stream.linear.gather [spmem:s22], $0x2800, $0x38;
	[tilespmem:$0x1DA80] =	vst v63  }
0x132: {  	_ =	swait.ge [sflag:s21], $0x2800  }
0x133: {  	[sflag:s21] =	ssyncset.done $0x0  }
0x134: {  	s2 =	simm.s32 $0x0;
	s3 =	rddreg [dreg:$0x4];
	[sflag:s21] =	ssyncadd.s32 $0xFFFFD800  }
0x135: {  	[hbm4b:s3+s2] =	stream.linear.scatter [tilespmem:s29], [sflag:$0x1], $0x2800, $0x38;
	[tilespmem:$0x1DA80] =	vst v63  }
0x136: {  	_ =	swait.ge [sflag:s30], $0x2800  }
0x137: {  	[sflag:s30] =	ssyncset.done $0x0  }
0x138: {  	s23 =	rddreg [dreg:$0xe];
	[sflag:s30] =	ssyncadd.s32 $0xFFFFD800  }
0x139: {  	[tilespmem:s29], [sflag:$0x2] =	stream.linear.gather [spmem:s23], $0x2800, $0x38;
	[tilespmem:$0x1DA80] =	vst v63  }
0x13a: {  	_ =	swait.ge [sflag:s21], $0x2800  }
0x13b: {  	[sflag:s21] =	ssyncset.done $0x0  }
0x13c: {  	s24 =	rddreg [dreg:$0x5];
	[sflag:s21] =	ssyncadd.s32 $0xFFFFD800  }
0x13d: {  	[hbm4b:s24+s2] =	stream.linear.scatter [tilespmem:s29], [sflag:$0x1], $0x2800, $0x38;
	[tilespmem:$0x1DA80] =	vst v63  }
0x13e: {  	_ =	swait.ge [sflag:s30], $0x2800  }
0x13f: {  	[sflag:s30] =	ssyncset.done $0x0  }
0x140: {  	s24 =	rddreg [dreg:$0xf];
	[sflag:s30] =	ssyncadd.s32 $0xFFFFD800  }
0x141: {  	[tilespmem:s29], [sflag:$0x2] =	stream.linear.gather [spmem:s24], $0x2800, $0x38;
	[tilespmem:$0x1DA80] =	vst v63  }
0x142: {  	_ =	swait.ge [sflag:s21], $0x2800  }
0x143: {  	[sflag:s21] =	ssyncset.done $0x0  }
0x144: {  	s25 =	rddreg [dreg:$0x6];
	[sflag:s21] =	ssyncadd.s32 $0xFFFFD800  }
0x145: {  	[hbm4b:s25+s2] =	stream.linear.scatter [tilespmem:s29], [sflag:$0x1], $0x2800, $0x38;
	[tilespmem:$0x1DA80] =	vst v63  }
0x146: {  	_ =	swait.ge [sflag:s30], $0x2800  }
0x147: {  	[sflag:s30] =	ssyncset.done $0x0  }
0x148: {  	s25 =	rddreg [dreg:$0x10];
	[sflag:s30] =	ssyncadd.s32 $0xFFFFD800  }
0x149: {  	[tilespmem:s29], [sflag:$0x2] =	stream.linear.gather [spmem:s25], $0x2800, $0x38;
	[tilespmem:$0x1DA80] =	vst v63  }
0x14a: {  	_ =	swait.ge [sflag:s21], $0x2800  }
0x14b: {  	[sflag:s21] =	ssyncset.done $0x0  }
0x14c: {  	s26 =	rddreg [dreg:$0x7];
	[sflag:s21] =	ssyncadd.s32 $0xFFFFD800  }
0x14d: {  	[hbm4b:s26+s2] =	stream.linear.scatter [tilespmem:s29], [sflag:$0x1], $0x2800, $0x38;
	[tilespmem:$0x1DA80] =	vst v63  }
0x14e: {  	_ =	swait.ge [sflag:s30], $0x2800  }
0x14f: {  	[sflag:s30] =	ssyncset.done $0x0  }
0x150: {  	s26 =	rddreg [dreg:$0x11];
	[sflag:s30] =	ssyncadd.s32 $0xFFFFD800  }
0x151: {  	[tilespmem:s29], [sflag:$0x2] =	stream.linear.gather [spmem:s26], $0x2800, $0x38;
	[tilespmem:$0x1DA80] =	vst v63  }
0x152: {  	_ =	swait.ge [sflag:s21], $0x2800  }
0x153: {  	[sflag:s21] =	ssyncset.done $0x0  }
0x154: {  	s3 =	rddreg [dreg:$0x8];
	[sflag:s21] =	ssyncadd.s32 $0xFFFFD800  }
0x155: {  	[hbm4b:s3+s2] =	stream.linear.scatter [tilespmem:s29], [sflag:$0x1], $0x2800, $0x38;
	[tilespmem:$0x1DA80] =	vst v63  }
0x156: {  	_ =	swait.ge [sflag:s30], $0x2800  }
0x157: {  	[sflag:s30] =	ssyncset.done $0x0  }
0x158: {  	s28 =	rddreg [dreg:$0x12];
	[sflag:s30] =	ssyncadd.s32 $0xFFFFD800  }
0x159: {  	[tilespmem:s29], [sflag:$0x2] =	stream.linear.gather [spmem:s28], $0x2800, $0x38;
	[tilespmem:$0x1DA80] =	vst v63  }
0x15a: {  	_ =	swait.ge [sflag:s21], $0x2800  }
0x15b: {  	[sflag:s21] =	ssyncset.done $0x0  }
0x15c: {  	s3 =	rddreg [dreg:$0x9];
	[sflag:s21] =	ssyncadd.s32 $0xFFFFD800  }
0x15d: {  	[hbm4b:s3+s2] =	stream.linear.scatter [tilespmem:s29], [sflag:$0x1], $0x2800, $0x38;
	[tilespmem:$0x1DA80] =	vst v63  }
0x15e: {  	_ =	swait.ge [sflag:s30], $0x2800  }
0x15f: {  	[sflag:s30] =	ssyncset.done $0x0  }
0x160: {  	s3 =	rddreg [dreg:$0x13];
	[sflag:s30] =	ssyncadd.s32 $0xFFFFD800  }
0x161: {  	[tilespmem:s29], [sflag:$0x2] =	stream.linear.gather [spmem:s3], $0x2800, $0x38;
	[tilespmem:$0x1DA80] =	vst v63  }
0x162: {  	_ =	swait.ge [sflag:s21], $0x2800  }
0x163: {  	[sflag:s21] =	ssyncset.done $0x0  }
0x164: {  	[sflag:s21] =	ssyncadd.s32 $0xFFFFD800;
	s21 =	rddreg [dreg:$0xa]  }
0x165: {  	[hbm4b:s21+s2] =	stream.linear.scatter [tilespmem:s29], [sflag:$0x1], $0x2800, $0x38;
	[tilespmem:$0x1DA80] =	vst v63  }
0x166: {  	_ =	swait.ge [sflag:s30], $0x2800  }
0x167: {  	[sflag:s30] =	ssyncset.done $0x0  }
0x168: {  	s2 =	simm.s32 @!p0 $0x7A00;
	s3 =	rddreg [dreg:$0x14];
	[sflag:s30] =	ssyncadd.s32 $0xFFFFD800  }
0x169: {  	[tilespmem:s2], [sflag:$0x2] =	stream.linear.gather @!p0 [spmem:s3], $0x2800, $0x38;
	[tilespmem:$0x1DA80] =	vst v63  }
0x16a: {  	s3 =	simm.s32 @!p0 $0x2  }
0x16b: {  	_ =	swait.ge @!p0 [sflag:s3], $0x2800  }
0x16c: {  	[sflag:s3] =	ssyncset.done @!p0 $0x0  }
0x16d: {  	s21 =	rddreg [dreg:$0xb];
	[sflag:s3] =	ssyncadd.s32 @!p0 $0xFFFFD800;
	s3 =	simm.s32 @!p0 $0x0  }
0x16e: {  	[hbm4b:s21+s3] =	stream.linear.scatter @!p0 [tilespmem:s2], [sflag:$0x1], $0x2800, $0x38;
	[tilespmem:$0x1DA80] =	vst v63  }
0x16f: {  	s2 =	simm.s32 @!p0 $0x1  }
0x170: {  	_ =	swait.ge @!p0 [sflag:s2], $0x2800  }
0x171: {  	s3 =	rddreg [dreg:$0x15]  }
0x172: {  	s21 =	sadd.s32 $0x1, s3;
	s3 =	rddreg [dreg:$0xc]  }
0x173: {  	p1 =	sne.s32 s21, s3  }
.Ltmp3:
0x174: {  	_ = 	snop;
	(pc) =	sbr.rel @p1 .LBB2_1-.Ltmp3, $3  }
0x175: {  	_ =	sdelay $0x1  }
0x176: {  	[sflag:s2] =	ssyncset.done @!p0 $0x0  }
0x177: {  	[sflag:s2] =	ssyncadd.s32 @!p0 $0xFFFFD800  }
0x178: {  	_ =	sfence.sel $0x180000  }
0x179: {  	[bflag:$0x0] =	sbarrier.arrive $0xFFFF  }
0x17a: {  	_ =	strace $0x9000004A  }
0x17b: {  	s0 =	stileid.u32;
	[bflag:$0x2] =	sbarrier.arrive $0xFFFF  }
0x17c: {  	p0 =	sne.s32 s0, $0x0;
	s0 =	rddreg [dreg:$0x3]  }
0x17d: {  	s0 =	sadd.s32 @!p0 $0x100000, s0  }
0x17e: {  	[sflag:s0] =	ssyncadd.tile.s32 @!p0 $0x1;
	_ =	shalt  }
.Lfunc_end2:
_tile_overlayer_lowered:
.L_overlay_start_2:
0x17f: {  	(tag) =	ssettag $0x2  }
0x180: {  	s0 =	rddreg [dreg:$0x0];
	s2 =	stileid.u32  }
0x181: {  	s1 =	rddreg [dreg:$0x1];
	p0 =	sne.s32 s2, $0x0  }
0x182: {  	s3 =	rddreg [dreg:$0x2];
	[bflag:$0x3] =	sbarrier.arrive $0xFFFF;
	s2 =	simm.s32 @!p0 $0x1C01  }
0x183: {  	[timem:s3], [sflag:s2] =	dma.local @!p0 [hbm:s0], s1  }
0x184: {  	s0 =	simm.s32 @!p0 $0x1  }
0x185: {  	_ =	swait.ge @!p0 [sflag:s0], s1  }
0x186: {  	s1 =	ssub.s32 @!p0 $0x0, s1;
	[sflag:s0] =	ssyncset.done @!p0 $0x0  }
0x187: {  	[sflag:s0] =	ssyncadd.s32 @!p0 s1  }
0x188: {  	[bflag:$0x3] =	sbarrier.arrive $0xFFFF  }
0x189: {  	_ =	shalt  }

// kernel: kernel.7.cloned.1.call-start
scs
__scs_entry_jumppad:
0x0: {  	(pc) =	sbr.rel $0x88, $3  }
0x1: {  	(tag) =	ssettag $0x0;
	lr =	simm.s32 $0x1  }
0x2: {  	[smem:$0x3F76] =	sst lr;
	_ =	strace $0xD0000000  }
0x3: {  	_ = 	snop  }
0x4: {  	_ = 	snop  }
0x5: {  	_ = 	snop  }
0x6: {  	_ = 	snop  }
0x7: {  	_ = 	snop  }
__scs_overlays_trampoline_lowered:
0x8: {  	[smem:$0x3F85] =	sst s0  }
0x9: {  	[smem:$0x3F86] =	sst s1  }
0xa: {  	[smem:$0x3F87] =	sst s2  }
0xb: {  	[smem:$0x3F88] =	sst s3  }
0xc: {  	[smem:$0x3F89] =	sst s4  }
0xd: {  	[smem:$0x3F8A] =	sst s5  }
0xe: {  	[smem:$0x3F8B] =	sst s6  }
0xf: {  	[smem:$0x3F8C] =	sst s7  }
0x10: {  	[smem:$0x3F8D] =	sst s8  }
0x11: {  	[smem:$0x3F8E] =	sst s9;
	s0 =	simm.s32 @!p0 $0x0  }
0x12: {  	s1 =	sld [smem:$0x3F74];
	s0 =	simm.s32 @p0 $0x1  }
0x13: {  	[smem:$0x3F8F] =	sst s0;
	s0 =	simm.s32 @!p1 $0x0  }
0x14: {  	s2 =	sld [smem:$0x3F73];
	s0 =	simm.s32 @p1 $0x1  }
0x15: {  	[smem:$0x3F90] =	sst s0;
	s0 =	simm.s32 @!p2 $0x0  }
0x16: {  	s3 =	sld [smem:$0x3FDB];
	s0 =	simm.s32 @p2 $0x1  }
0x17: {  	s4 =	simm.s32 $0x1BF5;
	[smem:$0x3F92] =	sst s0  }
0x18: {  	s0 =	sld [smem:$0x3F75];
	_ =	swait.ge [sflag:s4], $0x0  }
0x19: {  	s7 =	sld [smem:$0x3F76]  }
0x1a: {  	s8 =	sadd.s32 $0xFFFFE003, lr  }
0x1b: {  	s9 =	sadd.s32 $0xFFFFFEF7, lr;
	s5 =	simm.s32 $0xFFFFFFFF;
	p2 =	slt.u32 s8, $0xFFFFF086  }
0x1c: {  	p1 =	slt.u32 s9, $0xF7A;
	s5 =	simm.s32 @!p2 $0x0  }
0x1d: {  	s5 =	simm.s32 @p1 $0x1;
	p0 =	seq.s32 s7, s2  }
0x1e: {  	s7 =	smul.u32 @!p0 $0xF7A, s2;
	p2 =	seq.s32 @!p0 s5, $0x0  }
0x1f: {  	s9 =	smul.u32 $0xF7A, s1;
	s8 =	simm.s32 @!p0 $0x1BF5;
	p2 =	por !p2, p0  }
0x20: {  	[sflag:s8] =	ssyncset.s32 @!p0 $0xFFFFF086;
	s6 =	sadd.s32 @!p0 s3, s7;
	s7 =	simm.s32 @!p0 $0x108  }
0x21: {  	s3 =	sadd.s32 s3, s9;
	s6 =	sadd.s32 @!p0 $0x88, s6;
	s7 =	simm.s32 @p2 $0x1082  }
0x22: {  	[simem:s7], [sflag:s8] =	dma.local @!p0 [hbm:s6], $0xF7A  }
0x23: {  	s9 =	sor.u32 $0xD0000000, s2;
	s6 =	simm.s32 $0x108;
	_ =	swait.ge @!p0 [sflag:s8], $0x0  }
0x24: {  	s3 =	sadd.s32 $0x88, s3;
	s6 =	simm.s32 @!p1 $0x1082;
	[sflag:s4] =	ssyncset.s32 $0xFFFFF086  }
0x25: {  	[simem:s6], [sflag:s4] =	dma.local [hbm:s3], $0xF7A  }
0x26: {  	[smem:$0x3F76] =	sst s1;
	(tag) =	ssettag s2;
	_ =	strace s9  }
0x27: {  	s1 =	sld [smem:$0x3F86]  }
0x28: {  	s2 =	sld [smem:$0x3F87]  }
0x29: {  	s4 =	sld [smem:$0x3F89]  }
0x2a: {  	p0 =	seq.s32 s5, $0x0;
	s5 =	sld [smem:$0x3F8A]  }
0x2b: {  	s6 =	sld [smem:$0x3F8B]  }
0x2c: {  	s7 =	sld [smem:$0x3F8C]  }
0x2d: {  	s3 =	simm.s32 $0x108;
	s8 =	sld [smem:$0x3F8D]  }
0x2e: {  	s3 =	simm.s32 @!p0 $0x1082;
	s9 =	sld [smem:$0x3F8E]  }
0x2f: {  	lr =	sadd.s32 s0, s3;
	s0 =	sld [smem:$0x3F85]  }
0x30: {  	s3 =	sld [smem:$0x3F88]  }
0x31: {  	[smem:$0x3F91] =	sst s10  }
0x32: {  	s10 =	sld [smem:$0x3F8F];
	_ =	sdelay $0x3  }
0x33: {  	p0 =	seq.s32 s10, $0x1;
	s10 =	sld [smem:$0x3F91];
	_ =	sdelay $0x3  }
0x34: {  	[smem:$0x3F91] =	sst s10  }
0x35: {  	s10 =	sld [smem:$0x3F90];
	_ =	sdelay $0x3  }
0x36: {  	p1 =	seq.s32 s10, $0x1;
	s10 =	sld [smem:$0x3F91];
	_ =	sdelay $0x3  }
0x37: {  	[smem:$0x3F91] =	sst s10  }
0x38: {  	s10 =	sld [smem:$0x3F92]  }
0x39: {  	_ = 	snop;
	(pc) =	sbr.ind lr, $3  }
0x3a: {  	_ = 	snop  }
0x3b: {  	_ = 	snop  }
0x3c: {  	p2 =	seq.s32 s10, $0x1;
	s10 =	sld [smem:$0x3F91]  }
0x3d: {  	_ =	shalt  }
0x3e: {  	_ =	shalt  }
0x3f: {  	_ =	shalt  }
0x40: {  	_ =	shalt  }
0x41: {  	_ =	shalt  }
0x42: {  	_ =	shalt  }
0x43: {  	_ =	shalt  }
0x44: {  	_ =	shalt  }
0x45: {  	_ =	shalt  }
0x46: {  	_ =	shalt  }
0x47: {  	_ =	shalt  }
0x48: {  	_ =	shalt  }
0x49: {  	_ =	shalt  }
0x4a: {  	_ =	shalt  }
0x4b: {  	_ =	shalt  }
0x4c: {  	_ =	shalt  }
0x4d: {  	_ =	shalt  }
0x4e: {  	_ =	shalt  }
0x4f: {  	_ =	shalt  }
0x50: {  	_ =	shalt  }
0x51: {  	_ =	shalt  }
0x52: {  	_ =	shalt  }
0x53: {  	_ =	shalt  }
0x54: {  	_ =	shalt  }
0x55: {  	_ =	shalt  }
0x56: {  	_ =	shalt  }
0x57: {  	_ =	shalt  }
0x58: {  	_ =	shalt  }
0x59: {  	_ =	shalt  }
0x5a: {  	_ =	shalt  }
0x5b: {  	_ =	shalt  }
0x5c: {  	_ =	shalt  }
0x5d: {  	_ =	shalt  }
0x5e: {  	_ =	shalt  }
0x5f: {  	_ =	shalt  }
0x60: {  	_ =	shalt  }
0x61: {  	_ =	shalt  }
0x62: {  	_ =	shalt  }
0x63: {  	_ =	shalt  }
0x64: {  	_ =	shalt  }
0x65: {  	_ =	shalt  }
0x66: {  	_ =	shalt  }
0x67: {  	_ =	shalt  }
0x68: {  	_ =	shalt  }
0x69: {  	_ =	shalt  }
0x6a: {  	_ =	shalt  }
0x6b: {  	_ =	shalt  }
0x6c: {  	_ =	shalt  }
0x6d: {  	_ =	shalt  }
0x6e: {  	_ =	shalt  }
0x6f: {  	_ =	shalt  }
0x70: {  	_ =	shalt  }
0x71: {  	_ =	shalt  }
0x72: {  	_ =	shalt  }
0x73: {  	_ =	shalt  }
0x74: {  	_ =	shalt  }
0x75: {  	_ =	shalt  }
0x76: {  	_ =	shalt  }
0x77: {  	_ =	shalt  }
0x78: {  	_ =	shalt  }
0x79: {  	_ =	shalt  }
0x7a: {  	_ =	shalt  }
0x7b: {  	_ =	shalt  }
0x7c: {  	_ =	shalt  }
0x7d: {  	_ =	shalt  }
0x7e: {  	_ =	shalt  }
0x7f: {  	_ =	shalt  }
0x80: {  	_ =	shalt  }
0x81: {  	_ =	shalt  }
0x82: {  	_ =	shalt  }
0x83: {  	_ =	shalt  }
0x84: {  	_ =	shalt  }
0x85: {  	_ =	shalt  }
0x86: {  	_ =	shalt  }
0x87: {  	_ =	shalt  }
.Lfunc_end0:
.L_simem_size_0:
called_computation_lowered:
.L_overlay_start_0:
0x88: {  	s2 =	sld [smem:$0x3FD9]  }
0x89: {  	s3 =	sld [smem:$0x3FFE];
	_ =	sdelay $0x1  }
0x8a: {  	s1 =	srdreg.scid  }
0x8b: {  	s0 =	sand.u32 $0x1, s1  }
0x8c: {  	s17 =	sshll.u32 s0, $0xA;
	s2 =	sadd.s32 s3, s2  }
0x8d: {  	s2 =	sadd.s32 s2, s17  }
0x8e: {  	[smem:$0x3F9D] =	sst s2  }
0x8f: {  	_ = 	snop  }
0x90: {  	s2 =	sld [smem:$0x3FBB]  }
0x91: {  	s18 =	sld [smem:$0x3FB2];
	(tm) =	ssettm $0x1  }
0x92: {  	s4 =	sld [smem:$0x3FFB];
	_ =	sdelay $0x3  }
0x93: {  	_ =	strace s4  }
0x94: {  	s4 =	sld [smem:$0x3FFC];
	_ =	sdelay $0x3  }
0x95: {  	_ =	strace s4  }
0x96: {  	s4 =	sld [smem:$0x3FFD];
	_ =	sdelay $0x3  }
0x97: {  	_ =	strace s4  }
0x98: {  	_ =	strace $0x8FFFFFFF  }
0x99: {  	s19 =	sld [smem:$0x3FDB];
	_ =	sdelay $0x1  }
0x9a: {  	s5 =	simm.s32 $_scs_section_size  }
0x9b: {  	s6 =	simm.s32 $_size__tile_overlayer_lowered;
	s7 =	simm.s32 $_tile_overlayer_lowered  }
0x9c: {  	s22 =	simm.s32 $0x1BFF;
	s21 =	sshll.u32 s7, $0x1;
	s4 =	sadd.s32 s5, s19  }
0x9d: {  	s8 =	simm.s32 $0x0;
	s20 =	sshll.u32 s6, $0x1;
	s6 =	sadd.s32 s21, s4  }
0x9e: {  	[timem:s8], [sflag:s22] =	dma.local [hbm:s6], s20  }
0x9f: {  	_ =	swait.ge [sflag:s22], s20  }
0xa0: {  	s5 =	ssub.s32 $0x0, s20;
	[sflag:s22] =	ssyncset.done $0x0  }
0xa1: {  	[sflag:s22] =	ssyncadd.s32 s5;
	_ =	sdelay $0x1  }
0xa2: {  	s23 =	simm.s32 $0x1B8B  }
0xa3: {  	_ =	swait.ge [sflag:s23], $0x1  }
0xa4: {  	[sflag:s23] =	ssyncset.done $0x0  }
0xa5: {  	s25 =	simm.s32 $0x1B8E;
	s24 =	sld [smem:$0x3FFE];
	[sflag:s23] =	ssyncadd.s32 $0xFFFFFFFF  }
0xa6: {  	s26 =	simm.s32 $execute0_lowered;
	[smem:$0x3FD2] =	sst s25  }
0xa7: {  	s6 =	sshll.u32 s26, $0x1;
	_ =	strace $0x80000046;
	[dreg:$0x1] =	wrdreg $0xFFFFFFFF  }
0xa8: {  	s28 =	simm.s32 $_size_execute0_lowered;
	s4 =	sadd.s32 s4, s6;
	[dreg:$0x0] =	wrdreg $0x0  }
0xa9: {  	s6 =	sshll.u32 s28, $0x1;
	[dreg:$0x2] =	wrdreg s4  }
0xaa: {  	[dreg:$0x3] =	wrdreg s6  }
0xab: {  	[dreg:$0x4] =	wrdreg $0xC0  }
0xac: {  	_ =	task [dreg:s8], $0x5FFFF  }
0xad: {  	[dreg:$0x1] =	wrdreg $0xFFFFFFFF  }
0xae: {  	[dreg:$0x0] =	wrdreg $0x60  }
0xaf: {  	[dreg:$0x2] =	wrdreg s24  }
0xb0: {  	[dreg:$0x3] =	wrdreg s2  }
0xb1: {  	[dreg:$0x4] =	wrdreg s18  }
0xb2: {  	[dreg:$0x5] =	wrdreg $0xA2000  }
0xb3: {  	[dreg:$0x6] =	wrdreg $0x9  }
0xb4: {  	_ =	task.clear_ibuf [dreg:s8], $0x7FFFF;
	_ =	strace $0x90000046  }
0xb5: {  	s29 =	simm.s32 $0x9;
	_ =	strace $0x80000048  }
0xb6: {  	_ =	swait.ge [sflag:s29], $0x1  }
0xb7: {  	[sflag:s29] =	ssyncadd.s32 $0xFFFFFFFF  }
0xb8: {  	_ =	strace $0x90000048  }
0xb9: {  	_ =	sfence  }
0xba: {  	s30 =	sld [smem:$0x0];
	_ =	sdelay $0x2  }
0xbb: {  	s31 =	sshll.u32 s1, $0xD;
	s1 =	sshrl.u32 s1, $0x2  }
0xbc: {  	s3 =	sand.u32 $0x4000, s31;
	s1 =	sadd.s32 s1, s30  }
0xbd: {  	s0 =	sor.u32 s3, s0;
	s1 =	sshll.u32 s1, $0x11  }
0xbe: {  	s0 =	sor.u32 s1, s0  }
0xbf: {  	s0 =	sadd.s32 $0x8F2B, s0  }
0xc0: {  	[sflag:s0] =	ssyncadd.remote.s32 $0x1  }
0xc1: {  	_ =	sfence.sel $0xFFFF  }
0xc2: {  	[dreg:$0x0] =	wrdreg $0xFFFFFFFF;
	(pc) =	sbr.abs _section_cstart, $3  }
0xc3: {  	[dreg:$0x1] =	wrdreg $0xFFFFFFFF  }
0xc4: {  	_ =	task.clear_ibuf [dreg:s8], $0x2FFFF;
	_ =	strace $0x9FFFFFFF  }
0xc5: {  	(tm) =	ssettm $0x7FFFFFFF  }
tec
execute0_lowered:
.L_overlay_start_1:
0x0: {  	(tag) =	ssettag $0x1  }
0x1: {  	s0 =	rddreg [dreg:$0x0]  }
0x2: {  	s11 =	rddreg [dreg:$0x3];
	s1 =	simm.s32 $0x0  }
0x3: {  	s24 =	srdreg.scid;
	s16 =	stileid.u32;
	s28 =	simm.s32 $0x7A00  }
0x4: {  	s29 =	simm.s32 $0x1;
	[smem:$0x7FF] =	sst s1;
	s5 =	sadd.s32 $0x3F600, s0  }
0x5: {  	s18 =	sadd.s32 $0xDBA00, s0;
	s19 =	sadd.s32 $0x17E00, s0;
	s20 =	sadd.s32 $0x21C00, s0  }
0x6: {  	s21 =	sadd.s32 $0xE000, s0;
	s10 =	sadd.s32 $0x8D800, s0;
	s22 =	sadd.s32 $0x102C00, s0  }
0x7: {  	s23 =	sadd.s32 $0x35800, s0;
	s14 =	sadd.s32 $0x2BA00, s0;
	s15 =	sadd.s32 $0x4200, s0  }
0x8: {  	s17 =	sadd.s32 $0x178200, s0;
	_ =	strace $0x80000047;
	[dreg:$0x5] =	wrdreg s18  }
0x9: {  	s1 =	sand.u32 $0x1, s24;
	s3 =	smul.u32 $0xA000, s16;
	[dreg:$0x6] =	wrdreg s19  }
0xa: {  	s4 =	sor.u32 $0x10, s16;
	s8 =	sor.u32 $0x20, s16;
	[dreg:$0x7] =	wrdreg s20  }
0xb: {  	s9 =	sor.u32 $0x30, s16;
	[dreg:$0x8] =	wrdreg s21;
	s7 =	smul.u32 $0xA000, s4  }
0xc: {  	s13 =	sor.u32 $0x40, s16;
	[dreg:$0x9] =	wrdreg s22;
	s25 =	smul.u32 $0xA000, s8  }
0xd: {  	[dreg:$0xa] =	wrdreg s23;
	s2 =	ssub.s32 $0x2, s1;
	s26 =	smul.u32 $0xA000, s9  }
0xe: {  	s18 =	sadd.s32 $0x19F400, s0;
	p0 =	sne.s32 s1, $0x0;
	s20 =	smul.u32 $0xA000, s13  }
0xf: {  	s21 =	sor.u32 $0x50, s16;
	s23 =	sor.u32 $0x60, s16;
	[dreg:$0xb] =	wrdreg s17  }
0x10: {  	s6 =	sshrl.u32 s2, $0x1;
	s3 =	sshrl.u32 s3, $0x2;
	s22 =	smul.u32 $0xA000, s21  }
0x11: {  	[dreg:$0xc] =	wrdreg s18;
	s2 =	ssub.s32 s2, s6;
	s24 =	sadd.s32 s3, s11  }
0x12: {  	s7 =	sshrl.u32 s7, $0x2;
	s3 =	smul.u32 $0x500, s8;
	s12 =	sshrl.u32 s25, $0x2  }
0x13: {  	s6 =	smul.u32 $0x500, s9;
	s0 =	sshrl.u32 s26, $0x2;
	s1 =	sshrl.u32 s20, $0x2  }
0x14: {  	s26 =	smul.u32 $0xA000, s23;
	s2 =	smax.u32 s2, $0x1;
	s25 =	sadd.s32 s7, s11  }
0x15: {  	s19 =	sadd.s32 s12, s11;
	s7 =	smul.u32 $0x500, s21;
	[dreg:$0xe] =	wrdreg s24  }
0x16: {  	s0 =	sadd.s32 s0, s11;
	s21 =	smul.u32 $0x500, s16;
	[dreg:$0xd] =	wrdreg s2  }
0x17: {  	s1 =	sadd.s32 s1, s11;
	s2 =	smul.u32 $0x500, s4;
	[dreg:$0x10] =	wrdreg s19  }
0x18: {  	s4 =	smul.u32 $0x500, s13;
	[dreg:$0x11] =	wrdreg s0;
	s13 =	sor.u32 $0x70, s16  }
0x19: {  	[dreg:$0x12] =	wrdreg s1;
	s0 =	sshrl.u32 s22, $0x2;
	s19 =	sshrl.u32 s26, $0x2  }
0x1a: {  	s8 =	sadd.s32 s18, s3;
	[dreg:$0xf] =	wrdreg s25;
	s12 =	smul.u32 $0xA000, s13  }
0x1b: {  	s0 =	sadd.s32 s0, s11;
	p1 =	sgt.u32 s13, $0x7C;
	[dreg:$0x1b] =	wrdreg s8  }
0x1c: {  	p2 =	slt.u32 s13, $0x7D;
	s1 =	sadd.s32 s17, s21;
	[dreg:$0x13] =	wrdreg s0  }
0x1d: {  	s22 =	smul.u32 $0x500, s13;
	s13 =	sadd.s32 s18, s6;
	[dreg:$0x18] =	wrdreg s1  }
0x1e: {  	s9 =	sadd.s32 s19, s11;
	s19 =	sadd.s32 s17, s6;
	[dreg:$0x1d] =	wrdreg s13  }
0x1f: {  	s30 =	simm.s32 $0x80;
	s31 =	simm.s32 $0x100;
	[dreg:$0x1e] =	wrdreg s19  }
0x20: {  	s8 =	simm.s32 $0x0;
	s26 =	sadd.s32 s18, s2;
	[dreg:$0x14] =	wrdreg s9  }
0x21: {  	s2 =	sadd.s32 s17, s2;
	s13 =	simm.s32 $0xA00;
	[dreg:$0x16] =	wrdreg s22  }
0x22: {  	s1 =	simm.s32 $0x1200;
	s19 =	simm.s32 $0x3A00;
	[dreg:$0x19] =	wrdreg s26  }
0x23: {  	s20 =	sshrl.u32 s12, $0x2;
	[dreg:$0x1a] =	wrdreg s2;
	s22 =	sadd.s32 s18, s7  }
0x24: {  	s12 =	smov.u32 s11;
	s0 =	sadd.s32 s20, s11;
	[smem:$0x7FA] =	sst s22  }
0x25: {  	s2 =	smul.u32 $0x4E20, s16;
	s11 =	sadd.s32 s17, s3;
	[dreg:$0x15] =	wrdreg s0  }
0x26: {  	s16 =	simm.s32 $0x1A00;
	s20 =	sadd.s32 s18, s4;
	[dreg:$0x1c] =	wrdreg s11  }
0x27: {  	s0 =	smul.u32 $0x500, s23;
	s23 =	sadd.s32 s18, s21;
	[dreg:$0x1f] =	wrdreg s20  }
0x28: {  	s22 =	simm.s32 $0x50;
	s21 =	sadd.s32 s17, s4;
	[dreg:$0x17] =	wrdreg s23  }
.Ltmp0:
0x29: {  	[smem:$0x7F9] =	sst s21;
	s23 =	sadd.s32 s17, s7;
	(pc) =	sbr.rel .LBB2_1-.Ltmp0, $4  }
0x2a: {  	s20 =	simm.s32 $0x4200;
	s21 =	simm.s32 $0x4A00;
	[smem:$0x7FB] =	sst s23  }
0x2b: {  	v3 =	vlaneseq.u32;
	s26 =	sadd.s32 s18, s0;
	s0 =	sadd.s32 s17, s0;
	s17 =	simm.s32 $0x2200  }
0x2c: {  	v0 =	vimm.f32 $0.0e+00;
	vm0 =	vmmov $0xffff;
	v2 =	vshrl.u32 v3, $0x3;
	s18 =	simm.s32 $0x2A00;
	s23 =	simm.s32 $0x5200;
	[smem:$0x7FC] =	sst s26  }
0x2d: {  	v1 =	vand.u32 $0x7, v3;
	v3 =	vor.u32 $0x8, v3;
	v2 =	vmul.u32 $0x8, v2;
	[smem:$0x7FD] =	sst s0;
	s0 =	simm.s32 $0x200;
	s26 =	simm.s32 $0x3200  }
.LBB2_14:
0x2e: {  	s6 =	rddreg [dreg:$0x15];
	s7 =	simm.s32 $0x2  }
0x2f: {  	[tilespmem:s28], [sflag:$0x2] =	stream.linear.gather [spmem:s6], $0x2800, $0x38;
	[tilespmem:$0x1DA80] =	vst v63  }
0x30: {  	_ =	swait.ge [sflag:s7], $0x2800  }
0x31: {  	[sflag:s7] =	ssyncset.done $0x0;
	s11 =	rddreg [dreg:$0x16]  }
0x32: {  	s3 =	sadd.s32 s3, s11;
	[sflag:s7] =	ssyncadd.s32 $0xFFFFD800  }
0x33: {  	[hbm4b:s3+s4] =	stream.linear.scatter [tilespmem:s28], [sflag:$0x1], $0x2800, $0x38;
	[tilespmem:$0x1DA80] =	vst v63  }
0x34: {  	_ =	swait.ge [sflag:s29], $0x2800  }
0x35: {  	[sflag:s29] =	ssyncset.done $0x0  }
0x36: {  	[sflag:s29] =	ssyncadd.s32 $0xFFFFD800  }
.LBB2_15:
0x37: {  	s8 =	sadd.s32 $0x1, s8;
	s3 =	rddreg [dreg:$0xd]  }
0x38: {  	p3 =	sne.s32 s8, s3  }
.Ltmp1:
0x39: {  	_ = 	snop;
	(pc) =	sbr.rel @!p3 .LBB2_16-.Ltmp1, $1  }
0x3a: {  	_ =	sdelay $0x3  }
.LBB2_1:
0x3b: {  	[smem:$0x7F8] =	sst s8;
	s3 =	simm.s32 $0x0;
	s4 =	simm.s32 $0x200  }
.LBB2_2:
0x3c: {  	p3 =	sne.s32 s4, $0x9E00;
	[tilespmem:s3+$0x7A70] =	vst v0  }
0x3d: {  	[tilespmem:s3+$0x7A00] =	vst v0  }
0x3e: {  	[tilespmem:s3+$0x7A10] =	vst v0  }
.Ltmp2:
0x3f: {  	[tilespmem:s3+$0x7A20] =	vst v0;
	(pc) =	sbr.rel @p3 .LBB2_2-.Ltmp2, $4  }
0x40: {  	[tilespmem:s3+$0x7A30] =	vst v0  }
0x41: {  	[tilespmem:s3+$0x7A40] =	vst v0  }
0x42: {  	[tilespmem:s3+$0x7A50] =	vst v0  }
0x43: {  	[tilespmem:s3+$0x7A60] =	vst v0;
	s3 =	sshra.s32 s4, $0x2;
	s4 =	sadd.s32 $0x200, s4  }
0x44: {  	[tilespmem:s3+$0x7A70] =	vst v0  }
0x45: {  	[tilespmem:s3+$0x7A00] =	vst v0  }
0x46: {  	[tilespmem:s3+$0x7A10] =	vst v0  }
0x47: {  	[tilespmem:s3+$0x7A20] =	vst v0  }
0x48: {  	[tilespmem:s3+$0x7A30] =	vst v0  }
0x49: {  	[tilespmem:s3+$0x7A40] =	vst v0  }
0x4a: {  	[tilespmem:s3+$0x7A50] =	vst v0  }
0x4b: {  	[tilespmem:s3+$0x7A60] =	vst v0  }
0x4c: {  	[spmem:s24] =	stream.linear.scatter [tilespmem:s28], [sflag:$0x1], $0x2800, $0x38;
	[tilespmem:$0x1DA80] =	vst v63  }
0x4d: {  	_ =	swait.ge [sflag:s29], $0x2800  }
0x4e: {  	[sflag:s29] =	ssyncset.done $0x0  }
0x4f: {  	[sflag:s29] =	ssyncadd.s32 $0xFFFFD800  }
0x50: {  	[spmem:s25] =	stream.linear.scatter [tilespmem:s28], [sflag:$0x1], $0x2800, $0x38;
	[tilespmem:$0x1DA80] =	vst v63  }
0x51: {  	_ =	swait.ge [sflag:s29], $0x2800  }
0x52: {  	[sflag:s29] =	ssyncset.done $0x0  }
0x53: {  	s8 =	rddreg [dreg:$0x10];
	[sflag:s29] =	ssyncadd.s32 $0xFFFFD800  }
0x54: {  	[spmem:s8] =	stream.linear.scatter [tilespmem:s28], [sflag:$0x1], $0x2800, $0x38;
	[tilespmem:$0x1DA80] =	vst v63  }
0x55: {  	_ =	swait.ge [sflag:s29], $0x2800  }
0x56: {  	[sflag:s29] =	ssyncset.done $0x0  }
0x57: {  	s11 =	rddreg [dreg:$0x11];
	[sflag:s29] =	ssyncadd.s32 $0xFFFFD800  }
0x58: {  	[spmem:s11] =	stream.linear.scatter [tilespmem:s28], [sflag:$0x1], $0x2800, $0x38;
	[tilespmem:$0x1DA80] =	vst v63  }
0x59: {  	_ =	swait.ge [sflag:s29], $0x2800  }
0x5a: {  	[sflag:s29] =	ssyncset.done $0x0  }
0x5b: {  	s24 =	rddreg [dreg:$0x12];
	[sflag:s29] =	ssyncadd.s32 $0xFFFFD800  }
0x5c: {  	[spmem:s24] =	stream.linear.scatter [tilespmem:s28], [sflag:$0x1], $0x2800, $0x38;
	[tilespmem:$0x1DA80] =	vst v63  }
0x5d: {  	_ =	swait.ge [sflag:s29], $0x2800  }
0x5e: {  	[sflag:s29] =	ssyncset.done $0x0  }
0x5f: {  	s25 =	rddreg [dreg:$0x13];
	[sflag:s29] =	ssyncadd.s32 $0xFFFFD800  }
0x60: {  	[spmem:s25] =	stream.linear.scatter [tilespmem:s28], [sflag:$0x1], $0x2800, $0x38;
	[tilespmem:$0x1DA80] =	vst v63  }
0x61: {  	_ =	swait.ge [sflag:s29], $0x2800  }
0x62: {  	[sflag:s29] =	ssyncset.done $0x0  }
0x63: {  	[sflag:s29] =	ssyncadd.s32 $0xFFFFD800  }
0x64: {  	[spmem:s9] =	stream.linear.scatter [tilespmem:s28], [sflag:$0x1], $0x2800, $0x38;
	[tilespmem:$0x1DA80] =	vst v63  }
0x65: {  	_ =	swait.ge [sflag:s29], $0x2800  }
0x66: {  	[sflag:s29] =	ssyncset.done $0x0  }
0x67: {  	s3 =	simm.s32 @!p1 $0x7A00;
	s4 =	rddreg [dreg:$0x15];
	[sflag:s29] =	ssyncadd.s32 $0xFFFFD800  }
0x68: {  	[spmem:s4] =	stream.linear.scatter @!p1 [tilespmem:s3], [sflag:$0x1], $0x2800, $0x38;
	[tilespmem:$0x1DA80] =	vst v63  }
0x69: {  	s3 =	simm.s32 @!p1 $0x1  }
.Ltmp3:
0x6a: {  	_ =	swait.ge @!p1 [sflag:s3], $0x2800;
	(pc) =	sbr.rel @p0 .LBB2_9-.Ltmp3, $4  }
0x6b: {  	[sflag:s3] =	ssyncset.done @!p1 $0x0  }
0x6c: {  	[sflag:s3] =	ssyncadd.s32 @!p1 $0xFFFFD800  }
0x6d: {  	[bflag:$0x0] =	sbarrier.arrive $0xFFFF  }
0x6e: {  	s4 =	simm.s32 $0x0  }
0x6f: {  	s3 =	rddreg [dreg:$0x1];
	s6 =	simm.s32 $0x180  }
0x70: {  	[tilespmem:s6], [sflag:$0x1] =	stream.linear.gather [hbm4b:s3+s4], $0x80, $0x38;
	[tilespmem:$0x1DA80] =	vst v63  }
0x71: {  	_ =	swait.ge [sflag:s29], $0x80  }
0x72: {  	[sflag:s29] =	ssyncset.done $0x0  }
0x73: {  	s25 =	simm.s32 $0x0;
	[sflag:s29] =	ssyncadd.s32 $0xFFFFFF80  }
.LBB2_5:
0x74: {  	s3 =	smul.u32 $0x50, s25;
	_ =	sdelay $0x1  }
0x75: {  	s3 =	sadd.s32 s2, s3  }
0x76: {  	s6 =	rddreg [dreg:$0x6];
	s3 =	sshrl.u32 s3, $0x3  }
0x77: {  	s6 =	sadd.s32 s6, s3  }
0x78: {  	[tilespmem:s4], [sflag:$0x1] =	stream.linear.gather [hbm4b:s6+s4], $0x50, $0x38;
	[tilespmem:$0x1DA80] =	vst v63  }
0x79: {  	_ =	swait.ge [sflag:s29], $0x50  }
0x7a: {  	[sflag:s29] =	ssyncset.done $0x0;
	s9 =	rddreg [dreg:$0x7]  }
0x7b: {  	[sflag:s29] =	ssyncadd.s32 $0xFFFFFFB0;
	s6 =	sadd.s32 s9, s3  }
0x7c: {  	[tilespmem:s30], [sflag:$0x1] =	stream.linear.gather [hbm4b:s6+s4], $0x50, $0x38;
	[tilespmem:$0x1DA80] =	vst v63  }
0x7d: {  	_ =	swait.ge [sflag:s29], $0x50  }
0x7e: {  	[sflag:s29] =	ssyncset.done $0x0;
	s11 =	rddreg [dreg:$0x8]  }
0x7f: {  	[sflag:s29] =	ssyncadd.s32 $0xFFFFFFB0;
	s3 =	sadd.s32 s11, s3  }
0x80: {  	[tilespmem:s31], [sflag:$0x1] =	stream.linear.gather [hbm4b:s3+s4], $0x50, $0x38;
	[tilespmem:$0x1DA80] =	vst v63  }
0x81: {  	_ =	swait.ge [sflag:s29], $0x50  }
0x82: {  	[sflag:s29] =	ssyncset.done $0x0  }
0x83: {  	[sflag:s29] =	ssyncadd.s32 $0xFFFFFFB0  }
0x84: {  	v4 =	vld [tilespmem:$0x0];
	_ =	sdelay $0x4  }
0x85: {  	v5 =	vshll.u32 v4, $0x1  }
0x86: {  	v4 =	vand.u32 $0x7, v4;
	v5 =	vand.u32 $0xFFFFFFF0, v5  }
0x87: {  	v4 =	vor.u32 v4, v5  }
0x88: {  	v5 =	vperm.xlane v4, v1;
	_ =	sdelay $0x1  }
0x89: {  	v4 =	vperm.xlane v4, v3;
	v5 =	vadd.s32 v2, v5;
	_ =	sdelay $0x1  }
0x8a: {  	v4 =	vadd.s32 v2, v4;
	_ =	sdelay $0x2  }
0x8b: {  	[tilespmem:s0], [sflag:$0x1] =	stream.indirect_vreg.gather [hbm4b:s5+s4], $0x80, v5, vm0, $0xb8;
	[tilespmem:$0x1DA80] =	vst v63  }
0x8c: {  	_ = 	snop  }
0x8d: {  	[tilespmem:s13], [sflag:$0x1] =	stream.indirect_vreg.gather [hbm4b:s5+s4], $0x80, v4, vm0, $0xb8;
	[tilespmem:$0x1DA80] =	vst v63  }
0x8e: {  	v4 =	vld [tilespmem:$0x10];
	_ =	sdelay $0x4  }
0x8f: {  	v5 =	vshll.u32 v4, $0x1  }
0x90: {  	v4 =	vand.u32 $0x7, v4;
	v5 =	vand.u32 $0xFFFFFFF0, v5  }
0x91: {  	v4 =	vor.u32 v4, v5  }
0x92: {  	v5 =	vperm.xlane v4, v1;
	_ =	sdelay $0x1  }
0x93: {  	v4 =	vperm.xlane v4, v3;
	v5 =	vadd.s32 v2, v5;
	_ =	sdelay $0x1  }
0x94: {  	v4 =	vadd.s32 v2, v4;
	_ =	sdelay $0x2  }
0x95: {  	[tilespmem:s1], [sflag:$0x1] =	stream.indirect_vreg.gather [hbm4b:s5+s4], $0x80, v5, vm0, $0xb8;
	[tilespmem:$0x1DA80] =	vst v63  }
0x96: {  	_ = 	snop  }
0x97: {  	[tilespmem:s16], [sflag:$0x1] =	stream.indirect_vreg.gather [hbm4b:s5+s4], $0x80, v4, vm0, $0xb8;
	[tilespmem:$0x1DA80] =	vst v63  }
0x98: {  	v4 =	vld [tilespmem:$0x20];
	_ =	sdelay $0x4  }
0x99: {  	v5 =	vshll.u32 v4, $0x1  }
0x9a: {  	v4 =	vand.u32 $0x7, v4;
	v5 =	vand.u32 $0xFFFFFFF0, v5  }
0x9b: {  	v4 =	vor.u32 v4, v5  }
0x9c: {  	v5 =	vperm.xlane v4, v1;
	_ =	sdelay $0x1  }
0x9d: {  	v4 =	vperm.xlane v4, v3;
	v5 =	vadd.s32 v2, v5;
	_ =	sdelay $0x1  }
0x9e: {  	v4 =	vadd.s32 v2, v4;
	_ =	sdelay $0x2  }
0x9f: {  	[tilespmem:s17], [sflag:$0x1] =	stream.indirect_vreg.gather [hbm4b:s5+s4], $0x80, v5, vm0, $0xb8;
	[tilespmem:$0x1DA80] =	vst v63  }
0xa0: {  	_ = 	snop  }
0xa1: {  	[tilespmem:s18], [sflag:$0x1] =	stream.indirect_vreg.gather [hbm4b:s5+s4], $0x80, v4, vm0, $0xb8;
	[tilespmem:$0x1DA80] =	vst v63  }
0xa2: {  	v4 =	vld [tilespmem:$0x30];
	_ =	sdelay $0x4  }
0xa3: {  	v5 =	vshll.u32 v4, $0x1  }
0xa4: {  	v4 =	vand.u32 $0x7, v4;
	v5 =	vand.u32 $0xFFFFFFF0, v5  }
0xa5: {  	v4 =	vor.u32 v4, v5  }
0xa6: {  	v5 =	vperm.xlane v4, v1;
	_ =	sdelay $0x1  }
0xa7: {  	v4 =	vperm.xlane v4, v3;
	v5 =	vadd.s32 v2, v5;
	_ =	sdelay $0x1  }
0xa8: {  	v4 =	vadd.s32 v2, v4;
	_ =	sdelay $0x2  }
0xa9: {  	[tilespmem:s26], [sflag:$0x1] =	stream.indirect_vreg.gather [hbm4b:s5+s4], $0x80, v5, vm0, $0xb8;
	[tilespmem:$0x1DA80] =	vst v63  }
0xaa: {  	_ = 	snop  }
0xab: {  	[tilespmem:s19], [sflag:$0x1] =	stream.indirect_vreg.gather [hbm4b:s5+s4], $0x80, v4, vm0, $0xb8;
	[tilespmem:$0x1DA80] =	vst v63  }
0xac: {  	v4 =	vld [tilespmem:$0x40];
	_ =	sdelay $0x4  }
0xad: {  	v5 =	vshll.u32 v4, $0x1  }
0xae: {  	v4 =	vand.u32 $0x7, v4;
	v5 =	vand.u32 $0xFFFFFFF0, v5  }
0xaf: {  	v4 =	vor.u32 v4, v5  }
0xb0: {  	v5 =	vperm.xlane v4, v1;
	_ =	sdelay $0x1  }
0xb1: {  	v4 =	vperm.xlane v4, v3;
	v5 =	vadd.s32 v2, v5;
	_ =	sdelay $0x1  }
0xb2: {  	v4 =	vadd.s32 v2, v4;
	_ =	sdelay $0x2  }
0xb3: {  	[tilespmem:s20], [sflag:$0x1] =	stream.indirect_vreg.gather [hbm4b:s5+s4], $0x80, v5, vm0, $0xb8;
	[tilespmem:$0x1DA80] =	vst v63  }
0xb4: {  	_ = 	snop  }
0xb5: {  	[tilespmem:s21], [sflag:$0x1] =	stream.indirect_vreg.gather [hbm4b:s5+s4], $0x80, v4, vm0, $0xb8;
	[tilespmem:$0x1DA80] =	vst v63  }
0xb6: {  	_ =	swait.ge [sflag:s29], $0x5000  }
0xb7: {  	[sflag:s29] =	ssyncset.done $0x0  }
0xb8: {  	s24 =	rddreg [dreg:$0x5];
	[sflag:s29] =	ssyncadd.s32 $0xFFFFB000  }
0xb9: {  	[tilespmem:s23], [sflag:$0x1] =	stream.indirect.gather [hbm4b:s24+s22], $0x80, s30, s22, $0xb8;
	[tilespmem:$0x1DA80] =	vst v63  }
0xba: {  	s7 =	simm.s32 $0x0;
	_ =	swait.ge [sflag:s29], $0x2800  }
0xbb: {  	s8 =	simm.s32 $0x0;
	s6 =	simm.s32 $0x0;
	[sflag:s29] =	ssyncset.done $0x0  }
0xbc: {  	s3 =	simm.s32 $0x5240;
	s24 =	simm.s32 $0x7A40;
	[sflag:s29] =	ssyncadd.s32 $0xFFFFD800  }
.LBB2_6:
0xbd: {  	v4 =	vmov s8;
	_ =	sdelay $0x1  }
0xbe: {  	s9 =	sand.u32 $0x7800, s7;
	s11 =	sand.u32 $0x380, s6;
	v5 =	vld [tilespmem:s3+$0xFFFFFFC0]  }
0xbf: {  	v7 =	vld [tilespmem:$0x180];
	s9 =	sor.u32 s11, s9  }
0xc0: {  	v6 =	vld [tilespmem:s9+$0x200]  }
0xc1: {  	v4 =	vld.idx.msk [tilespmem:v4+s31+$0x0], $0xffff;
	_ =	sdelay $0x4  }
0xc2: {  	v5 =	vadd.f32 v6, v5;
	v36 =	vmul.f32 v7, v4;
	_ =	sdelay $0x1  }
0xc3: {  	v5 =	vadd.f32 v36, v5;
	_ =	sdelay $0x1  }
0xc4: {  	v5 =	vsub.f32 $0.0e+00, v5;
	_ =	sdelay $0x1  }
0xc5: {  	v5 =	vmul.f32 $1.442695020e+00, v5;
	_ =	sdelay $0x1  }
0xc6: {  	(erf) = vpow2.f32 v5;
	_ =	sdelay $0x8  }
0xc7: {  	v5 =	vpop (erf)  }
0xc8: {  	v5 =	vadd.f32 $1.000000000e+00, v5;
	_ =	sdelay $0x1  }
0xc9: {  	(erf) = vrcp.f32 v5;
	_ =	sdelay $0x4  }
0xca: {  	v5 =	vld [tilespmem:s9+$0x600];
	_ =	sdelay $0x3  }
0xcb: {  	v37 =	vpop (erf)  }
0xcc: {  	v5 =	vmul.f32 v37, v5;
	_ =	sdelay $0x1  }
0xcd: {  	[tilespmem:s24+$0xFFFFFFC0] =	vst v5  }
0xce: {  	v5 =	vld [tilespmem:s3+$0xFFFFFFD0]  }
0xcf: {  	v38 =	vld [tilespmem:s9+$0x210]  }
0xd0: {  	v39 =	vld [tilespmem:$0x190];
	_ =	sdelay $0x4  }
0xd1: {  	v5 =	vadd.f32 v38, v5;
	v40 =	vmul.f32 v39, v4;
	_ =	sdelay $0x1  }
0xd2: {  	v5 =	vadd.f32 v40, v5;
	_ =	sdelay $0x1  }
0xd3: {  	v5 =	vsub.f32 $0.0e+00, v5;
	_ =	sdelay $0x1  }
0xd4: {  	v5 =	vmul.f32 $1.442695020e+00, v5;
	_ =	sdelay $0x1  }
0xd5: {  	(erf) = vpow2.f32 v5;
	_ =	sdelay $0x8  }
0xd6: {  	v5 =	vpop (erf)  }
0xd7: {  	v5 =	vadd.f32 $1.000000000e+00, v5;
	_ =	sdelay $0x1  }
0xd8: {  	(erf) = vrcp.f32 v5;
	_ =	sdelay $0x4  }
0xd9: {  	v5 =	vld [tilespmem:s9+$0x610];
	_ =	sdelay $0x3  }
0xda: {  	v41 =	vpop (erf)  }
0xdb: {  	v5 =	vmul.f32 v41, v5;
	_ =	sdelay $0x1  }
0xdc: {  	[tilespmem:s24+$0xFFFFFFD0] =	vst v5  }
0xdd: {  	v5 =	vld [tilespmem:s3+$0xFFFFFFE0]  }
0xde: {  	v42 =	vld [tilespmem:s9+$0x220]  }
0xdf: {  	v43 =	vld [tilespmem:$0x1A0];
	_ =	sdelay $0x4  }
0xe0: {  	v5 =	vadd.f32 v42, v5;
	v44 =	vmul.f32 v43, v4;
	_ =	sdelay $0x1  }
0xe1: {  	v5 =	vadd.f32 v44, v5;
	_ =	sdelay $0x1  }
0xe2: {  	v5 =	vsub.f32 $0.0e+00, v5;
	_ =	sdelay $0x1  }
0xe3: {  	v5 =	vmul.f32 $1.442695020e+00, v5;
	_ =	sdelay $0x1  }
0xe4: {  	(erf) = vpow2.f32 v5;
	_ =	sdelay $0x8  }
0xe5: {  	v5 =	vpop (erf)  }
0xe6: {  	v5 =	vadd.f32 $1.000000000e+00, v5;
	_ =	sdelay $0x1  }
0xe7: {  	(erf) = vrcp.f32 v5;
	_ =	sdelay $0x4  }
0xe8: {  	v5 =	vld [tilespmem:s9+$0x620];
	_ =	sdelay $0x3  }
0xe9: {  	v45 =	vpop (erf)  }
0xea: {  	v5 =	vmul.f32 v45, v5;
	_ =	sdelay $0x1  }
0xeb: {  	[tilespmem:s24+$0xFFFFFFE0] =	vst v5  }
0xec: {  	v5 =	vld [tilespmem:s3+$0xFFFFFFF0]  }
0xed: {  	v46 =	vld [tilespmem:s9+$0x230]  }
0xee: {  	v47 =	vld [tilespmem:$0x1B0];
	_ =	sdelay $0x4  }
0xef: {  	v5 =	vadd.f32 v46, v5;
	v48 =	vmul.f32 v47, v4;
	_ =	sdelay $0x1  }
0xf0: {  	v5 =	vadd.f32 v48, v5;
	_ =	sdelay $0x1  }
0xf1: {  	v5 =	vsub.f32 $0.0e+00, v5;
	_ =	sdelay $0x1  }
0xf2: {  	v5 =	vmul.f32 $1.442695020e+00, v5;
	_ =	sdelay $0x1  }
0xf3: {  	(erf) = vpow2.f32 v5;
	_ =	sdelay $0x8  }
0xf4: {  	v5 =	vpop (erf)  }
0xf5: {  	v5 =	vadd.f32 $1.000000000e+00, v5;
	_ =	sdelay $0x1  }
0xf6: {  	(erf) = vrcp.f32 v5;
	_ =	sdelay $0x4  }
0xf7: {  	v5 =	vld [tilespmem:s9+$0x630];
	_ =	sdelay $0x3  }
0xf8: {  	v49 =	vpop (erf)  }
0xf9: {  	v5 =	vmul.f32 v49, v5;
	_ =	sdelay $0x1  }
0xfa: {  	[tilespmem:s24+$0xFFFFFFF0] =	vst v5  }
0xfb: {  	v5 =	vld [tilespmem:s3+$0x0]  }
0xfc: {  	v50 =	vld [tilespmem:s9+$0x240]  }
0xfd: {  	v51 =	vld [tilespmem:$0x1C0];
	_ =	sdelay $0x4  }
0xfe: {  	v5 =	vadd.f32 v50, v5;
	v52 =	vmul.f32 v51, v4;
	_ =	sdelay $0x1  }
0xff: {  	v5 =	vadd.f32 v52, v5;
	_ =	sdelay $0x1  }
0x100: {  	v5 =	vsub.f32 $0.0e+00, v5;
	_ =	sdelay $0x1  }
0x101: {  	v5 =	vmul.f32 $1.442695020e+00, v5;
	_ =	sdelay $0x1  }
0x102: {  	(erf) = vpow2.f32 v5;
	_ =	sdelay $0x8  }
0x103: {  	v5 =	vpop (erf)  }
0x104: {  	v5 =	vadd.f32 $1.000000000e+00, v5;
	_ =	sdelay $0x1  }
0x105: {  	(erf) = vrcp.f32 v5;
	_ =	sdelay $0x4  }
0x106: {  	v5 =	vld [tilespmem:s9+$0x640];
	_ =	sdelay $0x3  }
0x107: {  	v53 =	vpop (erf)  }
0x108: {  	v5 =	vmul.f32 v53, v5;
	_ =	sdelay $0x1  }
0x109: {  	[tilespmem:s24+$0x0] =	vst v5  }
0x10a: {  	v5 =	vld [tilespmem:s3+$0x10]  }
0x10b: {  	v54 =	vld [tilespmem:s9+$0x250]  }
0x10c: {  	v55 =	vld [tilespmem:$0x1D0];
	_ =	sdelay $0x4  }
0x10d: {  	v5 =	vadd.f32 v54, v5;
	v56 =	vmul.f32 v55, v4;
	_ =	sdelay $0x1  }
0x10e: {  	v5 =	vadd.f32 v56, v5;
	_ =	sdelay $0x1  }
0x10f: {  	v5 =	vsub.f32 $0.0e+00, v5;
	_ =	sdelay $0x1  }
0x110: {  	v5 =	vmul.f32 $1.442695020e+00, v5;
	_ =	sdelay $0x1  }
0x111: {  	(erf) = vpow2.f32 v5;
	_ =	sdelay $0x8  }
0x112: {  	v5 =	vpop (erf)  }
0x113: {  	v5 =	vadd.f32 $1.000000000e+00, v5;
	_ =	sdelay $0x1  }
0x114: {  	(erf) = vrcp.f32 v5;
	_ =	sdelay $0x4  }
0x115: {  	v5 =	vld [tilespmem:s9+$0x650];
	_ =	sdelay $0x3  }
0x116: {  	v57 =	vpop (erf)  }
0x117: {  	v5 =	vmul.f32 v57, v5;
	_ =	sdelay $0x1  }
0x118: {  	[tilespmem:s24+$0x10] =	vst v5  }
0x119: {  	v5 =	vld [tilespmem:s3+$0x20]  }
0x11a: {  	v58 =	vld [tilespmem:s9+$0x260]  }
0x11b: {  	v59 =	vld [tilespmem:$0x1E0];
	_ =	sdelay $0x4  }
0x11c: {  	v5 =	vadd.f32 v58, v5;
	v60 =	vmul.f32 v59, v4;
	_ =	sdelay $0x1  }
0x11d: {  	v5 =	vadd.f32 v60, v5;
	_ =	sdelay $0x1  }
0x11e: {  	v5 =	vsub.f32 $0.0e+00, v5;
	_ =	sdelay $0x1  }
0x11f: {  	v5 =	vmul.f32 $1.442695020e+00, v5;
	_ =	sdelay $0x1  }
0x120: {  	(erf) = vpow2.f32 v5;
	_ =	sdelay $0x8  }
0x121: {  	v5 =	vpop (erf)  }
0x122: {  	v5 =	vadd.f32 $1.000000000e+00, v5;
	_ =	sdelay $0x1  }
0x123: {  	(erf) = vrcp.f32 v5;
	_ =	sdelay $0x4  }
0x124: {  	v5 =	vld [tilespmem:s9+$0x660];
	_ =	sdelay $0x3  }
0x125: {  	v61 =	vpop (erf)  }
0x126: {  	v5 =	vmul.f32 v61, v5;
	_ =	sdelay $0x1  }
0x127: {  	[tilespmem:s24+$0x20] =	vst v5  }
0x128: {  	v5 =	vld [tilespmem:s3+$0x30]  }
0x129: {  	v62 =	vld [tilespmem:s9+$0x270]  }
0x12a: {  	v63 =	vld [tilespmem:$0x1F0];
	_ =	sdelay $0x4  }
0x12b: {  	v5 =	vadd.f32 v62, v5;
	v4 =	vmul.f32 v63, v4;
	_ =	sdelay $0x1  }
0x12c: {  	v4 =	vadd.f32 v4, v5;
	_ =	sdelay $0x1  }
0x12d: {  	v4 =	vsub.f32 $0.0e+00, v4;
	_ =	sdelay $0x1  }
0x12e: {  	v4 =	vmul.f32 $1.442695020e+00, v4;
	_ =	sdelay $0x1  }
0x12f: {  	(erf) = vpow2.f32 v4;
	_ =	sdelay $0x8  }
0x130: {  	v4 =	vpop (erf)  }
0x131: {  	v4 =	vadd.f32 $1.000000000e+00, v4;
	_ =	sdelay $0x1  }
0x132: {  	(erf) = vrcp.f32 v4;
	_ =	sdelay $0x4  }
0x133: {  	v4 =	vld [tilespmem:s9+$0x670];
	_ =	sdelay $0x1  }
0x134: {  	p3 =	sne.s32 s8, $0x4F  }
.Ltmp4:
0x135: {  	_ = 	snop;
	(pc) =	sbr.rel @p3 .LBB2_6-.Ltmp4, $4  }
0x136: {  	v5 =	vpop (erf)  }
0x137: {  	v4 =	vmul.f32 v5, v4  }
0x138: {  	s7 =	sadd.s32 $0x100, s7;
	s6 =	sadd.s32 $0x80, s6  }
0x139: {  	s8 =	sadd.s32 $0x1, s8;
	s3 =	sadd.s32 $0x80, s3;
	[tilespmem:s24+$0x30] =	vst v4;
	s24 =	sadd.s32 $0x80, s24  }
0x13a: {  	s25 =	sadd.s32 $0x1, s25  }
0x13b: {  	p3 =	seq.s32 s25, $0xFA  }
.Ltmp5:
0x13c: {  	_ = 	snop;
	(pc) =	sbr.rel @!p3 .LBB2_5-.Ltmp5, $4  }
0x13d: {  	[spmem:s12] =	stream.indirect.scatter.add.f32 [tilespmem:s28], [sflag:$0x1], $0x80, s30, s22, $0xb8;
	[tilespmem:$0x1DA80] =	vst v63  }
0x13e: {  	_ =	swait.ge [sflag:s29], $0x2800  }
0x13f: {  	[sflag:s29] =	ssyncset.done $0x0  }
0x140: {  	[sflag:s29] =	ssyncadd.s32 $0xFFFFD800  }
0x141: {  	[bflag:$0x0] =	sbarrier.arrive $0xFFFF  }
0x142: {  	s6 =	simm.s32 $0x2;
	s24 =	rddreg [dreg:$0xe]  }
0x143: {  	[tilespmem:s28], [sflag:$0x2] =	stream.linear.gather [spmem:s24], $0x2800, $0x38;
	[tilespmem:$0x1DA80] =	vst v63  }
0x144: {  	_ =	swait.ge [sflag:s6], $0x2800  }
0x145: {  	[sflag:s6] =	ssyncset.done $0x0  }
0x146: {  	s3 =	simm.s32 $0x0;
	s4 =	rddreg [dreg:$0x18];
	[sflag:s6] =	ssyncadd.s32 $0xFFFFD800  }
0x147: {  	[hbm4b:s4+s3] =	stream.linear.scatter [tilespmem:s28], [sflag:$0x1], $0x2800, $0x38;
	[tilespmem:$0x1DA80] =	vst v63  }
0x148: {  	_ =	swait.ge [sflag:s29], $0x2800  }
0x149: {  	[sflag:s29] =	ssyncset.done $0x0  }
0x14a: {  	s25 =	rddreg [dreg:$0xf];
	[sflag:s29] =	ssyncadd.s32 $0xFFFFD800  }
0x14b: {  	[tilespmem:s28], [sflag:$0x2] =	stream.linear.gather [spmem:s25], $0x2800, $0x38;
	[tilespmem:$0x1DA80] =	vst v63  }
0x14c: {  	_ =	swait.ge [sflag:s6], $0x2800  }
0x14d: {  	[sflag:s6] =	ssyncset.done $0x0  }
0x14e: {  	s9 =	rddreg [dreg:$0x1a];
	[sflag:s6] =	ssyncadd.s32 $0xFFFFD800  }
0x14f: {  	[hbm4b:s9+s3] =	stream.linear.scatter [tilespmem:s28], [sflag:$0x1], $0x2800, $0x38;
	[tilespmem:$0x1DA80] =	vst v63  }
0x150: {  	_ =	swait.ge [sflag:s29], $0x2800  }
0x151: {  	[sflag:s29] =	ssyncset.done $0x0  }
0x152: {  	s11 =	rddreg [dreg:$0x10];
	[sflag:s29] =	ssyncadd.s32 $0xFFFFD800  }
0x153: {  	[tilespmem:s28], [sflag:$0x2] =	stream.linear.gather [spmem:s11], $0x2800, $0x38;
	[tilespmem:$0x1DA80] =	vst v63  }
0x154: {  	_ =	swait.ge [sflag:s6], $0x2800  }
0x155: {  	[sflag:s6] =	ssyncset.done $0x0  }
0x156: {  	s7 =	rddreg [dreg:$0x1c];
	[sflag:s6] =	ssyncadd.s32 $0xFFFFD800  }
0x157: {  	[hbm4b:s7+s3] =	stream.linear.scatter [tilespmem:s28], [sflag:$0x1], $0x2800, $0x38;
	[tilespmem:$0x1DA80] =	vst v63  }
0x158: {  	_ =	swait.ge [sflag:s29], $0x2800  }
0x159: {  	[sflag:s29] =	ssyncset.done $0x0  }
0x15a: {  	s8 =	rddreg [dreg:$0x11];
	[sflag:s29] =	ssyncadd.s32 $0xFFFFD800  }
0x15b: {  	[tilespmem:s28], [sflag:$0x2] =	stream.linear.gather [spmem:s8], $0x2800, $0x38;
	[tilespmem:$0x1DA80] =	vst v63  }
0x15c: {  	_ =	swait.ge [sflag:s6], $0x2800  }
0x15d: {  	[sflag:s6] =	ssyncset.done $0x0  }
0x15e: {  	s9 =	rddreg [dreg:$0x1e];
	[sflag:s6] =	ssyncadd.s32 $0xFFFFD800  }
0x15f: {  	[hbm4b:s9+s3] =	stream.linear.scatter [tilespmem:s28], [sflag:$0x1], $0x2800, $0x38;
	[tilespmem:$0x1DA80] =	vst v63  }
0x160: {  	_ =	swait.ge [sflag:s29], $0x2800  }
0x161: {  	[sflag:s29] =	ssyncset.done $0x0  }
0x162: {  	s11 =	rddreg [dreg:$0x12];
	[sflag:s29] =	ssyncadd.s32 $0xFFFFD800  }
0x163: {  	[tilespmem:s28], [sflag:$0x2] =	stream.linear.gather [spmem:s11], $0x2800, $0x38;
	[tilespmem:$0x1DA80] =	vst v63  }
0x164: {  	_ =	swait.ge [sflag:s6], $0x2800  }
0x165: {  	s7 =	sld [smem:$0x7F9]  }
0x166: {  	[sflag:s6] =	ssyncset.done $0x0  }
0x167: {  	[sflag:s6] =	ssyncadd.s32 $0xFFFFD800  }
0x168: {  	[hbm4b:s7+s3] =	stream.linear.scatter [tilespmem:s28], [sflag:$0x1], $0x2800, $0x38;
	[tilespmem:$0x1DA80] =	vst v63  }
0x169: {  	_ =	swait.ge [sflag:s29], $0x2800  }
0x16a: {  	[sflag:s29] =	ssyncset.done $0x0  }
0x16b: {  	s8 =	rddreg [dreg:$0x13];
	[sflag:s29] =	ssyncadd.s32 $0xFFFFD800  }
0x16c: {  	[tilespmem:s28], [sflag:$0x2] =	stream.linear.gather [spmem:s8], $0x2800, $0x38;
	[tilespmem:$0x1DA80] =	vst v63  }
0x16d: {  	_ =	swait.ge [sflag:s6], $0x2800  }
0x16e: {  	s9 =	sld [smem:$0x7FB]  }
0x16f: {  	[sflag:s6] =	ssyncset.done $0x0  }
0x170: {  	[sflag:s6] =	ssyncadd.s32 $0xFFFFD800  }
0x171: {  	[hbm4b:s9+s3] =	stream.linear.scatter [tilespmem:s28], [sflag:$0x1], $0x2800, $0x38;
	[tilespmem:$0x1DA80] =	vst v63  }
0x172: {  	_ =	swait.ge [sflag:s29], $0x2800  }
0x173: {  	[sflag:s29] =	ssyncset.done $0x0  }
0x174: {  	s9 =	rddreg [dreg:$0x14];
	[sflag:s29] =	ssyncadd.s32 $0xFFFFD800  }
0x175: {  	[tilespmem:s28], [sflag:$0x2] =	stream.linear.gather [spmem:s9], $0x2800, $0x38;
	[tilespmem:$0x1DA80] =	vst v63  }
0x176: {  	_ =	swait.ge [sflag:s6], $0x2800  }
0x177: {  	s11 =	sld [smem:$0x7FD]  }
0x178: {  	[sflag:s6] =	ssyncset.done $0x0  }
0x179: {  	[sflag:s6] =	ssyncadd.s32 $0xFFFFD800  }
0x17a: {  	[hbm4b:s11+s3] =	stream.linear.scatter [tilespmem:s28], [sflag:$0x1], $0x2800, $0x38;
	[tilespmem:$0x1DA80] =	vst v63  }
.Ltmp6:
0x17b: {  	_ = 	snop;
	(pc) =	sbr.rel @p2 .LBB2_14-.Ltmp6, $4  }
.Ltmp7:
0x17c: {  	_ = 	snop;
	(pc) =	sbr.rel @!p2 .LBB2_15-.Ltmp7, $4  }
0x17d: {  	_ =	swait.ge [sflag:s29], $0x2800  }
0x17e: {  	[sflag:s29] =	ssyncset.done $0x0;
	s8 =	sld [smem:$0x7F8]  }
0x17f: {  	s4 =	simm.s32 $0x0;
	s3 =	rddreg [dreg:$0xb];
	[sflag:s29] =	ssyncadd.s32 $0xFFFFD800  }
0x180: {  	_ = 	snop  }
.LBB2_9:
0x181: {  	s3 =	rddreg [dreg:$0x2];
	s6 =	simm.s32 $0x180  }
0x182: {  	[tilespmem:s6], [sflag:$0x1] =	stream.linear.gather [hbm4b:s3+s4], $0x80, $0x38;
	[tilespmem:$0x1DA80] =	vst v63  }
0x183: {  	_ =	swait.ge [sflag:s29], $0x80  }
0x184: {  	[sflag:s29] =	ssyncset.done $0x0  }
0x185: {  	s25 =	simm.s32 $0x0;
	[sflag:s29] =	ssyncadd.s32 $0xFFFFFF80  }
.LBB2_10:
0x186: {  	s3 =	smul.u32 $0x50, s25;
	_ =	sdelay $0x1  }
0x187: {  	s3 =	sadd.s32 s2, s3  }
0x188: {  	s6 =	rddreg [dreg:$0xa];
	s3 =	sshrl.u32 s3, $0x3  }
0x189: {  	s6 =	sadd.s32 s6, s3  }
0x18a: {  	[tilespmem:s4], [sflag:$0x1] =	stream.linear.gather [hbm4b:s6+s4], $0x50, $0x38;
	[tilespmem:$0x1DA80] =	vst v63  }
0x18b: {  	_ =	swait.ge [sflag:s29], $0x50  }
0x18c: {  	[sflag:s29] =	ssyncset.done $0x0  }
0x18d: {  	s11 =	sadd.s32 s14, s3;
	[sflag:s29] =	ssyncadd.s32 $0xFFFFFFB0  }
0x18e: {  	[tilespmem:s30], [sflag:$0x1] =	stream.linear.gather [hbm4b:s11+s4], $0x50, $0x38;
	[tilespmem:$0x1DA80] =	vst v63  }
0x18f: {  	_ =	swait.ge [sflag:s29], $0x50  }
0x190: {  	[sflag:s29] =	ssyncset.done $0x0  }
0x191: {  	s3 =	sadd.s32 s15, s3;
	[sflag:s29] =	ssyncadd.s32 $0xFFFFFFB0  }
0x192: {  	[tilespmem:s31], [sflag:$0x1] =	stream.linear.gather [hbm4b:s3+s4], $0x50, $0x38;
	[tilespmem:$0x1DA80] =	vst v63  }
0x193: {  	_ =	swait.ge [sflag:s29], $0x50  }
0x194: {  	[sflag:s29] =	ssyncset.done $0x0  }
0x195: {  	[sflag:s29] =	ssyncadd.s32 $0xFFFFFFB0  }
0x196: {  	v4 =	vld [tilespmem:$0x0];
	_ =	sdelay $0x4  }
0x197: {  	v5 =	vshll.u32 v4, $0x1  }
0x198: {  	v4 =	vand.u32 $0x7, v4;
	v5 =	vand.u32 $0xFFFFFFF0, v5  }
0x199: {  	v4 =	vor.u32 v4, v5  }
0x19a: {  	v5 =	vperm.xlane v4, v1;
	_ =	sdelay $0x1  }
0x19b: {  	v4 =	vperm.xlane v4, v3;
	v5 =	vadd.s32 v2, v5;
	_ =	sdelay $0x1  }
0x19c: {  	v4 =	vadd.s32 v2, v4;
	_ =	sdelay $0x2  }
0x19d: {  	[tilespmem:s0], [sflag:$0x1] =	stream.indirect_vreg.gather [hbm4b:s10+s4], $0x80, v5, vm0, $0xb8;
	[tilespmem:$0x1DA80] =	vst v63  }
0x19e: {  	_ = 	snop  }
0x19f: {  	[tilespmem:s13], [sflag:$0x1] =	stream.indirect_vreg.gather [hbm4b:s10+s4], $0x80, v4, vm0, $0xb8;
	[tilespmem:$0x1DA80] =	vst v63  }
0x1a0: {  	v4 =	vld [tilespmem:$0x10];
	_ =	sdelay $0x4  }
0x1a1: {  	v5 =	vshll.u32 v4, $0x1  }
0x1a2: {  	v4 =	vand.u32 $0x7, v4;
	v5 =	vand.u32 $0xFFFFFFF0, v5  }
0x1a3: {  	v4 =	vor.u32 v4, v5  }
0x1a4: {  	v5 =	vperm.xlane v4, v1;
	_ =	sdelay $0x1  }
0x1a5: {  	v4 =	vperm.xlane v4, v3;
	v5 =	vadd.s32 v2, v5;
	_ =	sdelay $0x1  }
0x1a6: {  	v4 =	vadd.s32 v2, v4;
	_ =	sdelay $0x2  }
0x1a7: {  	[tilespmem:s1], [sflag:$0x1] =	stream.indirect_vreg.gather [hbm4b:s10+s4], $0x80, v5, vm0, $0xb8;
	[tilespmem:$0x1DA80] =	vst v63  }
0x1a8: {  	_ = 	snop  }
0x1a9: {  	[tilespmem:s16], [sflag:$0x1] =	stream.indirect_vreg.gather [hbm4b:s10+s4], $0x80, v4, vm0, $0xb8;
	[tilespmem:$0x1DA80] =	vst v63  }
0x1aa: {  	v4 =	vld [tilespmem:$0x20];
	_ =	sdelay $0x4  }
0x1ab: {  	v5 =	vshll.u32 v4, $0x1  }
0x1ac: {  	v4 =	vand.u32 $0x7, v4;
	v5 =	vand.u32 $0xFFFFFFF0, v5  }
0x1ad: {  	v4 =	vor.u32 v4, v5  }
0x1ae: {  	v5 =	vperm.xlane v4, v1;
	_ =	sdelay $0x1  }
0x1af: {  	v4 =	vperm.xlane v4, v3;
	v5 =	vadd.s32 v2, v5;
	_ =	sdelay $0x1  }
0x1b0: {  	v4 =	vadd.s32 v2, v4;
	_ =	sdelay $0x2  }
0x1b1: {  	[tilespmem:s17], [sflag:$0x1] =	stream.indirect_vreg.gather [hbm4b:s10+s4], $0x80, v5, vm0, $0xb8;
	[tilespmem:$0x1DA80] =	vst v63  }
0x1b2: {  	_ = 	snop  }
0x1b3: {  	[tilespmem:s18], [sflag:$0x1] =	stream.indirect_vreg.gather [hbm4b:s10+s4], $0x80, v4, vm0, $0xb8;
	[tilespmem:$0x1DA80] =	vst v63  }
0x1b4: {  	v4 =	vld [tilespmem:$0x30];
	_ =	sdelay $0x4  }
0x1b5: {  	v5 =	vshll.u32 v4, $0x1  }
0x1b6: {  	v4 =	vand.u32 $0x7, v4;
	v5 =	vand.u32 $0xFFFFFFF0, v5  }
0x1b7: {  	v4 =	vor.u32 v4, v5  }
0x1b8: {  	v5 =	vperm.xlane v4, v1;
	_ =	sdelay $0x1  }
0x1b9: {  	v4 =	vperm.xlane v4, v3;
	v5 =	vadd.s32 v2, v5;
	_ =	sdelay $0x1  }
0x1ba: {  	v4 =	vadd.s32 v2, v4;
	_ =	sdelay $0x2  }
0x1bb: {  	[tilespmem:s26], [sflag:$0x1] =	stream.indirect_vreg.gather [hbm4b:s10+s4], $0x80, v5, vm0, $0xb8;
	[tilespmem:$0x1DA80] =	vst v63  }
0x1bc: {  	_ = 	snop  }
0x1bd: {  	[tilespmem:s19], [sflag:$0x1] =	stream.indirect_vreg.gather [hbm4b:s10+s4], $0x80, v4, vm0, $0xb8;
	[tilespmem:$0x1DA80] =	vst v63  }
0x1be: {  	v4 =	vld [tilespmem:$0x40];
	_ =	sdelay $0x4  }
0x1bf: {  	v5 =	vshll.u32 v4, $0x1  }
0x1c0: {  	v4 =	vand.u32 $0x7, v4;
	v5 =	vand.u32 $0xFFFFFFF0, v5  }
0x1c1: {  	v4 =	vor.u32 v4, v5  }
0x1c2: {  	v5 =	vperm.xlane v4, v1;
	_ =	sdelay $0x1  }
0x1c3: {  	v4 =	vperm.xlane v4, v3;
	v5 =	vadd.s32 v2, v5;
	_ =	sdelay $0x1  }
0x1c4: {  	v4 =	vadd.s32 v2, v4;
	_ =	sdelay $0x2  }
0x1c5: {  	[tilespmem:s20], [sflag:$0x1] =	stream.indirect_vreg.gather [hbm4b:s10+s4], $0x80, v5, vm0, $0xb8;
	[tilespmem:$0x1DA80] =	vst v63  }
0x1c6: {  	_ = 	snop  }
0x1c7: {  	[tilespmem:s21], [sflag:$0x1] =	stream.indirect_vreg.gather [hbm4b:s10+s4], $0x80, v4, vm0, $0xb8;
	[tilespmem:$0x1DA80] =	vst v63  }
0x1c8: {  	_ =	swait.ge [sflag:s29], $0x5000  }
0x1c9: {  	[sflag:s29] =	ssyncset.done $0x0  }
0x1ca: {  	s24 =	rddreg [dreg:$0x9];
	[sflag:s29] =	ssyncadd.s32 $0xFFFFB000  }
0x1cb: {  	[tilespmem:s23], [sflag:$0x1] =	stream.indirect.gather [hbm4b:s24+s22], $0x80, s30, s22, $0xb8;
	[tilespmem:$0x1DA80] =	vst v63  }
0x1cc: {  	s7 =	simm.s32 $0x0;
	_ =	swait.ge [sflag:s29], $0x2800  }
0x1cd: {  	s8 =	simm.s32 $0x0;
	s6 =	simm.s32 $0x0;
	[sflag:s29] =	ssyncset.done $0x0  }
0x1ce: {  	s3 =	simm.s32 $0x5240;
	s24 =	simm.s32 $0x7A40;
	[sflag:s29] =	ssyncadd.s32 $0xFFFFD800  }
.LBB2_11:
0x1cf: {  	v4 =	vmov s8;
	_ =	sdelay $0x1  }
0x1d0: {  	s9 =	sand.u32 $0x7800, s7;
	s11 =	sand.u32 $0x380, s6;
	v5 =	vld [tilespmem:s3+$0xFFFFFFC0]  }
0x1d1: {  	v7 =	vld [tilespmem:$0x180];
	s9 =	sor.u32 s11, s9  }
0x1d2: {  	v6 =	vld [tilespmem:s9+$0x200]  }
0x1d3: {  	v4 =	vld.idx.msk [tilespmem:v4+s31+$0x0], $0xffff;
	_ =	sdelay $0x4  }
0x1d4: {  	v5 =	vadd.f32 v6, v5;
	v36 =	vmul.f32 v7, v4;
	_ =	sdelay $0x1  }
0x1d5: {  	v5 =	vadd.f32 v36, v5;
	_ =	sdelay $0x1  }
0x1d6: {  	v5 =	vsub.f32 $0.0e+00, v5;
	_ =	sdelay $0x1  }
0x1d7: {  	v5 =	vmul.f32 $1.442695020e+00, v5;
	_ =	sdelay $0x1  }
0x1d8: {  	(erf) = vpow2.f32 v5;
	_ =	sdelay $0x8  }
0x1d9: {  	v5 =	vpop (erf)  }
0x1da: {  	v5 =	vadd.f32 $1.000000000e+00, v5;
	_ =	sdelay $0x1  }
0x1db: {  	(erf) = vrcp.f32 v5;
	_ =	sdelay $0x4  }
0x1dc: {  	v5 =	vld [tilespmem:s9+$0x600];
	_ =	sdelay $0x3  }
0x1dd: {  	v37 =	vpop (erf)  }
0x1de: {  	v5 =	vmul.f32 v37, v5;
	_ =	sdelay $0x1  }
0x1df: {  	[tilespmem:s24+$0xFFFFFFC0] =	vst v5  }
0x1e0: {  	v5 =	vld [tilespmem:s3+$0xFFFFFFD0]  }
0x1e1: {  	v38 =	vld [tilespmem:s9+$0x210]  }
0x1e2: {  	v39 =	vld [tilespmem:$0x190];
	_ =	sdelay $0x4  }
0x1e3: {  	v5 =	vadd.f32 v38, v5;
	v40 =	vmul.f32 v39, v4;
	_ =	sdelay $0x1  }
0x1e4: {  	v5 =	vadd.f32 v40, v5;
	_ =	sdelay $0x1  }
0x1e5: {  	v5 =	vsub.f32 $0.0e+00, v5;
	_ =	sdelay $0x1  }
0x1e6: {  	v5 =	vmul.f32 $1.442695020e+00, v5;
	_ =	sdelay $0x1  }
0x1e7: {  	(erf) = vpow2.f32 v5;
	_ =	sdelay $0x8  }
0x1e8: {  	v5 =	vpop (erf)  }
0x1e9: {  	v5 =	vadd.f32 $1.000000000e+00, v5;
	_ =	sdelay $0x1  }
0x1ea: {  	(erf) = vrcp.f32 v5;
	_ =	sdelay $0x4  }
0x1eb: {  	v5 =	vld [tilespmem:s9+$0x610];
	_ =	sdelay $0x3  }
0x1ec: {  	v41 =	vpop (erf)  }
0x1ed: {  	v5 =	vmul.f32 v41, v5;
	_ =	sdelay $0x1  }
0x1ee: {  	[tilespmem:s24+$0xFFFFFFD0] =	vst v5  }
0x1ef: {  	v5 =	vld [tilespmem:s3+$0xFFFFFFE0]  }
0x1f0: {  	v42 =	vld [tilespmem:s9+$0x220]  }
0x1f1: {  	v43 =	vld [tilespmem:$0x1A0];
	_ =	sdelay $0x4  }
0x1f2: {  	v5 =	vadd.f32 v42, v5;
	v44 =	vmul.f32 v43, v4;
	_ =	sdelay $0x1  }
0x1f3: {  	v5 =	vadd.f32 v44, v5;
	_ =	sdelay $0x1  }
0x1f4: {  	v5 =	vsub.f32 $0.0e+00, v5;
	_ =	sdelay $0x1  }
0x1f5: {  	v5 =	vmul.f32 $1.442695020e+00, v5;
	_ =	sdelay $0x1  }
0x1f6: {  	(erf) = vpow2.f32 v5;
	_ =	sdelay $0x8  }
0x1f7: {  	v5 =	vpop (erf)  }
0x1f8: {  	v5 =	vadd.f32 $1.000000000e+00, v5;
	_ =	sdelay $0x1  }
0x1f9: {  	(erf) = vrcp.f32 v5;
	_ =	sdelay $0x4  }
0x1fa: {  	v5 =	vld [tilespmem:s9+$0x620];
	_ =	sdelay $0x3  }
0x1fb: {  	v45 =	vpop (erf)  }
0x1fc: {  	v5 =	vmul.f32 v45, v5;
	_ =	sdelay $0x1  }
0x1fd: {  	[tilespmem:s24+$0xFFFFFFE0] =	vst v5  }
0x1fe: {  	v5 =	vld [tilespmem:s3+$0xFFFFFFF0]  }
0x1ff: {  	v46 =	vld [tilespmem:s9+$0x230]  }
0x200: {  	v47 =	vld [tilespmem:$0x1B0];
	_ =	sdelay $0x4  }
0x201: {  	v5 =	vadd.f32 v46, v5;
	v48 =	vmul.f32 v47, v4;
	_ =	sdelay $0x1  }
0x202: {  	v5 =	vadd.f32 v48, v5;
	_ =	sdelay $0x1  }
0x203: {  	v5 =	vsub.f32 $0.0e+00, v5;
	_ =	sdelay $0x1  }
0x204: {  	v5 =	vmul.f32 $1.442695020e+00, v5;
	_ =	sdelay $0x1  }
0x205: {  	(erf) = vpow2.f32 v5;
	_ =	sdelay $0x8  }
0x206: {  	v5 =	vpop (erf)  }
0x207: {  	v5 =	vadd.f32 $1.000000000e+00, v5;
	_ =	sdelay $0x1  }
0x208: {  	(erf) = vrcp.f32 v5;
	_ =	sdelay $0x4  }
0x209: {  	v5 =	vld [tilespmem:s9+$0x630];
	_ =	sdelay $0x3  }
0x20a: {  	v49 =	vpop (erf)  }
0x20b: {  	v5 =	vmul.f32 v49, v5;
	_ =	sdelay $0x1  }
0x20c: {  	[tilespmem:s24+$0xFFFFFFF0] =	vst v5  }
0x20d: {  	v5 =	vld [tilespmem:s3+$0x0]  }
0x20e: {  	v50 =	vld [tilespmem:s9+$0x240]  }
0x20f: {  	v51 =	vld [tilespmem:$0x1C0];
	_ =	sdelay $0x4  }
0x210: {  	v5 =	vadd.f32 v50, v5;
	v52 =	vmul.f32 v51, v4;
	_ =	sdelay $0x1  }
0x211: {  	v5 =	vadd.f32 v52, v5;
	_ =	sdelay $0x1  }
0x212: {  	v5 =	vsub.f32 $0.0e+00, v5;
	_ =	sdelay $0x1  }
0x213: {  	v5 =	vmul.f32 $1.442695020e+00, v5;
	_ =	sdelay $0x1  }
0x214: {  	(erf) = vpow2.f32 v5;
	_ =	sdelay $0x8  }
0x215: {  	v5 =	vpop (erf)  }
0x216: {  	v5 =	vadd.f32 $1.000000000e+00, v5;
	_ =	sdelay $0x1  }
0x217: {  	(erf) = vrcp.f32 v5;
	_ =	sdelay $0x4  }
0x218: {  	v5 =	vld [tilespmem:s9+$0x640];
	_ =	sdelay $0x3  }
0x219: {  	v53 =	vpop (erf)  }
0x21a: {  	v5 =	vmul.f32 v53, v5;
	_ =	sdelay $0x1  }
0x21b: {  	[tilespmem:s24+$0x0] =	vst v5  }
0x21c: {  	v5 =	vld [tilespmem:s3+$0x10]  }
0x21d: {  	v54 =	vld [tilespmem:s9+$0x250]  }
0x21e: {  	v55 =	vld [tilespmem:$0x1D0];
	_ =	sdelay $0x4  }
0x21f: {  	v5 =	vadd.f32 v54, v5;
	v56 =	vmul.f32 v55, v4;
	_ =	sdelay $0x1  }
0x220: {  	v5 =	vadd.f32 v56, v5;
	_ =	sdelay $0x1  }
0x221: {  	v5 =	vsub.f32 $0.0e+00, v5;
	_ =	sdelay $0x1  }
0x222: {  	v5 =	vmul.f32 $1.442695020e+00, v5;
	_ =	sdelay $0x1  }
0x223: {  	(erf) = vpow2.f32 v5;
	_ =	sdelay $0x8  }
0x224: {  	v5 =	vpop (erf)  }
0x225: {  	v5 =	vadd.f32 $1.000000000e+00, v5;
	_ =	sdelay $0x1  }
0x226: {  	(erf) = vrcp.f32 v5;
	_ =	sdelay $0x4  }
0x227: {  	v5 =	vld [tilespmem:s9+$0x650];
	_ =	sdelay $0x3  }
0x228: {  	v57 =	vpop (erf)  }
0x229: {  	v5 =	vmul.f32 v57, v5;
	_ =	sdelay $0x1  }
0x22a: {  	[tilespmem:s24+$0x10] =	vst v5  }
0x22b: {  	v5 =	vld [tilespmem:s3+$0x20]  }
0x22c: {  	v58 =	vld [tilespmem:s9+$0x260]  }
0x22d: {  	v59 =	vld [tilespmem:$0x1E0];
	_ =	sdelay $0x4  }
0x22e: {  	v5 =	vadd.f32 v58, v5;
	v60 =	vmul.f32 v59, v4;
	_ =	sdelay $0x1  }
0x22f: {  	v5 =	vadd.f32 v60, v5;
	_ =	sdelay $0x1  }
0x230: {  	v5 =	vsub.f32 $0.0e+00, v5;
	_ =	sdelay $0x1  }
0x231: {  	v5 =	vmul.f32 $1.442695020e+00, v5;
	_ =	sdelay $0x1  }
0x232: {  	(erf) = vpow2.f32 v5;
	_ =	sdelay $0x8  }
0x233: {  	v5 =	vpop (erf)  }
0x234: {  	v5 =	vadd.f32 $1.000000000e+00, v5;
	_ =	sdelay $0x1  }
0x235: {  	(erf) = vrcp.f32 v5;
	_ =	sdelay $0x4  }
0x236: {  	v5 =	vld [tilespmem:s9+$0x660];
	_ =	sdelay $0x3  }
0x237: {  	v61 =	vpop (erf)  }
0x238: {  	v5 =	vmul.f32 v61, v5;
	_ =	sdelay $0x1  }
0x239: {  	[tilespmem:s24+$0x20] =	vst v5  }
0x23a: {  	v5 =	vld [tilespmem:s3+$0x30]  }
0x23b: {  	v62 =	vld [tilespmem:s9+$0x270]  }
0x23c: {  	v63 =	vld [tilespmem:$0x1F0];
	_ =	sdelay $0x4  }
0x23d: {  	v5 =	vadd.f32 v62, v5;
	v4 =	vmul.f32 v63, v4;
	_ =	sdelay $0x1  }
0x23e: {  	v4 =	vadd.f32 v4, v5;
	_ =	sdelay $0x1  }
0x23f: {  	v4 =	vsub.f32 $0.0e+00, v4;
	_ =	sdelay $0x1  }
0x240: {  	v4 =	vmul.f32 $1.442695020e+00, v4;
	_ =	sdelay $0x1  }
0x241: {  	(erf) = vpow2.f32 v4;
	_ =	sdelay $0x8  }
0x242: {  	v4 =	vpop (erf)  }
0x243: {  	v4 =	vadd.f32 $1.000000000e+00, v4;
	_ =	sdelay $0x1  }
0x244: {  	(erf) = vrcp.f32 v4;
	_ =	sdelay $0x4  }
0x245: {  	v4 =	vld [tilespmem:s9+$0x670];
	_ =	sdelay $0x1  }
0x246: {  	p3 =	sne.s32 s8, $0x4F  }
.Ltmp8:
0x247: {  	_ = 	snop;
	(pc) =	sbr.rel @p3 .LBB2_11-.Ltmp8, $4  }
0x248: {  	v5 =	vpop (erf)  }
0x249: {  	v4 =	vmul.f32 v5, v4  }
0x24a: {  	s7 =	sadd.s32 $0x100, s7;
	s6 =	sadd.s32 $0x80, s6  }
0x24b: {  	s8 =	sadd.s32 $0x1, s8;
	s3 =	sadd.s32 $0x80, s3;
	[tilespmem:s24+$0x30] =	vst v4;
	s24 =	sadd.s32 $0x80, s24  }
0x24c: {  	s25 =	sadd.s32 $0x1, s25  }
0x24d: {  	p3 =	seq.s32 s25, $0xFA  }
.Ltmp9:
0x24e: {  	_ = 	snop;
	(pc) =	sbr.rel @!p3 .LBB2_10-.Ltmp9, $4  }
0x24f: {  	[spmem:s12] =	stream.indirect.scatter.add.f32 [tilespmem:s28], [sflag:$0x1], $0x80, s30, s22, $0xb8;
	[tilespmem:$0x1DA80] =	vst v63  }
0x250: {  	_ =	swait.ge [sflag:s29], $0x2800  }
0x251: {  	[sflag:s29] =	ssyncset.done $0x0  }
0x252: {  	[sflag:s29] =	ssyncadd.s32 $0xFFFFD800  }
0x253: {  	[bflag:$0x0] =	sbarrier.arrive $0xFFFF  }
0x254: {  	s6 =	simm.s32 $0x2;
	s24 =	rddreg [dreg:$0xe]  }
0x255: {  	[tilespmem:s28], [sflag:$0x2] =	stream.linear.gather [spmem:s24], $0x2800, $0x38;
	[tilespmem:$0x1DA80] =	vst v63  }
0x256: {  	_ =	swait.ge [sflag:s6], $0x2800  }
0x257: {  	[sflag:s6] =	ssyncset.done $0x0  }
0x258: {  	s3 =	simm.s32 $0x0;
	s4 =	rddreg [dreg:$0x17];
	[sflag:s6] =	ssyncadd.s32 $0xFFFFD800  }
0x259: {  	[hbm4b:s4+s3] =	stream.linear.scatter [tilespmem:s28], [sflag:$0x1], $0x2800, $0x38;
	[tilespmem:$0x1DA80] =	vst v63  }
0x25a: {  	_ =	swait.ge [sflag:s29], $0x2800  }
0x25b: {  	[sflag:s29] =	ssyncset.done $0x0  }
0x25c: {  	s25 =	rddreg [dreg:$0xf];
	[sflag:s29] =	ssyncadd.s32 $0xFFFFD800  }
0x25d: {  	[tilespmem:s28], [sflag:$0x2] =	stream.linear.gather [spmem:s25], $0x2800, $0x38;
	[tilespmem:$0x1DA80] =	vst v63  }
0x25e: {  	_ =	swait.ge [sflag:s6], $0x2800  }
0x25f: {  	[sflag:s6] =	ssyncset.done $0x0  }
0x260: {  	s9 =	rddreg [dreg:$0x19];
	[sflag:s6] =	ssyncadd.s32 $0xFFFFD800  }
0x261: {  	[hbm4b:s9+s3] =	stream.linear.scatter [tilespmem:s28], [sflag:$0x1], $0x2800, $0x38;
	[tilespmem:$0x1DA80] =	vst v63  }
0x262: {  	_ =	swait.ge [sflag:s29], $0x2800  }
0x263: {  	[sflag:s29] =	ssyncset.done $0x0  }
0x264: {  	s11 =	rddreg [dreg:$0x10];
	[sflag:s29] =	ssyncadd.s32 $0xFFFFD800  }
0x265: {  	[tilespmem:s28], [sflag:$0x2] =	stream.linear.gather [spmem:s11], $0x2800, $0x38;
	[tilespmem:$0x1DA80] =	vst v63  }
0x266: {  	_ =	swait.ge [sflag:s6], $0x2800  }
0x267: {  	[sflag:s6] =	ssyncset.done $0x0  }
0x268: {  	s7 =	rddreg [dreg:$0x1b];
	[sflag:s6] =	ssyncadd.s32 $0xFFFFD800  }
0x269: {  	[hbm4b:s7+s3] =	stream.linear.scatter [tilespmem:s28], [sflag:$0x1], $0x2800, $0x38;
	[tilespmem:$0x1DA80] =	vst v63  }
0x26a: {  	_ =	swait.ge [sflag:s29], $0x2800  }
0x26b: {  	[sflag:s29] =	ssyncset.done $0x0  }
0x26c: {  	s8 =	rddreg [dreg:$0x11];
	[sflag:s29] =	ssyncadd.s32 $0xFFFFD800  }
0x26d: {  	[tilespmem:s28], [sflag:$0x2] =	stream.linear.gather [spmem:s8], $0x2800, $0x38;
	[tilespmem:$0x1DA80] =	vst v63  }
0x26e: {  	_ =	swait.ge [sflag:s6], $0x2800  }
0x26f: {  	[sflag:s6] =	ssyncset.done $0x0  }
0x270: {  	s9 =	rddreg [dreg:$0x1d];
	[sflag:s6] =	ssyncadd.s32 $0xFFFFD800  }
0x271: {  	[hbm4b:s9+s3] =	stream.linear.scatter [tilespmem:s28], [sflag:$0x1], $0x2800, $0x38;
	[tilespmem:$0x1DA80] =	vst v63  }
0x272: {  	_ =	swait.ge [sflag:s29], $0x2800  }
0x273: {  	[sflag:s29] =	ssyncset.done $0x0  }
0x274: {  	s11 =	rddreg [dreg:$0x12];
	[sflag:s29] =	ssyncadd.s32 $0xFFFFD800  }
0x275: {  	[tilespmem:s28], [sflag:$0x2] =	stream.linear.gather [spmem:s11], $0x2800, $0x38;
	[tilespmem:$0x1DA80] =	vst v63  }
0x276: {  	_ =	swait.ge [sflag:s6], $0x2800  }
0x277: {  	[sflag:s6] =	ssyncset.done $0x0  }
0x278: {  	s7 =	rddreg [dreg:$0x1f];
	[sflag:s6] =	ssyncadd.s32 $0xFFFFD800  }
0x279: {  	[hbm4b:s7+s3] =	stream.linear.scatter [tilespmem:s28], [sflag:$0x1], $0x2800, $0x38;
	[tilespmem:$0x1DA80] =	vst v63  }
0x27a: {  	_ =	swait.ge [sflag:s29], $0x2800  }
0x27b: {  	[sflag:s29] =	ssyncset.done $0x0  }
0x27c: {  	s8 =	rddreg [dreg:$0x13];
	[sflag:s29] =	ssyncadd.s32 $0xFFFFD800  }
0x27d: {  	[tilespmem:s28], [sflag:$0x2] =	stream.linear.gather [spmem:s8], $0x2800, $0x38;
	[tilespmem:$0x1DA80] =	vst v63  }
0x27e: {  	_ =	swait.ge [sflag:s6], $0x2800  }
0x27f: {  	s9 =	sld [smem:$0x7FA]  }
0x280: {  	[sflag:s6] =	ssyncset.done $0x0  }
0x281: {  	[sflag:s6] =	ssyncadd.s32 $0xFFFFD800  }
0x282: {  	[hbm4b:s9+s3] =	stream.linear.scatter [tilespmem:s28], [sflag:$0x1], $0x2800, $0x38;
	[tilespmem:$0x1DA80] =	vst v63  }
0x283: {  	_ =	swait.ge [sflag:s29], $0x2800  }
0x284: {  	[sflag:s29] =	ssyncset.done $0x0  }
0x285: {  	s9 =	rddreg [dreg:$0x14];
	[sflag:s29] =	ssyncadd.s32 $0xFFFFD800  }
0x286: {  	[tilespmem:s28], [sflag:$0x2] =	stream.linear.gather [spmem:s9], $0x2800, $0x38;
	[tilespmem:$0x1DA80] =	vst v63  }
0x287: {  	_ =	swait.ge [sflag:s6], $0x2800  }
0x288: {  	s11 =	sld [smem:$0x7FC]  }
0x289: {  	[sflag:s6] =	ssyncset.done $0x0  }
0x28a: {  	[sflag:s6] =	ssyncadd.s32 $0xFFFFD800  }
0x28b: {  	[hbm4b:s11+s3] =	stream.linear.scatter [tilespmem:s28], [sflag:$0x1], $0x2800, $0x38;
	[tilespmem:$0x1DA80] =	vst v63  }
.Ltmp10:
0x28c: {  	_ = 	snop;
	(pc) =	sbr.rel @p1 .LBB2_15-.Ltmp10, $4  }
.Ltmp11:
0x28d: {  	_ = 	snop;
	(pc) =	sbr.rel @!p1 .LBB2_14-.Ltmp11, $4  }
0x28e: {  	_ =	swait.ge [sflag:s29], $0x2800  }
0x28f: {  	[sflag:s29] =	ssyncset.done $0x0;
	s8 =	sld [smem:$0x7F8]  }
0x290: {  	s4 =	simm.s32 $0x0;
	s3 =	rddreg [dreg:$0xc];
	[sflag:s29] =	ssyncadd.s32 $0xFFFFD800  }
0x291: {  	_ = 	snop  }
.LBB2_16:
0x292: {  	_ =	sfence.sel $0x180000  }
0x293: {  	[bflag:$0x0] =	sbarrier.arrive $0xFFFF  }
0x294: {  	_ =	strace $0x90000047  }
0x295: {  	s0 =	stileid.u32;
	[bflag:$0x2] =	sbarrier.arrive $0xFFFF  }
0x296: {  	p0 =	sne.s32 s0, $0x0;
	s0 =	rddreg [dreg:$0x4]  }
0x297: {  	s0 =	sadd.s32 @!p0 $0x100000, s0  }
0x298: {  	[sflag:s0] =	ssyncadd.tile.s32 @!p0 $0x1;
	_ =	shalt  }
.Lfunc_end2:
_tile_overlayer_lowered:
.L_overlay_start_2:
0x299: {  	(tag) =	ssettag $0x2  }
0x29a: {  	s0 =	rddreg [dreg:$0x0];
	s2 =	stileid.u32  }
0x29b: {  	s1 =	rddreg [dreg:$0x1];
	p0 =	sne.s32 s2, $0x0  }
0x29c: {  	s3 =	rddreg [dreg:$0x2];
	[bflag:$0x3] =	sbarrier.arrive $0xFFFF;
	s2 =	simm.s32 @!p0 $0x1C01  }
0x29d: {  	[timem:s3], [sflag:s2] =	dma.local @!p0 [hbm:s0], s1  }
0x29e: {  	s0 =	simm.s32 @!p0 $0x1  }
0x29f: {  	_ =	swait.ge @!p0 [sflag:s0], s1  }
0x2a0: {  	s1 =	ssub.s32 @!p0 $0x0, s1;
	[sflag:s0] =	ssyncset.done @!p0 $0x0  }
0x2a1: {  	[sflag:s0] =	ssyncadd.s32 @!p0 s1  }
0x2a2: {  	[bflag:$0x3] =	sbarrier.arrive $0xFFFF  }
0x2a3: {  	_ =	shalt  }

</sc_bundles>
